<compile_context>
chip_gen: v7x
topology: tpu7x:2x2x1
jax: 0.10.2.dev20260603
libtpu: 0.0.44.dev20260713+nightly
codegen_flags: <defaults>
</compile_context>

<pallas_src>
import dataclasses
import functools

import jax
import jax.numpy as jnp
from jax import lax
from jax.experimental import pallas as pl
from jax.experimental.pallas import tpu as pltpu
from jax.experimental.pallas import tpu_sc as plsc

N = 10000
E = 320000
IN_C = 128
HID = 256
OUT_C = 128

NC = 2
NS = 16
NW = NC * NS

NPAD = 10240
RB = NPAD // 128
RPS = NPAD // NS
CHUNK = 128
CPW = 80
EPW = CPW * CHUNK
EPS = 2 * EPW
EPAD = NW * EPW
ECH = EPAD // CHUNK
DUMMY = N

_MESH = plsc.VectorSubcoreMesh(core_axis_name="c", subcore_axis_name="s")

_SC_PARAMS = pltpu.CompilerParams()
if "needs_layout_passes" in pltpu.CompilerParams.__dataclass_fields__:
    _SC_PARAMS = dataclasses.replace(_SC_PARAMS, needs_layout_passes=False)



@functools.partial(
    pl.kernel,
    out_type=jax.ShapeDtypeStruct((NW, NPAD), jnp.float32),
    mesh=_MESH,
    scratch_types=[
        pltpu.VMEM((CPW, 2, CHUNK), jnp.int32),
        pltpu.VMEM((NPAD,), jnp.float32),
    ],
    compiler_params=_SC_PARAMS,
)
def _sc_degree(idx_hbm, out_hbm, didx, hist):
    w = lax.axis_index("s") * NC + lax.axis_index("c")
    pltpu.sync_copy(idx_hbm.at[pl.ds(w * CPW, CPW)], didx)
    zero = jnp.zeros((16,), jnp.float32)

    @pl.loop(0, NPAD, step=16)
    def _(i):
        hist[pl.ds(i, 16)] = zero

    one = jnp.ones((16,), jnp.float32)

    @pl.loop(0, CPW)
    def _(j):
        @pl.loop(0, CHUNK, step=16)
        def _(k):
            idx = didx[j, 1, pl.ds(k, 16)]
            plsc.addupdate_scatter(hist, [idx], one)

    pltpu.sync_copy(hist, out_hbm.at[w])


def _make_agg(feature_split: bool):
    nch = (EPS if feature_split else EPW) // CHUNK

    @functools.partial(
        pl.kernel,
        out_type=jax.ShapeDtypeStruct((NC, NPAD, 128), jnp.float32),
        mesh=_MESH,
        scratch_types=(
            [pltpu.VMEM_SHARED((NPAD, 128), jnp.float32)]
            + [pltpu.VMEM((2, CHUNK), jnp.int32) for _ in range(2)]
            + [pltpu.VMEM((CHUNK, 128), jnp.float32) for _ in range(2)]
            + [pltpu.SemaphoreType.DMA for _ in range(6)]
        ),
    )
    def agg(tab_in, idx_hbm, zeros_hbm, out_hbm, *scratch):
        acc = scratch[0]
        idxb = scratch[1:3]
        rows = scratch[3:5]
        si = scratch[5:7]
        sg = scratch[7:9]
        ss = scratch[9:11]
        c = lax.axis_index("c")
        s = lax.axis_index("s")

        if feature_split:
            ch0 = s * nch
            tab_hbm = tab_in.at[c]
        else:
            ch0 = (s * NC + c) * nch
            tab_hbm = tab_in

        fidx = lambda i, b: pltpu.async_copy(
            idx_hbm.at[ch0 + i], idxb[b], si[b])
        wait_i = lambda i, b: pltpu.make_async_copy(
            idx_hbm.at[ch0 + i], idxb[b], si[b]).wait()
        gather = lambda i, b: pltpu.async_copy(
            tab_hbm.at[idxb[b].at[0]], rows[b], sg[b])
        wait_g = lambda i, b: pltpu.make_async_copy(
            tab_hbm.at[idxb[b].at[0]], rows[b], sg[b]).wait()
        scat = lambda i, b: pltpu.async_copy(
            rows[b], acc.at[idxb[b].at[1]], ss[b], add=True)
        wait_s = lambda i, b: pltpu.make_async_copy(
            rows[b], acc.at[idxb[b].at[1]], ss[b]).wait()

        fidx(0, 0)
        fidx(1, 1)
        pltpu.sync_copy(zeros_hbm, acc.at[pl.ds(s * RPS, RPS)])
        wait_i(0, 0)
        gather(0, 0)
        plsc.subcore_barrier()

        @pl.loop(0, nch - 2, step=2)
        def _(i0):
            for b in range(2):
                i = i0 + b
                wait_g(i, b)
                scat(i, b)
                wait_i(i + 1, 1 - b)
                gather(i + 1, 1 - b)
                wait_s(i, b)
                fidx(i + 2, b)

        i = nch - 2
        wait_g(i, 0)
        scat(i, 0)
        wait_i(i + 1, 1)
        gather(i + 1, 1)
        wait_s(i, 0)
        wait_g(i + 1, 1)
        scat(i + 1, 1)
        wait_s(i + 1, 1)

        plsc.subcore_barrier()
        pltpu.sync_copy(acc.at[pl.ds(s * RPS, RPS)],
                        out_hbm.at[c, pl.ds(s * RPS, RPS)])

    return agg


_sc_agg_edge = _make_agg(feature_split=False)
_sc_agg_feat = _make_agg(feature_split=True)



RBLK = 2048
NRB = NPAD // RBLK

_MM = lambda a, b: lax.dot_general(
    a, b, (((1,), (1,)), ((), ())), preferred_element_type=jnp.float32)


def _tc_dinv(hist):
    def body(h_ref, o_ref):
        deg = jnp.sum(h_ref[...], axis=0) + 1.0
        o_ref[...] = lax.rsqrt(deg)[None, :]

    return pl.pallas_call(
        body,
        out_shape=jax.ShapeDtypeStruct((1, NPAD), jnp.float32),
    )(hist)


def _tc_scale(x, dinv2):
    cdim = x.shape[1]
    blk = N // 5

    def body(x_ref, d_ref, o_ref):
        o_ref[...] = x_ref[...] * d_ref[...]

    return pl.pallas_call(
        body,
        grid=(5,),
        in_specs=[pl.BlockSpec((blk, cdim), lambda i: (i, 0)),
                  pl.BlockSpec((blk, 1), lambda i: (i, 0))],
        out_specs=pl.BlockSpec((blk, cdim), lambda i: (i, 0)),
        out_shape=jax.ShapeDtypeStruct((NPAD, cdim), jnp.float32),
    )(x, dinv2[:N])


def _tc_layer0(s0, g0, dinv2, w0, b0, w1):
    def body(s_ref, g_ref, d_ref, w0_ref, b0_ref, w1_ref, o_ref):
        d = d_ref[...]
        u0 = d * (s_ref[0] + s_ref[1] + g_ref[...])
        x1 = jnp.maximum(_MM(u0, w0_ref[...]) + b0_ref[...], 0.0)
        g1 = d * _MM(x1, w1_ref[...])
        o_ref[0] = g1[:, :128]
        o_ref[1] = g1[:, 128:]

    return pl.pallas_call(
        body,
        grid=(NRB,),
        in_specs=[pl.BlockSpec((NC, RBLK, 128), lambda i: (0, i, 0)),
                  pl.BlockSpec((RBLK, IN_C), lambda i: (i, 0)),
                  pl.BlockSpec((RBLK, 1), lambda i: (i, 0)),
                  pl.BlockSpec((HID, IN_C), lambda i: (0, 0)),
                  pl.BlockSpec((1, HID), lambda i: (0, 0)),
                  pl.BlockSpec((HID, HID), lambda i: (0, 0))],
        out_specs=pl.BlockSpec((NC, RBLK, 128), lambda i: (0, i, 0)),
        out_shape=jax.ShapeDtypeStruct((NC, NPAD, 128), jnp.float32),
    )(s0, g0, dinv2, w0, b0, w1)


def _tc_mid(s, g, dinv2, b, w, split_out: bool):
    kout = w.shape[0]

    def body(s_ref, g_ref, d_ref, b_ref, w_ref, o_ref):
        d = d_ref[...]
        ua = d * (s_ref[0] + g_ref[0])
        ub = d * (s_ref[1] + g_ref[1])
        x = jnp.maximum(jnp.concatenate([ua, ub], axis=1) + b_ref[...], 0.0)
        gn = d * _MM(x, w_ref[...])
        if split_out:
            o_ref[0] = gn[:, :128]
            o_ref[1] = gn[:, 128:]
        else:
            o_ref[...] = gn

    if split_out:
        out_spec = pl.BlockSpec((NC, RBLK, 128), lambda i: (0, i, 0))
        out_shape = jax.ShapeDtypeStruct((NC, NPAD, 128), jnp.float32)
    else:
        out_spec = pl.BlockSpec((RBLK, kout), lambda i: (i, 0))
        out_shape = jax.ShapeDtypeStruct((NPAD, kout), jnp.float32)

    return pl.pallas_call(
        body,
        grid=(NRB,),
        in_specs=[pl.BlockSpec((NC, RBLK, 128), lambda i: (0, i, 0)),
                  pl.BlockSpec((NC, RBLK, 128), lambda i: (0, i, 0)),
                  pl.BlockSpec((RBLK, 1), lambda i: (i, 0)),
                  pl.BlockSpec((1, HID), lambda i: (0, 0)),
                  pl.BlockSpec((kout, HID), lambda i: (0, 0))],
        out_specs=out_spec,
        out_shape=out_shape,
    )(s, g, dinv2, b, w)


def _tc_final(s3, g3, dinv2, b3):
    def body(s_ref, g_ref, d_ref, b_ref, o_ref):
        o_ref[...] = (d_ref[...] * (s_ref[0] + s_ref[1] + g_ref[...])
                      + b_ref[...])

    return pl.pallas_call(
        body,
        grid=(NRB,),
        in_specs=[pl.BlockSpec((NC, RBLK, 128), lambda i: (0, i, 0)),
                  pl.BlockSpec((RBLK, OUT_C), lambda i: (i, 0)),
                  pl.BlockSpec((RBLK, 1), lambda i: (i, 0)),
                  pl.BlockSpec((1, OUT_C), lambda i: (0, 0))],
        out_specs=pl.BlockSpec((RBLK, OUT_C), lambda i: (i, 0)),
        out_shape=jax.ShapeDtypeStruct((NPAD, OUT_C), jnp.float32),
    )(s3, g3, dinv2, b3)



def kernel(x, edge_index, W0, b0, W1, b1, W2, b2, W3, b3):
    pad = (DUMMY + jnp.arange(EPAD - E, dtype=jnp.int32) % (NPAD - N))
    pad2 = jnp.broadcast_to(pad.reshape(1, -1, CHUNK),
                            (2, (EPAD - E) // CHUNK, CHUNK))
    idx_all = jnp.concatenate(
        [edge_index.reshape(2, E // CHUNK, CHUNK), pad2], axis=1)
    idxe = jnp.swapaxes(idx_all, 0, 1)
    zeros = jnp.zeros((RPS, 128), jnp.float32)

    hist = _sc_degree(idxe)
    dinv2 = _tc_dinv(hist).reshape(NPAD, 1)

    g0 = _tc_scale(x, dinv2)
    s0 = _sc_agg_edge(g0, idxe, zeros)
    g1 = _tc_layer0(s0, g0, dinv2, W0, b0.reshape(1, HID), W1)
    s1 = _sc_agg_feat(g1, idxe, zeros)
    g2 = _tc_mid(s1, g1, dinv2, b1.reshape(1, HID), W2, split_out=True)
    s2 = _sc_agg_feat(g2, idxe, zeros)
    g3 = _tc_mid(s2, g2, dinv2, b2.reshape(1, HID), W3, split_out=False)
    s3 = _sc_agg_edge(g3, idxe, zeros)
    out = _tc_final(s3, g3, dinv2, b3.reshape(1, OUT_C))
    return out[:N]

# --- scband reference (transcript-rebuilt; emitter-appended) ---
"""Pipeline reference for scband-vanilla-gcn-13984413515944 (READ-ONLY COPY).

The authoritative reference and input builder live on the scoring server;
editing this copy changes nothing except your own understanding.
"""

import jax, jax.numpy as jnp
import numpy as np

N = 10000
E = 320000
IN_C = 128
HID = 256
OUT_C = 128


def setup_inputs(seed: int = 0) -> dict:
    key = jax.random.key(seed)
    ks = jax.random.split(key, 12)
    x = jax.random.normal(ks[0], (N, IN_C), dtype=jnp.float32)
    edge_index = jax.random.randint(ks[1], (2, E), 0, N, dtype=jnp.int32)
    dims = [(HID, IN_C), (HID, HID), (HID, HID), (OUT_C, HID)]
    inp = {"x": x, "edge_index": edge_index}
    for i, (o, c) in enumerate(dims):
        inp[f"W{i}"] = jax.random.normal(ks[2 + 2 * i], (o, c), dtype=jnp.float32) * (1.0 / np.sqrt(c))
        inp[f"b{i}"] = jax.random.normal(ks[3 + 2 * i], (o,), dtype=jnp.float32) * 0.01
    return inp


def _gcn_conv(x, src, dst, norm, W, b):
    # GCNConv: linear transform, normalized message passing (scatter-add at dst), then bias
    h = x @ W.T
    msg = h[src] * norm[:, None]
    out = jax.ops.segment_sum(msg, dst, num_segments=N)
    return out + b


def reference(x, edge_index, W0, b0, W1, b1, W2, b2, W3, b3):
    # Add self-loops (as in PyG GCNConv with add_self_loops=True)
    loop = jnp.arange(N, dtype=edge_index.dtype)
    src = jnp.concatenate([edge_index[0], loop])
    dst = jnp.concatenate([edge_index[1], loop])
    # Symmetric normalization D^{-1/2} A_hat D^{-1/2}; degree computed at dst
    deg = jax.ops.segment_sum(jnp.ones_like(dst, dtype=jnp.float32), dst, num_segments=N)
    dinv = jnp.where(deg > 0, deg ** -0.5, 0.0)
    norm = dinv[src] * dinv[dst]
    h = _gcn_conv(x, src, dst, norm, W0, b0)
    h = jax.nn.relu(h)
    h = _gcn_conv(h, src, dst, norm, W1, b1)
    h = jax.nn.relu(h)
    h = _gcn_conv(h, src, dst, norm, W2, b2)
    h = jax.nn.relu(h)
    h = _gcn_conv(h, src, dst, norm, W3, b3)
    return h

if __name__ == "__main__":
    import jax
    _d = setup_inputs()
    print(jax.jit(kernel)(*tuple(_d.values())))

</pallas_src>

<mosaic_0001>
#map = affine_map<(d0, d1) -> (0, 0, 0)>
#map1 = affine_map<(d0, d1) -> (0, 0)>
module attributes {stable_mosaic.version = 14 : i64} {
  func.func @agg(%arg0: i32, %arg1: i32, %arg2: memref<2x10240x128xf32, #tpu.memory_space<hbm>>, %arg3: memref<2560x2x128xi32, #tpu.memory_space<hbm>>, %arg4: memref<640x128xf32, #tpu.memory_space<hbm>>, %arg5: memref<2x10240x128xf32, #tpu.memory_space<hbm>>, %arg6: memref<10240x128xf32, #tpu.memory_space<vmem_shared>>, %arg7: memref<2x128xi32, #tpu.memory_space<vmem>>, %arg8: memref<2x128xi32, #tpu.memory_space<vmem>>, %arg9: memref<128x128xf32, #tpu.memory_space<vmem>>, %arg10: memref<128x128xf32, #tpu.memory_space<vmem>>, %arg11: memref<!tpu.dma_semaphore, #tpu.memory_space<semaphore_mem>>, %arg12: memref<!tpu.dma_semaphore, #tpu.memory_space<semaphore_mem>>, %arg13: memref<!tpu.dma_semaphore, #tpu.memory_space<semaphore_mem>>, %arg14: memref<!tpu.dma_semaphore, #tpu.memory_space<semaphore_mem>>, %arg15: memref<!tpu.dma_semaphore, #tpu.memory_space<semaphore_mem>>, %arg16: memref<!tpu.dma_semaphore, #tpu.memory_space<semaphore_mem>>) attributes {dimension_semantics = [#tpu.dimension_semantics<core_parallel>, #tpu.dimension_semantics<subcore_parallel>], iteration_bounds = array<i64: 2, 16>, scalar_prefetch = 0 : i64, scratch_operands = 11 : i64, tpu.core_type = #tpu.core_type<sc_vector_subcore>, window_params = [{transform_indices = #map}, {transform_indices = #map}, {transform_indices = #map1}, {transform_indices = #map}]} {
    %mul3A = arith.constant 160 : i32
    %mul3A_0 = arith.muli %arg1, %mul3A : i32
    %add3A = arith.constant 0 : i32
    %add3A_1 = arith.addi %mul3A_0, %add3A : i32
    %dma_start3A = arith.constant 0 : i32
    %dma_start3A_2 = arith.constant 0 : i32
    %dma_start3A_3 = tpu.memref_slice %arg3[%add3A_1, %dma_start3A, %dma_start3A_2] : memref<2560x2x128xi32, #tpu.memory_space<hbm>> -> memref<1x2x128xi32, #tpu.memory_space<hbm>>
    %dma_start3A_4 = tpu.memref_squeeze %dma_start3A_3 : memref<1x2x128xi32, #tpu.memory_space<hbm>> -> memref<2x128xi32, #tpu.memory_space<hbm>>
    %dma_start3A_5 = arith.constant 0 : i32
    %dma_start3A_6 = arith.constant 0 : i32
    %dma_start3A_7 = tpu.memref_slice %arg3[%add3A_1, %dma_start3A_5, %dma_start3A_6] : memref<2560x2x128xi32, #tpu.memory_space<hbm>> -> memref<1x2x128xi32, #tpu.memory_space<hbm>>
    %dma_start3A_8 = tpu.memref_squeeze %dma_start3A_7 : memref<1x2x128xi32, #tpu.memory_space<hbm>> -> memref<2x128xi32, #tpu.memory_space<hbm>>
    tpu.enqueue_dma source(%dma_start3A_8 : memref<2x128xi32, #tpu.memory_space<hbm>>) target(%arg7 : memref<2x128xi32, #tpu.memory_space<vmem>>) target_semaphore(%arg11 : memref<!tpu.dma_semaphore, #tpu.memory_space<semaphore_mem>>)
    %add3A_9 = arith.constant 1 : i32
    %add3A_10 = arith.addi %mul3A_0, %add3A_9 : i32
    %dma_start3A_11 = arith.constant 0 : i32
    %dma_start3A_12 = arith.constant 0 : i32
    %dma_start3A_13 = tpu.memref_slice %arg3[%add3A_10, %dma_start3A_11, %dma_start3A_12] : memref<2560x2x128xi32, #tpu.memory_space<hbm>> -> memref<1x2x128xi32, #tpu.memory_space<hbm>>
    %dma_start3A_14 = tpu.memref_squeeze %dma_start3A_13 : memref<1x2x128xi32, #tpu.memory_space<hbm>> -> memref<2x128xi32, #tpu.memory_space<hbm>>
    %dma_start3A_15 = arith.constant 0 : i32
    %dma_start3A_16 = arith.constant 0 : i32
    %dma_start3A_17 = tpu.memref_slice %arg3[%add3A_10, %dma_start3A_15, %dma_start3A_16] : memref<2560x2x128xi32, #tpu.memory_space<hbm>> -> memref<1x2x128xi32, #tpu.memory_space<hbm>>
    %dma_start3A_18 = tpu.memref_squeeze %dma_start3A_17 : memref<1x2x128xi32, #tpu.memory_space<hbm>> -> memref<2x128xi32, #tpu.memory_space<hbm>>
    tpu.enqueue_dma source(%dma_start3A_18 : memref<2x128xi32, #tpu.memory_space<hbm>>) target(%arg8 : memref<2x128xi32, #tpu.memory_space<vmem>>) target_semaphore(%arg12 : memref<!tpu.dma_semaphore, #tpu.memory_space<semaphore_mem>>)
    %mul3A_19 = arith.constant 640 : i32
    %mul3A_20 = arith.muli %arg1, %mul3A_19 : i32
    "tpu.region"() ({
      %run_scoped3A = tpu.sem_alloc : memref<!tpu.dma_semaphore, #tpu.memory_space<semaphore_mem>>
      %dma_start3A_121 = arith.constant 0 : i32
      %dma_start3A_122 = tpu.memref_slice %arg6[%mul3A_20, %dma_start3A_121] : memref<10240x128xf32, #tpu.memory_space<vmem_shared>> -> memref<640x128xf32, #tpu.memory_space<vmem_shared>>
      tpu.enqueue_dma source(%arg4 : memref<640x128xf32, #tpu.memory_space<hbm>>) target(%dma_start3A_122 : memref<640x128xf32, #tpu.memory_space<vmem_shared>>) target_semaphore(%run_scoped3A : memref<!tpu.dma_semaphore, #tpu.memory_space<semaphore_mem>>)
      %dma_wait3A_123 = arith.constant 0 : i32
      %dma_wait3A_124 = tpu.memref_slice %arg6[%mul3A_20, %dma_wait3A_123] : memref<10240x128xf32, #tpu.memory_space<vmem_shared>> -> memref<640x128xf32, #tpu.memory_space<vmem_shared>>
      tpu.wait_dma2 semaphore(%run_scoped3A : memref<!tpu.dma_semaphore, #tpu.memory_space<semaphore_mem>>) src(%arg4 : memref<640x128xf32, #tpu.memory_space<hbm>>) dst(%dma_wait3A_124 : memref<640x128xf32, #tpu.memory_space<vmem_shared>>)
      tpu.yield
    }) : () -> ()
    %add3A_21 = arith.constant 0 : i32
    %add3A_22 = arith.addi %mul3A_0, %add3A_21 : i32
    %dma_wait3A = arith.constant 0 : i32
    %dma_wait3A_23 = arith.constant 0 : i32
    %dma_wait3A_24 = tpu.memref_slice %arg3[%add3A_22, %dma_wait3A, %dma_wait3A_23] : memref<2560x2x128xi32, #tpu.memory_space<hbm>> -> memref<1x2x128xi32, #tpu.memory_space<hbm>>
    %dma_wait3A_25 = tpu.memref_squeeze %dma_wait3A_24 : memref<1x2x128xi32, #tpu.memory_space<hbm>> -> memref<2x128xi32, #tpu.memory_space<hbm>>
    %dma_wait3A_26 = arith.constant 0 : i32
    %dma_wait3A_27 = arith.constant 0 : i32
    %dma_wait3A_28 = tpu.memref_slice %arg3[%add3A_22, %dma_wait3A_26, %dma_wait3A_27] : memref<2560x2x128xi32, #tpu.memory_space<hbm>> -> memref<1x2x128xi32, #tpu.memory_space<hbm>>
    %dma_wait3A_29 = tpu.memref_squeeze %dma_wait3A_28 : memref<1x2x128xi32, #tpu.memory_space<hbm>> -> memref<2x128xi32, #tpu.memory_space<hbm>>
    tpu.wait_dma2 semaphore(%arg11 : memref<!tpu.dma_semaphore, #tpu.memory_space<semaphore_mem>>) src(%dma_wait3A_29 : memref<2x128xi32, #tpu.memory_space<hbm>>) dst(%arg7 : memref<2x128xi32, #tpu.memory_space<vmem>>)
    %dma_start3A_30 = arith.constant 0 : i32
    %dma_start3A_31 = arith.constant 0 : i32
    %dma_start3A_32 = tpu.memref_slice %arg7[%dma_start3A_30, %dma_start3A_31] : memref<2x128xi32, #tpu.memory_space<vmem>> -> memref<1x128xi32, #tpu.memory_space<vmem>>
    %dma_start3A_33 = tpu.memref_squeeze %dma_start3A_32 : memref<1x128xi32, #tpu.memory_space<vmem>> -> memref<128xi32, #tpu.memory_space<vmem>>
    %dma_start3A_34 = arith.constant 0 : i32
    %dma_start3A_35 = arith.constant 0 : i32
    %dma_start3A_36 = tpu.memref_slice %arg2[%arg0, %dma_start3A_34, %dma_start3A_35] : memref<2x10240x128xf32, #tpu.memory_space<hbm>> -> memref<1x10240x128xf32, #tpu.memory_space<hbm>>
    %dma_start3A_37 = tpu.memref_squeeze %dma_start3A_36 : memref<1x10240x128xf32, #tpu.memory_space<hbm>> -> memref<10240x128xf32, #tpu.memory_space<hbm>>
    %dma_start3A_38 = arith.constant 0 : i32
    %dma_start3A_39 = arith.constant 0 : i32
    %dma_start3A_40 = tpu.memref_slice %dma_start3A_37[%dma_start3A_38, %dma_start3A_39] : memref<10240x128xf32, #tpu.memory_space<hbm>> -> memref<10240x128xf32, #tpu.memory_space<hbm>>
    tpu.enqueue_indirect_dma source(%dma_start3A_40 : memref<10240x128xf32, #tpu.memory_space<hbm>>) target(%arg9 : memref<128x128xf32, #tpu.memory_space<vmem>>) offsets(%dma_start3A_33 : memref<128xi32, #tpu.memory_space<vmem>>) semaphore(%arg13 : memref<!tpu.dma_semaphore, #tpu.memory_space<semaphore_mem>>)
    %barrier3A = arith.constant 0 : index
    tpu.barrier barrier_id(%barrier3A)
    %scan3A = arith.constant 0 : i32
    %scan3A_41 = arith.constant 79 : i32
    %scan3A_42 = arith.addi %scan3A, %scan3A_41 : i32
    %scan3A_43 = arith.constant 1 : i32
    scf.for %scan3A_121 = %scan3A to %scan3A_42 step %scan3A_43  : i32 {
      %mul3A_122 = arith.constant 2 : i32
      %mul3A_123 = arith.muli %scan3A_121, %mul3A_122 : i32
      %add3A_124 = arith.constant 0 : i32
      %add3A_125 = arith.addi %add3A_124, %mul3A_123 : i32
      %add3A_126 = arith.constant 0 : i32
      %add3A_127 = arith.addi %add3A_125, %add3A_126 : i32
      %dma_wait3A_128 = arith.constant 0 : i32
      %dma_wait3A_129 = arith.constant 0 : i32
      %dma_wait3A_130 = tpu.memref_slice %arg7[%dma_wait3A_128, %dma_wait3A_129] : memref<2x128xi32, #tpu.memory_space<vmem>> -> memref<1x128xi32, #tpu.memory_space<vmem>>
      %dma_wait3A_131 = tpu.memref_squeeze %dma_wait3A_130 : memref<1x128xi32, #tpu.memory_space<vmem>> -> memref<128xi32, #tpu.memory_space<vmem>>
      %dma_wait3A_132 = arith.constant 0 : i32
      %dma_wait3A_133 = arith.constant 0 : i32
      %dma_wait3A_134 = tpu.memref_slice %arg2[%arg0, %dma_wait3A_132, %dma_wait3A_133] : memref<2x10240x128xf32, #tpu.memory_space<hbm>> -> memref<1x10240x128xf32, #tpu.memory_space<hbm>>
      %dma_wait3A_135 = tpu.memref_squeeze %dma_wait3A_134 : memref<1x10240x128xf32, #tpu.memory_space<hbm>> -> memref<10240x128xf32, #tpu.memory_space<hbm>>
      %dma_wait3A_136 = arith.constant 0 : i32
      %dma_wait3A_137 = arith.constant 0 : i32
      %dma_wait3A_138 = tpu.memref_slice %dma_wait3A_135[%dma_wait3A_136, %dma_wait3A_137] : memref<10240x128xf32, #tpu.memory_space<hbm>> -> memref<10240x128xf32, #tpu.memory_space<hbm>>
      tpu.wait_indirect_dma semaphore(%arg13 : memref<!tpu.dma_semaphore, #tpu.memory_space<semaphore_mem>>) src(%dma_wait3A_138 : memref<10240x128xf32, #tpu.memory_space<hbm>>) dst(%arg9 : memref<128x128xf32, #tpu.memory_space<vmem>>)
      %dma_start3A_139 = arith.constant 1 : i32
      %dma_start3A_140 = arith.constant 0 : i32
      %dma_start3A_141 = tpu.memref_slice %arg7[%dma_start3A_139, %dma_start3A_140] : memref<2x128xi32, #tpu.memory_space<vmem>> -> memref<1x128xi32, #tpu.memory_space<vmem>>
      %dma_start3A_142 = tpu.memref_squeeze %dma_start3A_141 : memref<1x128xi32, #tpu.memory_space<vmem>> -> memref<128xi32, #tpu.memory_space<vmem>>
      %dma_start3A_143 = arith.constant 0 : i32
      %dma_start3A_144 = arith.constant 0 : i32
      %dma_start3A_145 = tpu.memref_slice %arg6[%dma_start3A_143, %dma_start3A_144] : memref<10240x128xf32, #tpu.memory_space<vmem_shared>> -> memref<10240x128xf32, #tpu.memory_space<vmem_shared>>
      tpu.enqueue_indirect_dma source(%arg9 : memref<128x128xf32, #tpu.memory_space<vmem>>) target(%dma_start3A_145 : memref<10240x128xf32, #tpu.memory_space<vmem_shared>>) offsets(%dma_start3A_142 : memref<128xi32, #tpu.memory_space<vmem>>) semaphore(%arg15 : memref<!tpu.dma_semaphore, #tpu.memory_space<semaphore_mem>>) {add = true}
      %add3A_146 = arith.constant 1 : i32
      %add3A_147 = arith.addi %add3A_127, %add3A_146 : i32
      %add3A_148 = arith.addi %mul3A_0, %add3A_147 : i32
      %dma_wait3A_149 = arith.constant 0 : i32
      %dma_wait3A_150 = arith.constant 0 : i32
      %dma_wait3A_151 = tpu.memref_slice %arg3[%add3A_148, %dma_wait3A_149, %dma_wait3A_150] : memref<2560x2x128xi32, #tpu.memory_space<hbm>> -> memref<1x2x128xi32, #tpu.memory_space<hbm>>
      %dma_wait3A_152 = tpu.memref_squeeze %dma_wait3A_151 : memref<1x2x128xi32, #tpu.memory_space<hbm>> -> memref<2x128xi32, #tpu.memory_space<hbm>>
      %dma_wait3A_153 = arith.constant 0 : i32
      %dma_wait3A_154 = arith.constant 0 : i32
      %dma_wait3A_155 = tpu.memref_slice %arg3[%add3A_148, %dma_wait3A_153, %dma_wait3A_154] : memref<2560x2x128xi32, #tpu.memory_space<hbm>> -> memref<1x2x128xi32, #tpu.memory_space<hbm>>
      %dma_wait3A_156 = tpu.memref_squeeze %dma_wait3A_155 : memref<1x2x128xi32, #tpu.memory_space<hbm>> -> memref<2x128xi32, #tpu.memory_space<hbm>>
      tpu.wait_dma2 semaphore(%arg12 : memref<!tpu.dma_semaphore, #tpu.memory_space<semaphore_mem>>) src(%dma_wait3A_156 : memref<2x128xi32, #tpu.memory_space<hbm>>) dst(%arg8 : memref<2x128xi32, #tpu.memory_space<vmem>>)
      %add3A_157 = arith.constant 1 : i32
      %add3A_158 = arith.addi %add3A_127, %add3A_157 : i32
      %dma_start3A_159 = arith.constant 0 : i32
      %dma_start3A_160 = arith.constant 0 : i32
      %dma_start3A_161 = tpu.memref_slice %arg8[%dma_start3A_159, %dma_start3A_160] : memref<2x128xi32, #tpu.memory_space<vmem>> -> memref<1x128xi32, #tpu.memory_space<vmem>>
      %dma_start3A_162 = tpu.memref_squeeze %dma_start3A_161 : memref<1x128xi32, #tpu.memory_space<vmem>> -> memref<128xi32, #tpu.memory_space<vmem>>
      %dma_start3A_163 = arith.constant 0 : i32
      %dma_start3A_164 = arith.constant 0 : i32
      %dma_start3A_165 = tpu.memref_slice %arg2[%arg0, %dma_start3A_163, %dma_start3A_164] : memref<2x10240x128xf32, #tpu.memory_space<hbm>> -> memref<1x10240x128xf32, #tpu.memory_space<hbm>>
      %dma_start3A_166 = tpu.memref_squeeze %dma_start3A_165 : memref<1x10240x128xf32, #tpu.memory_space<hbm>> -> memref<10240x128xf32, #tpu.memory_space<hbm>>
      %dma_start3A_167 = arith.constant 0 : i32
      %dma_start3A_168 = arith.constant 0 : i32
      %dma_start3A_169 = tpu.memref_slice %dma_start3A_166[%dma_start3A_167, %dma_start3A_168] : memref<10240x128xf32, #tpu.memory_space<hbm>> -> memref<10240x128xf32, #tpu.memory_space<hbm>>
      tpu.enqueue_indirect_dma source(%dma_start3A_169 : memref<10240x128xf32, #tpu.memory_space<hbm>>) target(%arg10 : memref<128x128xf32, #tpu.memory_space<vmem>>) offsets(%dma_start3A_162 : memref<128xi32, #tpu.memory_space<vmem>>) semaphore(%arg14 : memref<!tpu.dma_semaphore, #tpu.memory_space<semaphore_mem>>)
      %dma_wait3A_170 = arith.constant 1 : i32
      %dma_wait3A_171 = arith.constant 0 : i32
      %dma_wait3A_172 = tpu.memref_slice %arg7[%dma_wait3A_170, %dma_wait3A_171] : memref<2x128xi32, #tpu.memory_space<vmem>> -> memref<1x128xi32, #tpu.memory_space<vmem>>
      %dma_wait3A_173 = tpu.memref_squeeze %dma_wait3A_172 : memref<1x128xi32, #tpu.memory_space<vmem>> -> memref<128xi32, #tpu.memory_space<vmem>>
      %dma_wait3A_174 = arith.constant 0 : i32
      %dma_wait3A_175 = arith.constant 0 : i32
      %dma_wait3A_176 = tpu.memref_slice %arg6[%dma_wait3A_174, %dma_wait3A_175] : memref<10240x128xf32, #tpu.memory_space<vmem_shared>> -> memref<10240x128xf32, #tpu.memory_space<vmem_shared>>
      tpu.wait_indirect_dma semaphore(%arg15 : memref<!tpu.dma_semaphore, #tpu.memory_space<semaphore_mem>>) src(%arg9 : memref<128x128xf32, #tpu.memory_space<vmem>>) dst(%dma_wait3A_176 : memref<10240x128xf32, #tpu.memory_space<vmem_shared>>)
      %add3A_177 = arith.constant 2 : i32
      %add3A_178 = arith.addi %add3A_127, %add3A_177 : i32
      %add3A_179 = arith.addi %mul3A_0, %add3A_178 : i32
      %dma_start3A_180 = arith.constant 0 : i32
      %dma_start3A_181 = arith.constant 0 : i32
      %dma_start3A_182 = tpu.memref_slice %arg3[%add3A_179, %dma_start3A_180, %dma_start3A_181] : memref<2560x2x128xi32, #tpu.memory_space<hbm>> -> memref<1x2x128xi32, #tpu.memory_space<hbm>>
      %dma_start3A_183 = tpu.memref_squeeze %dma_start3A_182 : memref<1x2x128xi32, #tpu.memory_space<hbm>> -> memref<2x128xi32, #tpu.memory_space<hbm>>
      %dma_start3A_184 = arith.constant 0 : i32
      %dma_start3A_185 = arith.constant 0 : i32
      %dma_start3A_186 = tpu.memref_slice %arg3[%add3A_179, %dma_start3A_184, %dma_start3A_185] : memref<2560x2x128xi32, #tpu.memory_space<hbm>> -> memref<1x2x128xi32, #tpu.memory_space<hbm>>
      %dma_start3A_187 = tpu.memref_squeeze %dma_start3A_186 : memref<1x2x128xi32, #tpu.memory_space<hbm>> -> memref<2x128xi32, #tpu.memory_space<hbm>>
      tpu.enqueue_dma source(%dma_start3A_187 : memref<2x128xi32, #tpu.memory_space<hbm>>) target(%arg7 : memref<2x128xi32, #tpu.memory_space<vmem>>) target_semaphore(%arg11 : memref<!tpu.dma_semaphore, #tpu.memory_space<semaphore_mem>>)
      %add3A_188 = arith.constant 1 : i32
      %add3A_189 = arith.addi %add3A_125, %add3A_188 : i32
      %dma_wait3A_190 = arith.constant 0 : i32
      %dma_wait3A_191 = arith.constant 0 : i32
      %dma_wait3A_192 = tpu.memref_slice %arg8[%dma_wait3A_190, %dma_wait3A_191] : memref<2x128xi32, #tpu.memory_space<vmem>> -> memref<1x128xi32, #tpu.memory_space<vmem>>
      %dma_wait3A_193 = tpu.memref_squeeze %dma_wait3A_192 : memref<1x128xi32, #tpu.memory_space<vmem>> -> memref<128xi32, #tpu.memory_space<vmem>>
      %dma_wait3A_194 = arith.constant 0 : i32
      %dma_wait3A_195 = arith.constant 0 : i32
      %dma_wait3A_196 = tpu.memref_slice %arg2[%arg0, %dma_wait3A_194, %dma_wait3A_195] : memref<2x10240x128xf32, #tpu.memory_space<hbm>> -> memref<1x10240x128xf32, #tpu.memory_space<hbm>>
      %dma_wait3A_197 = tpu.memref_squeeze %dma_wait3A_196 : memref<1x10240x128xf32, #tpu.memory_space<hbm>> -> memref<10240x128xf32, #tpu.memory_space<hbm>>
      %dma_wait3A_198 = arith.constant 0 : i32
      %dma_wait3A_199 = arith.constant 0 : i32
      %dma_wait3A_200 = tpu.memref_slice %dma_wait3A_197[%dma_wait3A_198, %dma_wait3A_199] : memref<10240x128xf32, #tpu.memory_space<hbm>> -> memref<10240x128xf32, #tpu.memory_space<hbm>>
      tpu.wait_indirect_dma semaphore(%arg14 : memref<!tpu.dma_semaphore, #tpu.memory_space<semaphore_mem>>) src(%dma_wait3A_200 : memref<10240x128xf32, #tpu.memory_space<hbm>>) dst(%arg10 : memref<128x128xf32, #tpu.memory_space<vmem>>)
      %dma_start3A_201 = arith.constant 1 : i32
      %dma_start3A_202 = arith.constant 0 : i32
      %dma_start3A_203 = tpu.memref_slice %arg8[%dma_start3A_201, %dma_start3A_202] : memref<2x128xi32, #tpu.memory_space<vmem>> -> memref<1x128xi32, #tpu.memory_space<vmem>>
      %dma_start3A_204 = tpu.memref_squeeze %dma_start3A_203 : memref<1x128xi32, #tpu.memory_space<vmem>> -> memref<128xi32, #tpu.memory_space<vmem>>
      %dma_start3A_205 = arith.constant 0 : i32
      %dma_start3A_206 = arith.constant 0 : i32
      %dma_start3A_207 = tpu.memref_slice %arg6[%dma_start3A_205, %dma_start3A_206] : memref<10240x128xf32, #tpu.memory_space<vmem_shared>> -> memref<10240x128xf32, #tpu.memory_space<vmem_shared>>
      tpu.enqueue_indirect_dma source(%arg10 : memref<128x128xf32, #tpu.memory_space<vmem>>) target(%dma_start3A_207 : memref<10240x128xf32, #tpu.memory_space<vmem_shared>>) offsets(%dma_start3A_204 : memref<128xi32, #tpu.memory_space<vmem>>) semaphore(%arg16 : memref<!tpu.dma_semaphore, #tpu.memory_space<semaphore_mem>>) {add = true}
      %add3A_208 = arith.constant 1 : i32
      %add3A_209 = arith.addi %add3A_189, %add3A_208 : i32
      %add3A_210 = arith.addi %mul3A_0, %add3A_209 : i32
      %dma_wait3A_211 = arith.constant 0 : i32
      %dma_wait3A_212 = arith.constant 0 : i32
      %dma_wait3A_213 = tpu.memref_slice %arg3[%add3A_210, %dma_wait3A_211, %dma_wait3A_212] : memref<2560x2x128xi32, #tpu.memory_space<hbm>> -> memref<1x2x128xi32, #tpu.memory_space<hbm>>
      %dma_wait3A_214 = tpu.memref_squeeze %dma_wait3A_213 : memref<1x2x128xi32, #tpu.memory_space<hbm>> -> memref<2x128xi32, #tpu.memory_space<hbm>>
      %dma_wait3A_215 = arith.constant 0 : i32
      %dma_wait3A_216 = arith.constant 0 : i32
      %dma_wait3A_217 = tpu.memref_slice %arg3[%add3A_210, %dma_wait3A_215, %dma_wait3A_216] : memref<2560x2x128xi32, #tpu.memory_space<hbm>> -> memref<1x2x128xi32, #tpu.memory_space<hbm>>
      %dma_wait3A_218 = tpu.memref_squeeze %dma_wait3A_217 : memref<1x2x128xi32, #tpu.memory_space<hbm>> -> memref<2x128xi32, #tpu.memory_space<hbm>>
      tpu.wait_dma2 semaphore(%arg11 : memref<!tpu.dma_semaphore, #tpu.memory_space<semaphore_mem>>) src(%dma_wait3A_218 : memref<2x128xi32, #tpu.memory_space<hbm>>) dst(%arg7 : memref<2x128xi32, #tpu.memory_space<vmem>>)
      %add3A_219 = arith.constant 1 : i32
      %add3A_220 = arith.addi %add3A_189, %add3A_219 : i32
      %dma_start3A_221 = arith.constant 0 : i32
      %dma_start3A_222 = arith.constant 0 : i32
      %dma_start3A_223 = tpu.memref_slice %arg7[%dma_start3A_221, %dma_start3A_222] : memref<2x128xi32, #tpu.memory_space<vmem>> -> memref<1x128xi32, #tpu.memory_space<vmem>>
      %dma_start3A_224 = tpu.memref_squeeze %dma_start3A_223 : memref<1x128xi32, #tpu.memory_space<vmem>> -> memref<128xi32, #tpu.memory_space<vmem>>
      %dma_start3A_225 = arith.constant 0 : i32
      %dma_start3A_226 = arith.constant 0 : i32
      %dma_start3A_227 = tpu.memref_slice %arg2[%arg0, %dma_start3A_225, %dma_start3A_226] : memref<2x10240x128xf32, #tpu.memory_space<hbm>> -> memref<1x10240x128xf32, #tpu.memory_space<hbm>>
      %dma_start3A_228 = tpu.memref_squeeze %dma_start3A_227 : memref<1x10240x128xf32, #tpu.memory_space<hbm>> -> memref<10240x128xf32, #tpu.memory_space<hbm>>
      %dma_start3A_229 = arith.constant 0 : i32
      %dma_start3A_230 = arith.constant 0 : i32
      %dma_start3A_231 = tpu.memref_slice %dma_start3A_228[%dma_start3A_229, %dma_start3A_230] : memref<10240x128xf32, #tpu.memory_space<hbm>> -> memref<10240x128xf32, #tpu.memory_space<hbm>>
      tpu.enqueue_indirect_dma source(%dma_start3A_231 : memref<10240x128xf32, #tpu.memory_space<hbm>>) target(%arg9 : memref<128x128xf32, #tpu.memory_space<vmem>>) offsets(%dma_start3A_224 : memref<128xi32, #tpu.memory_space<vmem>>) semaphore(%arg13 : memref<!tpu.dma_semaphore, #tpu.memory_space<semaphore_mem>>)
      %dma_wait3A_232 = arith.constant 1 : i32
      %dma_wait3A_233 = arith.constant 0 : i32
      %dma_wait3A_234 = tpu.memref_slice %arg8[%dma_wait3A_232, %dma_wait3A_233] : memref<2x128xi32, #tpu.memory_space<vmem>> -> memref<1x128xi32, #tpu.memory_space<vmem>>
      %dma_wait3A_235 = tpu.memref_squeeze %dma_wait3A_234 : memref<1x128xi32, #tpu.memory_space<vmem>> -> memref<128xi32, #tpu.memory_space<vmem>>
      %dma_wait3A_236 = arith.constant 0 : i32
      %dma_wait3A_237 = arith.constant 0 : i32
      %dma_wait3A_238 = tpu.memref_slice %arg6[%dma_wait3A_236, %dma_wait3A_237] : memref<10240x128xf32, #tpu.memory_space<vmem_shared>> -> memref<10240x128xf32, #tpu.memory_space<vmem_shared>>
      tpu.wait_indirect_dma semaphore(%arg16 : memref<!tpu.dma_semaphore, #tpu.memory_space<semaphore_mem>>) src(%arg10 : memref<128x128xf32, #tpu.memory_space<vmem>>) dst(%dma_wait3A_238 : memref<10240x128xf32, #tpu.memory_space<vmem_shared>>)
      %add3A_239 = arith.constant 2 : i32
      %add3A_240 = arith.addi %add3A_189, %add3A_239 : i32
      %add3A_241 = arith.addi %mul3A_0, %add3A_240 : i32
      %dma_start3A_242 = arith.constant 0 : i32
      %dma_start3A_243 = arith.constant 0 : i32
      %dma_start3A_244 = tpu.memref_slice %arg3[%add3A_241, %dma_start3A_242, %dma_start3A_243] : memref<2560x2x128xi32, #tpu.memory_space<hbm>> -> memref<1x2x128xi32, #tpu.memory_space<hbm>>
      %dma_start3A_245 = tpu.memref_squeeze %dma_start3A_244 : memref<1x2x128xi32, #tpu.memory_space<hbm>> -> memref<2x128xi32, #tpu.memory_space<hbm>>
      %dma_start3A_246 = arith.constant 0 : i32
      %dma_start3A_247 = arith.constant 0 : i32
      %dma_start3A_248 = tpu.memref_slice %arg3[%add3A_241, %dma_start3A_246, %dma_start3A_247] : memref<2560x2x128xi32, #tpu.memory_space<hbm>> -> memref<1x2x128xi32, #tpu.memory_space<hbm>>
      %dma_start3A_249 = tpu.memref_squeeze %dma_start3A_248 : memref<1x2x128xi32, #tpu.memory_space<hbm>> -> memref<2x128xi32, #tpu.memory_space<hbm>>
      tpu.enqueue_dma source(%dma_start3A_249 : memref<2x128xi32, #tpu.memory_space<hbm>>) target(%arg8 : memref<2x128xi32, #tpu.memory_space<vmem>>) target_semaphore(%arg12 : memref<!tpu.dma_semaphore, #tpu.memory_space<semaphore_mem>>)
    }
    %scan3A_44 = arith.constant 79 : i32
    %dma_wait3A_45 = arith.constant 0 : i32
    %dma_wait3A_46 = arith.constant 0 : i32
    %dma_wait3A_47 = tpu.memref_slice %arg7[%dma_wait3A_45, %dma_wait3A_46] : memref<2x128xi32, #tpu.memory_space<vmem>> -> memref<1x128xi32, #tpu.memory_space<vmem>>
    %dma_wait3A_48 = tpu.memref_squeeze %dma_wait3A_47 : memref<1x128xi32, #tpu.memory_space<vmem>> -> memref<128xi32, #tpu.memory_space<vmem>>
    %dma_wait3A_49 = arith.constant 0 : i32
    %dma_wait3A_50 = arith.constant 0 : i32
    %dma_wait3A_51 = tpu.memref_slice %arg2[%arg0, %dma_wait3A_49, %dma_wait3A_50] : memref<2x10240x128xf32, #tpu.memory_space<hbm>> -> memref<1x10240x128xf32, #tpu.memory_space<hbm>>
    %dma_wait3A_52 = tpu.memref_squeeze %dma_wait3A_51 : memref<1x10240x128xf32, #tpu.memory_space<hbm>> -> memref<10240x128xf32, #tpu.memory_space<hbm>>
    %dma_wait3A_53 = arith.constant 0 : i32
    %dma_wait3A_54 = arith.constant 0 : i32
    %dma_wait3A_55 = tpu.memref_slice %dma_wait3A_52[%dma_wait3A_53, %dma_wait3A_54] : memref<10240x128xf32, #tpu.memory_space<hbm>> -> memref<10240x128xf32, #tpu.memory_space<hbm>>
    tpu.wait_indirect_dma semaphore(%arg13 : memref<!tpu.dma_semaphore, #tpu.memory_space<semaphore_mem>>) src(%dma_wait3A_55 : memref<10240x128xf32, #tpu.memory_space<hbm>>) dst(%arg9 : memref<128x128xf32, #tpu.memory_space<vmem>>)
    %dma_start3A_56 = arith.constant 1 : i32
    %dma_start3A_57 = arith.constant 0 : i32
    %dma_start3A_58 = tpu.memref_slice %arg7[%dma_start3A_56, %dma_start3A_57] : memref<2x128xi32, #tpu.memory_space<vmem>> -> memref<1x128xi32, #tpu.memory_space<vmem>>
    %dma_start3A_59 = tpu.memref_squeeze %dma_start3A_58 : memref<1x128xi32, #tpu.memory_space<vmem>> -> memref<128xi32, #tpu.memory_space<vmem>>
    %dma_start3A_60 = arith.constant 0 : i32
    %dma_start3A_61 = arith.constant 0 : i32
    %dma_start3A_62 = tpu.memref_slice %arg6[%dma_start3A_60, %dma_start3A_61] : memref<10240x128xf32, #tpu.memory_space<vmem_shared>> -> memref<10240x128xf32, #tpu.memory_space<vmem_shared>>
    tpu.enqueue_indirect_dma source(%arg9 : memref<128x128xf32, #tpu.memory_space<vmem>>) target(%dma_start3A_62 : memref<10240x128xf32, #tpu.memory_space<vmem_shared>>) offsets(%dma_start3A_59 : memref<128xi32, #tpu.memory_space<vmem>>) semaphore(%arg15 : memref<!tpu.dma_semaphore, #tpu.memory_space<semaphore_mem>>) {add = true}
    %add3A_63 = arith.constant 159 : i32
    %add3A_64 = arith.addi %mul3A_0, %add3A_63 : i32
    %dma_wait3A_65 = arith.constant 0 : i32
    %dma_wait3A_66 = arith.constant 0 : i32
    %dma_wait3A_67 = tpu.memref_slice %arg3[%add3A_64, %dma_wait3A_65, %dma_wait3A_66] : memref<2560x2x128xi32, #tpu.memory_space<hbm>> -> memref<1x2x128xi32, #tpu.memory_space<hbm>>
    %dma_wait3A_68 = tpu.memref_squeeze %dma_wait3A_67 : memref<1x2x128xi32, #tpu.memory_space<hbm>> -> memref<2x128xi32, #tpu.memory_space<hbm>>
    %dma_wait3A_69 = arith.constant 0 : i32
    %dma_wait3A_70 = arith.constant 0 : i32
    %dma_wait3A_71 = tpu.memref_slice %arg3[%add3A_64, %dma_wait3A_69, %dma_wait3A_70] : memref<2560x2x128xi32, #tpu.memory_space<hbm>> -> memref<1x2x128xi32, #tpu.memory_space<hbm>>
    %dma_wait3A_72 = tpu.memref_squeeze %dma_wait3A_71 : memref<1x2x128xi32, #tpu.memory_space<hbm>> -> memref<2x128xi32, #tpu.memory_space<hbm>>
    tpu.wait_dma2 semaphore(%arg12 : memref<!tpu.dma_semaphore, #tpu.memory_space<semaphore_mem>>) src(%dma_wait3A_72 : memref<2x128xi32, #tpu.memory_space<hbm>>) dst(%arg8 : memref<2x128xi32, #tpu.memory_space<vmem>>)
    %dma_start3A_73 = arith.constant 0 : i32
    %dma_start3A_74 = arith.constant 0 : i32
    %dma_start3A_75 = tpu.memref_slice %arg8[%dma_start3A_73, %dma_start3A_74] : memref<2x128xi32, #tpu.memory_space<vmem>> -> memref<1x128xi32, #tpu.memory_space<vmem>>
    %dma_start3A_76 = tpu.memref_squeeze %dma_start3A_75 : memref<1x128xi32, #tpu.memory_space<vmem>> -> memref<128xi32, #tpu.memory_space<vmem>>
    %dma_start3A_77 = arith.constant 0 : i32
    %dma_start3A_78 = arith.constant 0 : i32
    %dma_start3A_79 = tpu.memref_slice %arg2[%arg0, %dma_start3A_77, %dma_start3A_78] : memref<2x10240x128xf32, #tpu.memory_space<hbm>> -> memref<1x10240x128xf32, #tpu.memory_space<hbm>>
    %dma_start3A_80 = tpu.memref_squeeze %dma_start3A_79 : memref<1x10240x128xf32, #tpu.memory_space<hbm>> -> memref<10240x128xf32, #tpu.memory_space<hbm>>
    %dma_start3A_81 = arith.constant 0 : i32
    %dma_start3A_82 = arith.constant 0 : i32
    %dma_start3A_83 = tpu.memref_slice %dma_start3A_80[%dma_start3A_81, %dma_start3A_82] : memref<10240x128xf32, #tpu.memory_space<hbm>> -> memref<10240x128xf32, #tpu.memory_space<hbm>>
    tpu.enqueue_indirect_dma source(%dma_start3A_83 : memref<10240x128xf32, #tpu.memory_space<hbm>>) target(%arg10 : memref<128x128xf32, #tpu.memory_space<vmem>>) offsets(%dma_start3A_76 : memref<128xi32, #tpu.memory_space<vmem>>) semaphore(%arg14 : memref<!tpu.dma_semaphore, #tpu.memory_space<semaphore_mem>>)
    %dma_wait3A_84 = arith.constant 1 : i32
    %dma_wait3A_85 = arith.constant 0 : i32
    %dma_wait3A_86 = tpu.memref_slice %arg7[%dma_wait3A_84, %dma_wait3A_85] : memref<2x128xi32, #tpu.memory_space<vmem>> -> memref<1x128xi32, #tpu.memory_space<vmem>>
    %dma_wait3A_87 = tpu.memref_squeeze %dma_wait3A_86 : memref<1x128xi32, #tpu.memory_space<vmem>> -> memref<128xi32, #tpu.memory_space<vmem>>
    %dma_wait3A_88 = arith.constant 0 : i32
    %dma_wait3A_89 = arith.constant 0 : i32
    %dma_wait3A_90 = tpu.memref_slice %arg6[%dma_wait3A_88, %dma_wait3A_89] : memref<10240x128xf32, #tpu.memory_space<vmem_shared>> -> memref<10240x128xf32, #tpu.memory_space<vmem_shared>>
    tpu.wait_indirect_dma semaphore(%arg15 : memref<!tpu.dma_semaphore, #tpu.memory_space<semaphore_mem>>) src(%arg9 : memref<128x128xf32, #tpu.memory_space<vmem>>) dst(%dma_wait3A_90 : memref<10240x128xf32, #tpu.memory_space<vmem_shared>>)
    %dma_wait3A_91 = arith.constant 0 : i32
    %dma_wait3A_92 = arith.constant 0 : i32
    %dma_wait3A_93 = tpu.memref_slice %arg8[%dma_wait3A_91, %dma_wait3A_92] : memref<2x128xi32, #tpu.memory_space<vmem>> -> memref<1x128xi32, #tpu.memory_space<vmem>>
    %dma_wait3A_94 = tpu.memref_squeeze %dma_wait3A_93 : memref<1x128xi32, #tpu.memory_space<vmem>> -> memref<128xi32, #tpu.memory_space<vmem>>
    %dma_wait3A_95 = arith.constant 0 : i32
    %dma_wait3A_96 = arith.constant 0 : i32
    %dma_wait3A_97 = tpu.memref_slice %arg2[%arg0, %dma_wait3A_95, %dma_wait3A_96] : memref<2x10240x128xf32, #tpu.memory_space<hbm>> -> memref<1x10240x128xf32, #tpu.memory_space<hbm>>
    %dma_wait3A_98 = tpu.memref_squeeze %dma_wait3A_97 : memref<1x10240x128xf32, #tpu.memory_space<hbm>> -> memref<10240x128xf32, #tpu.memory_space<hbm>>
    %dma_wait3A_99 = arith.constant 0 : i32
    %dma_wait3A_100 = arith.constant 0 : i32
    %dma_wait3A_101 = tpu.memref_slice %dma_wait3A_98[%dma_wait3A_99, %dma_wait3A_100] : memref<10240x128xf32, #tpu.memory_space<hbm>> -> memref<10240x128xf32, #tpu.memory_space<hbm>>
    tpu.wait_indirect_dma semaphore(%arg14 : memref<!tpu.dma_semaphore, #tpu.memory_space<semaphore_mem>>) src(%dma_wait3A_101 : memref<10240x128xf32, #tpu.memory_space<hbm>>) dst(%arg10 : memref<128x128xf32, #tpu.memory_space<vmem>>)
    %dma_start3A_102 = arith.constant 1 : i32
    %dma_start3A_103 = arith.constant 0 : i32
    %dma_start3A_104 = tpu.memref_slice %arg8[%dma_start3A_102, %dma_start3A_103] : memref<2x128xi32, #tpu.memory_space<vmem>> -> memref<1x128xi32, #tpu.memory_space<vmem>>
    %dma_start3A_105 = tpu.memref_squeeze %dma_start3A_104 : memref<1x128xi32, #tpu.memory_space<vmem>> -> memref<128xi32, #tpu.memory_space<vmem>>
    %dma_start3A_106 = arith.constant 0 : i32
    %dma_start3A_107 = arith.constant 0 : i32
    %dma_start3A_108 = tpu.memref_slice %arg6[%dma_start3A_106, %dma_start3A_107] : memref<10240x128xf32, #tpu.memory_space<vmem_shared>> -> memref<10240x128xf32, #tpu.memory_space<vmem_shared>>
    tpu.enqueue_indirect_dma source(%arg10 : memref<128x128xf32, #tpu.memory_space<vmem>>) target(%dma_start3A_108 : memref<10240x128xf32, #tpu.memory_space<vmem_shared>>) offsets(%dma_start3A_105 : memref<128xi32, #tpu.memory_space<vmem>>) semaphore(%arg16 : memref<!tpu.dma_semaphore, #tpu.memory_space<semaphore_mem>>) {add = true}
    %dma_wait3A_109 = arith.constant 1 : i32
    %dma_wait3A_110 = arith.constant 0 : i32
    %dma_wait3A_111 = tpu.memref_slice %arg8[%dma_wait3A_109, %dma_wait3A_110] : memref<2x128xi32, #tpu.memory_space<vmem>> -> memref<1x128xi32, #tpu.memory_space<vmem>>
    %dma_wait3A_112 = tpu.memref_squeeze %dma_wait3A_111 : memref<1x128xi32, #tpu.memory_space<vmem>> -> memref<128xi32, #tpu.memory_space<vmem>>
    %dma_wait3A_113 = arith.constant 0 : i32
    %dma_wait3A_114 = arith.constant 0 : i32
    %dma_wait3A_115 = tpu.memref_slice %arg6[%dma_wait3A_113, %dma_wait3A_114] : memref<10240x128xf32, #tpu.memory_space<vmem_shared>> -> memref<10240x128xf32, #tpu.memory_space<vmem_shared>>
    tpu.wait_indirect_dma semaphore(%arg16 : memref<!tpu.dma_semaphore, #tpu.memory_space<semaphore_mem>>) src(%arg10 : memref<128x128xf32, #tpu.memory_space<vmem>>) dst(%dma_wait3A_115 : memref<10240x128xf32, #tpu.memory_space<vmem_shared>>)
    %barrier3A_116 = arith.constant 0 : index
    tpu.barrier barrier_id(%barrier3A_116)
    %mul3A_117 = arith.constant 640 : i32
    %mul3A_118 = arith.muli %arg1, %mul3A_117 : i32
    %mul3A_119 = arith.constant 640 : i32
    %mul3A_120 = arith.muli %arg1, %mul3A_119 : i32
    "tpu.region"() ({
      %run_scoped3A = tpu.sem_alloc : memref<!tpu.dma_semaphore, #tpu.memory_space<semaphore_mem>>
      %dma_start3A_121 = arith.constant 0 : i32
      %dma_start3A_122 = tpu.memref_slice %arg5[%arg0, %mul3A_120, %dma_start3A_121] : memref<2x10240x128xf32, #tpu.memory_space<hbm>> -> memref<1x640x128xf32, #tpu.memory_space<hbm>>
      %dma_start3A_123 = tpu.memref_squeeze %dma_start3A_122 : memref<1x640x128xf32, #tpu.memory_space<hbm>> -> memref<640x128xf32, #tpu.memory_space<hbm>>
      %dma_start3A_124 = arith.constant 0 : i32
      %dma_start3A_125 = tpu.memref_slice %arg6[%mul3A_118, %dma_start3A_124] : memref<10240x128xf32, #tpu.memory_space<vmem_shared>> -> memref<640x128xf32, #tpu.memory_space<vmem_shared>>
      tpu.enqueue_dma source(%dma_start3A_125 : memref<640x128xf32, #tpu.memory_space<vmem_shared>>) target(%dma_start3A_123 : memref<640x128xf32, #tpu.memory_space<hbm>>) target_semaphore(%run_scoped3A : memref<!tpu.dma_semaphore, #tpu.memory_space<semaphore_mem>>)
      %dma_wait3A_126 = arith.constant 0 : i32
      %dma_wait3A_127 = tpu.memref_slice %arg5[%arg0, %mul3A_120, %dma_wait3A_126] : memref<2x10240x128xf32, #tpu.memory_space<hbm>> -> memref<1x640x128xf32, #tpu.memory_space<hbm>>
      %dma_wait3A_128 = tpu.memref_squeeze %dma_wait3A_127 : memref<1x640x128xf32, #tpu.memory_space<hbm>> -> memref<640x128xf32, #tpu.memory_space<hbm>>
      %dma_wait3A_129 = arith.constant 0 : i32
      %dma_wait3A_130 = tpu.memref_slice %arg6[%mul3A_118, %dma_wait3A_129] : memref<10240x128xf32, #tpu.memory_space<vmem_shared>> -> memref<640x128xf32, #tpu.memory_space<vmem_shared>>
      tpu.wait_dma2 semaphore(%run_scoped3A : memref<!tpu.dma_semaphore, #tpu.memory_space<semaphore_mem>>) src(%dma_wait3A_130 : memref<640x128xf32, #tpu.memory_space<vmem_shared>>) dst(%dma_wait3A_128 : memref<640x128xf32, #tpu.memory_space<hbm>>)
      tpu.yield
    }) : () -> ()
    return
  }
}

#map = affine_map<(d0, d1) -> (0, 0, 0)>
#map1 = affine_map<(d0, d1) -> (0, 0)>
module attributes {stable_mosaic.version = 14 : i64} {
  func.func @_sc_degree(%arg0: i32, %arg1: i32, %arg2: memref<2560x2x128xi32, #tpu.memory_space<hbm>>, %arg3: memref<32x10240xf32, #tpu.memory_space<hbm>>, %arg4: memref<80x2x128xi32, #tpu.memory_space<vmem>>, %arg5: memref<10240xf32, #tpu.memory_space<vmem>>) attributes {dimension_semantics = [#tpu.dimension_semantics<core_parallel>, #tpu.dimension_semantics<subcore_parallel>], iteration_bounds = array<i64: 2, 16>, scalar_prefetch = 0 : i64, scratch_operands = 2 : i64, tpu.core_type = #tpu.core_type<sc_vector_subcore>, window_params = [{transform_indices = #map}, {transform_indices = #map1}]} {
    %mul3A = arith.constant 2 : i32
    %mul3A_0 = arith.muli %arg1, %mul3A : i32
    %add3A = arith.addi %mul3A_0, %arg0 : i32
    %mul3A_1 = arith.constant 80 : i32
    %mul3A_2 = arith.muli %add3A, %mul3A_1 : i32
    "tpu.region"() ({
      %run_scoped3A = tpu.sem_alloc : memref<!tpu.dma_semaphore, #tpu.memory_space<semaphore_mem>>
      %dma_start3A = arith.constant 0 : i32
      %dma_start3A_15 = arith.constant 0 : i32
      %dma_start3A_16 = tpu.memref_slice %arg2[%mul3A_2, %dma_start3A, %dma_start3A_15] : memref<2560x2x128xi32, #tpu.memory_space<hbm>> -> memref<80x2x128xi32, #tpu.memory_space<hbm>>
      %dma_start3A_17 = arith.constant 0 : i32
      %dma_start3A_18 = arith.constant 0 : i32
      %dma_start3A_19 = tpu.memref_slice %arg2[%mul3A_2, %dma_start3A_17, %dma_start3A_18] : memref<2560x2x128xi32, #tpu.memory_space<hbm>> -> memref<80x2x128xi32, #tpu.memory_space<hbm>>
      tpu.enqueue_dma source(%dma_start3A_19 : memref<80x2x128xi32, #tpu.memory_space<hbm>>) target(%arg4 : memref<80x2x128xi32, #tpu.memory_space<vmem>>) target_semaphore(%run_scoped3A : memref<!tpu.dma_semaphore, #tpu.memory_space<semaphore_mem>>)
      %dma_wait3A = arith.constant 0 : i32
      %dma_wait3A_20 = arith.constant 0 : i32
      %dma_wait3A_21 = tpu.memref_slice %arg2[%mul3A_2, %dma_wait3A, %dma_wait3A_20] : memref<2560x2x128xi32, #tpu.memory_space<hbm>> -> memref<80x2x128xi32, #tpu.memory_space<hbm>>
      %dma_wait3A_22 = arith.constant 0 : i32
      %dma_wait3A_23 = arith.constant 0 : i32
      %dma_wait3A_24 = tpu.memref_slice %arg2[%mul3A_2, %dma_wait3A_22, %dma_wait3A_23] : memref<2560x2x128xi32, #tpu.memory_space<hbm>> -> memref<80x2x128xi32, #tpu.memory_space<hbm>>
      tpu.wait_dma2 semaphore(%run_scoped3A : memref<!tpu.dma_semaphore, #tpu.memory_space<semaphore_mem>>) src(%dma_wait3A_24 : memref<80x2x128xi32, #tpu.memory_space<hbm>>) dst(%arg4 : memref<80x2x128xi32, #tpu.memory_space<vmem>>)
      tpu.yield
    }) : () -> ()
    %broadcast_in_dim3A = arith.constant 0.000000e+00 : f32
    %broadcast_in_dim3A_3 = vector.broadcast %broadcast_in_dim3A : f32 to vector<16xf32>
    %scan3A = arith.constant 0 : i32
    %scan3A_4 = arith.constant 640 : i32
    %scan3A_5 = arith.addi %scan3A, %scan3A_4 : i32
    %scan3A_6 = arith.constant 1 : i32
    scf.for %scan3A_15 = %scan3A to %scan3A_5 step %scan3A_6  : i32 {
      %mul3A_16 = arith.constant 16 : i32
      %mul3A_17 = arith.muli %scan3A_15, %mul3A_16 : i32
      %add3A_18 = arith.constant 0 : i32
      %add3A_19 = arith.addi %add3A_18, %mul3A_17 : i32
      %swap3A = arith.index_cast %add3A_19 : i32 to index
      %swap3A_20 = tpu.vector_load %arg5[%swap3A] {strides = array<i32>} : memref<10240xf32, #tpu.memory_space<vmem>>, vector<16xf32>,
      tpu.vector_store %arg5[%swap3A], %broadcast_in_dim3A_3 {strides = array<i32>} : memref<10240xf32, #tpu.memory_space<vmem>>, vector<16xf32>,
    }
    %scan3A_7 = arith.constant 640 : i32
    %broadcast_in_dim3A_8 = arith.constant 1.000000e+00 : f32
    %broadcast_in_dim3A_9 = vector.broadcast %broadcast_in_dim3A_8 : f32 to vector<16xf32>
    %scan3A_10 = arith.constant 0 : i32
    %scan3A_11 = arith.constant 80 : i32
    %scan3A_12 = arith.addi %scan3A_10, %scan3A_11 : i32
    %scan3A_13 = arith.constant 1 : i32
    scf.for %scan3A_15 = %scan3A_10 to %scan3A_12 step %scan3A_13  : i32 {
      %mul3A_16 = arith.constant 1 : i32
      %mul3A_17 = arith.muli %scan3A_15, %mul3A_16 : i32
      %add3A_18 = arith.constant 0 : i32
      %add3A_19 = arith.addi %add3A_18, %mul3A_17 : i32
      %scan3A_20 = arith.constant 0 : i32
      %scan3A_21 = arith.constant 8 : i32
      %scan3A_22 = arith.addi %scan3A_20, %scan3A_21 : i32
      %scan3A_23 = arith.constant 1 : i32
      scf.for %scan3A_25 = %scan3A_20 to %scan3A_22 step %scan3A_23  : i32 {
        %mul3A_26 = arith.constant 16 : i32
        %mul3A_27 = arith.muli %scan3A_25, %mul3A_26 : i32
        %add3A_28 = arith.constant 0 : i32
        %add3A_29 = arith.addi %add3A_28, %mul3A_27 : i32
        %get3A = arith.constant 1 : i32
        %get3A_30 = arith.index_cast %add3A_19 : i32 to index
        %get3A_31 = arith.index_cast %get3A : i32 to index
        %get3A_32 = arith.index_cast %add3A_29 : i32 to index
        %get3A_33 = tpu.vector_load %arg4[%get3A_30, %get3A_31, %get3A_32] {strides = array<i32>} : memref<80x2x128xi32, #tpu.memory_space<vmem>>, vector<16xi32>,
        tpu.vector_store_idx %arg5[%get3A_33], %broadcast_in_dim3A_9 {add = true} : memref<10240xf32, #tpu.memory_space<vmem>>[vector<16xi32>], vector<16xf32>,
      }
      %scan3A_24 = arith.constant 8 : i32
    }
    %scan3A_14 = arith.constant 80 : i32
    "tpu.region"() ({
      %run_scoped3A = tpu.sem_alloc : memref<!tpu.dma_semaphore, #tpu.memory_space<semaphore_mem>>
      %dma_start3A = arith.constant 0 : i32
      %dma_start3A_15 = tpu.memref_slice %arg3[%add3A, %dma_start3A] : memref<32x10240xf32, #tpu.memory_space<hbm>> -> memref<1x10240xf32, #tpu.memory_space<hbm>>
      %dma_start3A_16 = tpu.memref_squeeze %dma_start3A_15 : memref<1x10240xf32, #tpu.memory_space<hbm>> -> memref<10240xf32, #tpu.memory_space<hbm>>
      %dma_start3A_17 = arith.constant 0 : i32
      %dma_start3A_18 = tpu.memref_slice %arg3[%add3A, %dma_start3A_17] : memref<32x10240xf32, #tpu.memory_space<hbm>> -> memref<1x10240xf32, #tpu.memory_space<hbm>>
      %dma_start3A_19 = tpu.memref_squeeze %dma_start3A_18 : memref<1x10240xf32, #tpu.memory_space<hbm>> -> memref<10240xf32, #tpu.memory_space<hbm>>
      tpu.enqueue_dma source(%arg5 : memref<10240xf32, #tpu.memory_space<vmem>>) target(%dma_start3A_19 : memref<10240xf32, #tpu.memory_space<hbm>>) target_semaphore(%run_scoped3A : memref<!tpu.dma_semaphore, #tpu.memory_space<semaphore_mem>>)
      %dma_wait3A = arith.constant 0 : i32
      %dma_wait3A_20 = tpu.memref_slice %arg3[%add3A, %dma_wait3A] : memref<32x10240xf32, #tpu.memory_space<hbm>> -> memref<1x10240xf32, #tpu.memory_space<hbm>>
      %dma_wait3A_21 = tpu.memref_squeeze %dma_wait3A_20 : memref<1x10240xf32, #tpu.memory_space<hbm>> -> memref<10240xf32, #tpu.memory_space<hbm>>
      %dma_wait3A_22 = arith.constant 0 : i32
      %dma_wait3A_23 = tpu.memref_slice %arg3[%add3A, %dma_wait3A_22] : memref<32x10240xf32, #tpu.memory_space<hbm>> -> memref<1x10240xf32, #tpu.memory_space<hbm>>
      %dma_wait3A_24 = tpu.memref_squeeze %dma_wait3A_23 : memref<1x10240xf32, #tpu.memory_space<hbm>> -> memref<10240xf32, #tpu.memory_space<hbm>>
      tpu.wait_dma2 semaphore(%run_scoped3A : memref<!tpu.dma_semaphore, #tpu.memory_space<semaphore_mem>>) src(%arg5 : memref<10240xf32, #tpu.memory_space<vmem>>) dst(%dma_wait3A_24 : memref<10240xf32, #tpu.memory_space<hbm>>)
      tpu.yield
    }) : () -> ()
    return
  }
}

#map = affine_map<(d0, d1) -> (0, 0)>
#map1 = affine_map<(d0, d1) -> (0, 0, 0)>
module attributes {stable_mosaic.version = 14 : i64} {
  func.func @agg(%arg0: i32, %arg1: i32, %arg2: memref<10240x128xf32, #tpu.memory_space<hbm>>, %arg3: memref<2560x2x128xi32, #tpu.memory_space<hbm>>, %arg4: memref<640x128xf32, #tpu.memory_space<hbm>>, %arg5: memref<2x10240x128xf32, #tpu.memory_space<hbm>>, %arg6: memref<10240x128xf32, #tpu.memory_space<vmem_shared>>, %arg7: memref<2x128xi32, #tpu.memory_space<vmem>>, %arg8: memref<2x128xi32, #tpu.memory_space<vmem>>, %arg9: memref<128x128xf32, #tpu.memory_space<vmem>>, %arg10: memref<128x128xf32, #tpu.memory_space<vmem>>, %arg11: memref<!tpu.dma_semaphore, #tpu.memory_space<semaphore_mem>>, %arg12: memref<!tpu.dma_semaphore, #tpu.memory_space<semaphore_mem>>, %arg13: memref<!tpu.dma_semaphore, #tpu.memory_space<semaphore_mem>>, %arg14: memref<!tpu.dma_semaphore, #tpu.memory_space<semaphore_mem>>, %arg15: memref<!tpu.dma_semaphore, #tpu.memory_space<semaphore_mem>>, %arg16: memref<!tpu.dma_semaphore, #tpu.memory_space<semaphore_mem>>) attributes {dimension_semantics = [#tpu.dimension_semantics<core_parallel>, #tpu.dimension_semantics<subcore_parallel>], iteration_bounds = array<i64: 2, 16>, scalar_prefetch = 0 : i64, scratch_operands = 11 : i64, tpu.core_type = #tpu.core_type<sc_vector_subcore>, window_params = [{transform_indices = #map}, {transform_indices = #map1}, {transform_indices = #map}, {transform_indices = #map1}]} {
    %mul3A = arith.constant 2 : i32
    %mul3A_0 = arith.muli %arg1, %mul3A : i32
    %add3A = arith.addi %mul3A_0, %arg0 : i32
    %mul3A_1 = arith.constant 80 : i32
    %mul3A_2 = arith.muli %add3A, %mul3A_1 : i32
    %add3A_3 = arith.constant 0 : i32
    %add3A_4 = arith.addi %mul3A_2, %add3A_3 : i32
    %dma_start3A = arith.constant 0 : i32
    %dma_start3A_5 = arith.constant 0 : i32
    %dma_start3A_6 = tpu.memref_slice %arg3[%add3A_4, %dma_start3A, %dma_start3A_5] : memref<2560x2x128xi32, #tpu.memory_space<hbm>> -> memref<1x2x128xi32, #tpu.memory_space<hbm>>
    %dma_start3A_7 = tpu.memref_squeeze %dma_start3A_6 : memref<1x2x128xi32, #tpu.memory_space<hbm>> -> memref<2x128xi32, #tpu.memory_space<hbm>>
    %dma_start3A_8 = arith.constant 0 : i32
    %dma_start3A_9 = arith.constant 0 : i32
    %dma_start3A_10 = tpu.memref_slice %arg3[%add3A_4, %dma_start3A_8, %dma_start3A_9] : memref<2560x2x128xi32, #tpu.memory_space<hbm>> -> memref<1x2x128xi32, #tpu.memory_space<hbm>>
    %dma_start3A_11 = tpu.memref_squeeze %dma_start3A_10 : memref<1x2x128xi32, #tpu.memory_space<hbm>> -> memref<2x128xi32, #tpu.memory_space<hbm>>
    tpu.enqueue_dma source(%dma_start3A_11 : memref<2x128xi32, #tpu.memory_space<hbm>>) target(%arg7 : memref<2x128xi32, #tpu.memory_space<vmem>>) target_semaphore(%arg11 : memref<!tpu.dma_semaphore, #tpu.memory_space<semaphore_mem>>)
    %add3A_12 = arith.constant 1 : i32
    %add3A_13 = arith.addi %mul3A_2, %add3A_12 : i32
    %dma_start3A_14 = arith.constant 0 : i32
    %dma_start3A_15 = arith.constant 0 : i32
    %dma_start3A_16 = tpu.memref_slice %arg3[%add3A_13, %dma_start3A_14, %dma_start3A_15] : memref<2560x2x128xi32, #tpu.memory_space<hbm>> -> memref<1x2x128xi32, #tpu.memory_space<hbm>>
    %dma_start3A_17 = tpu.memref_squeeze %dma_start3A_16 : memref<1x2x128xi32, #tpu.memory_space<hbm>> -> memref<2x128xi32, #tpu.memory_space<hbm>>
    %dma_start3A_18 = arith.constant 0 : i32
    %dma_start3A_19 = arith.constant 0 : i32
    %dma_start3A_20 = tpu.memref_slice %arg3[%add3A_13, %dma_start3A_18, %dma_start3A_19] : memref<2560x2x128xi32, #tpu.memory_space<hbm>> -> memref<1x2x128xi32, #tpu.memory_space<hbm>>
    %dma_start3A_21 = tpu.memref_squeeze %dma_start3A_20 : memref<1x2x128xi32, #tpu.memory_space<hbm>> -> memref<2x128xi32, #tpu.memory_space<hbm>>
    tpu.enqueue_dma source(%dma_start3A_21 : memref<2x128xi32, #tpu.memory_space<hbm>>) target(%arg8 : memref<2x128xi32, #tpu.memory_space<vmem>>) target_semaphore(%arg12 : memref<!tpu.dma_semaphore, #tpu.memory_space<semaphore_mem>>)
    %mul3A_22 = arith.constant 640 : i32
    %mul3A_23 = arith.muli %arg1, %mul3A_22 : i32
    "tpu.region"() ({
      %run_scoped3A = tpu.sem_alloc : memref<!tpu.dma_semaphore, #tpu.memory_space<semaphore_mem>>
      %dma_start3A_108 = arith.constant 0 : i32
      %dma_start3A_109 = tpu.memref_slice %arg6[%mul3A_23, %dma_start3A_108] : memref<10240x128xf32, #tpu.memory_space<vmem_shared>> -> memref<640x128xf32, #tpu.memory_space<vmem_shared>>
      tpu.enqueue_dma source(%arg4 : memref<640x128xf32, #tpu.memory_space<hbm>>) target(%dma_start3A_109 : memref<640x128xf32, #tpu.memory_space<vmem_shared>>) target_semaphore(%run_scoped3A : memref<!tpu.dma_semaphore, #tpu.memory_space<semaphore_mem>>)
      %dma_wait3A_110 = arith.constant 0 : i32
      %dma_wait3A_111 = tpu.memref_slice %arg6[%mul3A_23, %dma_wait3A_110] : memref<10240x128xf32, #tpu.memory_space<vmem_shared>> -> memref<640x128xf32, #tpu.memory_space<vmem_shared>>
      tpu.wait_dma2 semaphore(%run_scoped3A : memref<!tpu.dma_semaphore, #tpu.memory_space<semaphore_mem>>) src(%arg4 : memref<640x128xf32, #tpu.memory_space<hbm>>) dst(%dma_wait3A_111 : memref<640x128xf32, #tpu.memory_space<vmem_shared>>)
      tpu.yield
    }) : () -> ()
    %add3A_24 = arith.constant 0 : i32
    %add3A_25 = arith.addi %mul3A_2, %add3A_24 : i32
    %dma_wait3A = arith.constant 0 : i32
    %dma_wait3A_26 = arith.constant 0 : i32
    %dma_wait3A_27 = tpu.memref_slice %arg3[%add3A_25, %dma_wait3A, %dma_wait3A_26] : memref<2560x2x128xi32, #tpu.memory_space<hbm>> -> memref<1x2x128xi32, #tpu.memory_space<hbm>>
    %dma_wait3A_28 = tpu.memref_squeeze %dma_wait3A_27 : memref<1x2x128xi32, #tpu.memory_space<hbm>> -> memref<2x128xi32, #tpu.memory_space<hbm>>
    %dma_wait3A_29 = arith.constant 0 : i32
    %dma_wait3A_30 = arith.constant 0 : i32
    %dma_wait3A_31 = tpu.memref_slice %arg3[%add3A_25, %dma_wait3A_29, %dma_wait3A_30] : memref<2560x2x128xi32, #tpu.memory_space<hbm>> -> memref<1x2x128xi32, #tpu.memory_space<hbm>>
    %dma_wait3A_32 = tpu.memref_squeeze %dma_wait3A_31 : memref<1x2x128xi32, #tpu.memory_space<hbm>> -> memref<2x128xi32, #tpu.memory_space<hbm>>
    tpu.wait_dma2 semaphore(%arg11 : memref<!tpu.dma_semaphore, #tpu.memory_space<semaphore_mem>>) src(%dma_wait3A_32 : memref<2x128xi32, #tpu.memory_space<hbm>>) dst(%arg7 : memref<2x128xi32, #tpu.memory_space<vmem>>)
    %dma_start3A_33 = arith.constant 0 : i32
    %dma_start3A_34 = arith.constant 0 : i32
    %dma_start3A_35 = tpu.memref_slice %arg7[%dma_start3A_33, %dma_start3A_34] : memref<2x128xi32, #tpu.memory_space<vmem>> -> memref<1x128xi32, #tpu.memory_space<vmem>>
    %dma_start3A_36 = tpu.memref_squeeze %dma_start3A_35 : memref<1x128xi32, #tpu.memory_space<vmem>> -> memref<128xi32, #tpu.memory_space<vmem>>
    %dma_start3A_37 = arith.constant 0 : i32
    %dma_start3A_38 = arith.constant 0 : i32
    %dma_start3A_39 = tpu.memref_slice %arg2[%dma_start3A_37, %dma_start3A_38] : memref<10240x128xf32, #tpu.memory_space<hbm>> -> memref<10240x128xf32, #tpu.memory_space<hbm>>
    tpu.enqueue_indirect_dma source(%dma_start3A_39 : memref<10240x128xf32, #tpu.memory_space<hbm>>) target(%arg9 : memref<128x128xf32, #tpu.memory_space<vmem>>) offsets(%dma_start3A_36 : memref<128xi32, #tpu.memory_space<vmem>>) semaphore(%arg13 : memref<!tpu.dma_semaphore, #tpu.memory_space<semaphore_mem>>)
    %barrier3A = arith.constant 0 : index
    tpu.barrier barrier_id(%barrier3A)
    %scan3A = arith.constant 0 : i32
    %scan3A_40 = arith.constant 39 : i32
    %scan3A_41 = arith.addi %scan3A, %scan3A_40 : i32
    %scan3A_42 = arith.constant 1 : i32
    scf.for %scan3A_108 = %scan3A to %scan3A_41 step %scan3A_42  : i32 {
      %mul3A_109 = arith.constant 2 : i32
      %mul3A_110 = arith.muli %scan3A_108, %mul3A_109 : i32
      %add3A_111 = arith.constant 0 : i32
      %add3A_112 = arith.addi %add3A_111, %mul3A_110 : i32
      %add3A_113 = arith.constant 0 : i32
      %add3A_114 = arith.addi %add3A_112, %add3A_113 : i32
      %dma_wait3A_115 = arith.constant 0 : i32
      %dma_wait3A_116 = arith.constant 0 : i32
      %dma_wait3A_117 = tpu.memref_slice %arg7[%dma_wait3A_115, %dma_wait3A_116] : memref<2x128xi32, #tpu.memory_space<vmem>> -> memref<1x128xi32, #tpu.memory_space<vmem>>
      %dma_wait3A_118 = tpu.memref_squeeze %dma_wait3A_117 : memref<1x128xi32, #tpu.memory_space<vmem>> -> memref<128xi32, #tpu.memory_space<vmem>>
      %dma_wait3A_119 = arith.constant 0 : i32
      %dma_wait3A_120 = arith.constant 0 : i32
      %dma_wait3A_121 = tpu.memref_slice %arg2[%dma_wait3A_119, %dma_wait3A_120] : memref<10240x128xf32, #tpu.memory_space<hbm>> -> memref<10240x128xf32, #tpu.memory_space<hbm>>
      tpu.wait_indirect_dma semaphore(%arg13 : memref<!tpu.dma_semaphore, #tpu.memory_space<semaphore_mem>>) src(%dma_wait3A_121 : memref<10240x128xf32, #tpu.memory_space<hbm>>) dst(%arg9 : memref<128x128xf32, #tpu.memory_space<vmem>>)
      %dma_start3A_122 = arith.constant 1 : i32
      %dma_start3A_123 = arith.constant 0 : i32
      %dma_start3A_124 = tpu.memref_slice %arg7[%dma_start3A_122, %dma_start3A_123] : memref<2x128xi32, #tpu.memory_space<vmem>> -> memref<1x128xi32, #tpu.memory_space<vmem>>
      %dma_start3A_125 = tpu.memref_squeeze %dma_start3A_124 : memref<1x128xi32, #tpu.memory_space<vmem>> -> memref<128xi32, #tpu.memory_space<vmem>>
      %dma_start3A_126 = arith.constant 0 : i32
      %dma_start3A_127 = arith.constant 0 : i32
      %dma_start3A_128 = tpu.memref_slice %arg6[%dma_start3A_126, %dma_start3A_127] : memref<10240x128xf32, #tpu.memory_space<vmem_shared>> -> memref<10240x128xf32, #tpu.memory_space<vmem_shared>>
      tpu.enqueue_indirect_dma source(%arg9 : memref<128x128xf32, #tpu.memory_space<vmem>>) target(%dma_start3A_128 : memref<10240x128xf32, #tpu.memory_space<vmem_shared>>) offsets(%dma_start3A_125 : memref<128xi32, #tpu.memory_space<vmem>>) semaphore(%arg15 : memref<!tpu.dma_semaphore, #tpu.memory_space<semaphore_mem>>) {add = true}
      %add3A_129 = arith.constant 1 : i32
      %add3A_130 = arith.addi %add3A_114, %add3A_129 : i32
      %add3A_131 = arith.addi %mul3A_2, %add3A_130 : i32
      %dma_wait3A_132 = arith.constant 0 : i32
      %dma_wait3A_133 = arith.constant 0 : i32
      %dma_wait3A_134 = tpu.memref_slice %arg3[%add3A_131, %dma_wait3A_132, %dma_wait3A_133] : memref<2560x2x128xi32, #tpu.memory_space<hbm>> -> memref<1x2x128xi32, #tpu.memory_space<hbm>>
      %dma_wait3A_135 = tpu.memref_squeeze %dma_wait3A_134 : memref<1x2x128xi32, #tpu.memory_space<hbm>> -> memref<2x128xi32, #tpu.memory_space<hbm>>
      %dma_wait3A_136 = arith.constant 0 : i32
      %dma_wait3A_137 = arith.constant 0 : i32
      %dma_wait3A_138 = tpu.memref_slice %arg3[%add3A_131, %dma_wait3A_136, %dma_wait3A_137] : memref<2560x2x128xi32, #tpu.memory_space<hbm>> -> memref<1x2x128xi32, #tpu.memory_space<hbm>>
      %dma_wait3A_139 = tpu.memref_squeeze %dma_wait3A_138 : memref<1x2x128xi32, #tpu.memory_space<hbm>> -> memref<2x128xi32, #tpu.memory_space<hbm>>
      tpu.wait_dma2 semaphore(%arg12 : memref<!tpu.dma_semaphore, #tpu.memory_space<semaphore_mem>>) src(%dma_wait3A_139 : memref<2x128xi32, #tpu.memory_space<hbm>>) dst(%arg8 : memref<2x128xi32, #tpu.memory_space<vmem>>)
      %add3A_140 = arith.constant 1 : i32
      %add3A_141 = arith.addi %add3A_114, %add3A_140 : i32
      %dma_start3A_142 = arith.constant 0 : i32
      %dma_start3A_143 = arith.constant 0 : i32
      %dma_start3A_144 = tpu.memref_slice %arg8[%dma_start3A_142, %dma_start3A_143] : memref<2x128xi32, #tpu.memory_space<vmem>> -> memref<1x128xi32, #tpu.memory_space<vmem>>
      %dma_start3A_145 = tpu.memref_squeeze %dma_start3A_144 : memref<1x128xi32, #tpu.memory_space<vmem>> -> memref<128xi32, #tpu.memory_space<vmem>>
      %dma_start3A_146 = arith.constant 0 : i32
      %dma_start3A_147 = arith.constant 0 : i32
      %dma_start3A_148 = tpu.memref_slice %arg2[%dma_start3A_146, %dma_start3A_147] : memref<10240x128xf32, #tpu.memory_space<hbm>> -> memref<10240x128xf32, #tpu.memory_space<hbm>>
      tpu.enqueue_indirect_dma source(%dma_start3A_148 : memref<10240x128xf32, #tpu.memory_space<hbm>>) target(%arg10 : memref<128x128xf32, #tpu.memory_space<vmem>>) offsets(%dma_start3A_145 : memref<128xi32, #tpu.memory_space<vmem>>) semaphore(%arg14 : memref<!tpu.dma_semaphore, #tpu.memory_space<semaphore_mem>>)
      %dma_wait3A_149 = arith.constant 1 : i32
      %dma_wait3A_150 = arith.constant 0 : i32
      %dma_wait3A_151 = tpu.memref_slice %arg7[%dma_wait3A_149, %dma_wait3A_150] : memref<2x128xi32, #tpu.memory_space<vmem>> -> memref<1x128xi32, #tpu.memory_space<vmem>>
      %dma_wait3A_152 = tpu.memref_squeeze %dma_wait3A_151 : memref<1x128xi32, #tpu.memory_space<vmem>> -> memref<128xi32, #tpu.memory_space<vmem>>
      %dma_wait3A_153 = arith.constant 0 : i32
      %dma_wait3A_154 = arith.constant 0 : i32
      %dma_wait3A_155 = tpu.memref_slice %arg6[%dma_wait3A_153, %dma_wait3A_154] : memref<10240x128xf32, #tpu.memory_space<vmem_shared>> -> memref<10240x128xf32, #tpu.memory_space<vmem_shared>>
      tpu.wait_indirect_dma semaphore(%arg15 : memref<!tpu.dma_semaphore, #tpu.memory_space<semaphore_mem>>) src(%arg9 : memref<128x128xf32, #tpu.memory_space<vmem>>) dst(%dma_wait3A_155 : memref<10240x128xf32, #tpu.memory_space<vmem_shared>>)
      %add3A_156 = arith.constant 2 : i32
      %add3A_157 = arith.addi %add3A_114, %add3A_156 : i32
      %add3A_158 = arith.addi %mul3A_2, %add3A_157 : i32
      %dma_start3A_159 = arith.constant 0 : i32
      %dma_start3A_160 = arith.constant 0 : i32
      %dma_start3A_161 = tpu.memref_slice %arg3[%add3A_158, %dma_start3A_159, %dma_start3A_160] : memref<2560x2x128xi32, #tpu.memory_space<hbm>> -> memref<1x2x128xi32, #tpu.memory_space<hbm>>
      %dma_start3A_162 = tpu.memref_squeeze %dma_start3A_161 : memref<1x2x128xi32, #tpu.memory_space<hbm>> -> memref<2x128xi32, #tpu.memory_space<hbm>>
      %dma_start3A_163 = arith.constant 0 : i32
      %dma_start3A_164 = arith.constant 0 : i32
      %dma_start3A_165 = tpu.memref_slice %arg3[%add3A_158, %dma_start3A_163, %dma_start3A_164] : memref<2560x2x128xi32, #tpu.memory_space<hbm>> -> memref<1x2x128xi32, #tpu.memory_space<hbm>>
      %dma_start3A_166 = tpu.memref_squeeze %dma_start3A_165 : memref<1x2x128xi32, #tpu.memory_space<hbm>> -> memref<2x128xi32, #tpu.memory_space<hbm>>
      tpu.enqueue_dma source(%dma_start3A_166 : memref<2x128xi32, #tpu.memory_space<hbm>>) target(%arg7 : memref<2x128xi32, #tpu.memory_space<vmem>>) target_semaphore(%arg11 : memref<!tpu.dma_semaphore, #tpu.memory_space<semaphore_mem>>)
      %add3A_167 = arith.constant 1 : i32
      %add3A_168 = arith.addi %add3A_112, %add3A_167 : i32
      %dma_wait3A_169 = arith.constant 0 : i32
      %dma_wait3A_170 = arith.constant 0 : i32
      %dma_wait3A_171 = tpu.memref_slice %arg8[%dma_wait3A_169, %dma_wait3A_170] : memref<2x128xi32, #tpu.memory_space<vmem>> -> memref<1x128xi32, #tpu.memory_space<vmem>>
      %dma_wait3A_172 = tpu.memref_squeeze %dma_wait3A_171 : memref<1x128xi32, #tpu.memory_space<vmem>> -> memref<128xi32, #tpu.memory_space<vmem>>
      %dma_wait3A_173 = arith.constant 0 : i32
      %dma_wait3A_174 = arith.constant 0 : i32
      %dma_wait3A_175 = tpu.memref_slice %arg2[%dma_wait3A_173, %dma_wait3A_174] : memref<10240x128xf32, #tpu.memory_space<hbm>> -> memref<10240x128xf32, #tpu.memory_space<hbm>>
      tpu.wait_indirect_dma semaphore(%arg14 : memref<!tpu.dma_semaphore, #tpu.memory_space<semaphore_mem>>) src(%dma_wait3A_175 : memref<10240x128xf32, #tpu.memory_space<hbm>>) dst(%arg10 : memref<128x128xf32, #tpu.memory_space<vmem>>)
      %dma_start3A_176 = arith.constant 1 : i32
      %dma_start3A_177 = arith.constant 0 : i32
      %dma_start3A_178 = tpu.memref_slice %arg8[%dma_start3A_176, %dma_start3A_177] : memref<2x128xi32, #tpu.memory_space<vmem>> -> memref<1x128xi32, #tpu.memory_space<vmem>>
      %dma_start3A_179 = tpu.memref_squeeze %dma_start3A_178 : memref<1x128xi32, #tpu.memory_space<vmem>> -> memref<128xi32, #tpu.memory_space<vmem>>
      %dma_start3A_180 = arith.constant 0 : i32
      %dma_start3A_181 = arith.constant 0 : i32
      %dma_start3A_182 = tpu.memref_slice %arg6[%dma_start3A_180, %dma_start3A_181] : memref<10240x128xf32, #tpu.memory_space<vmem_shared>> -> memref<10240x128xf32, #tpu.memory_space<vmem_shared>>
      tpu.enqueue_indirect_dma source(%arg10 : memref<128x128xf32, #tpu.memory_space<vmem>>) target(%dma_start3A_182 : memref<10240x128xf32, #tpu.memory_space<vmem_shared>>) offsets(%dma_start3A_179 : memref<128xi32, #tpu.memory_space<vmem>>) semaphore(%arg16 : memref<!tpu.dma_semaphore, #tpu.memory_space<semaphore_mem>>) {add = true}
      %add3A_183 = arith.constant 1 : i32
      %add3A_184 = arith.addi %add3A_168, %add3A_183 : i32
      %add3A_185 = arith.addi %mul3A_2, %add3A_184 : i32
      %dma_wait3A_186 = arith.constant 0 : i32
      %dma_wait3A_187 = arith.constant 0 : i32
      %dma_wait3A_188 = tpu.memref_slice %arg3[%add3A_185, %dma_wait3A_186, %dma_wait3A_187] : memref<2560x2x128xi32, #tpu.memory_space<hbm>> -> memref<1x2x128xi32, #tpu.memory_space<hbm>>
      %dma_wait3A_189 = tpu.memref_squeeze %dma_wait3A_188 : memref<1x2x128xi32, #tpu.memory_space<hbm>> -> memref<2x128xi32, #tpu.memory_space<hbm>>
      %dma_wait3A_190 = arith.constant 0 : i32
      %dma_wait3A_191 = arith.constant 0 : i32
      %dma_wait3A_192 = tpu.memref_slice %arg3[%add3A_185, %dma_wait3A_190, %dma_wait3A_191] : memref<2560x2x128xi32, #tpu.memory_space<hbm>> -> memref<1x2x128xi32, #tpu.memory_space<hbm>>
      %dma_wait3A_193 = tpu.memref_squeeze %dma_wait3A_192 : memref<1x2x128xi32, #tpu.memory_space<hbm>> -> memref<2x128xi32, #tpu.memory_space<hbm>>
      tpu.wait_dma2 semaphore(%arg11 : memref<!tpu.dma_semaphore, #tpu.memory_space<semaphore_mem>>) src(%dma_wait3A_193 : memref<2x128xi32, #tpu.memory_space<hbm>>) dst(%arg7 : memref<2x128xi32, #tpu.memory_space<vmem>>)
      %add3A_194 = arith.constant 1 : i32
      %add3A_195 = arith.addi %add3A_168, %add3A_194 : i32
      %dma_start3A_196 = arith.constant 0 : i32
      %dma_start3A_197 = arith.constant 0 : i32
      %dma_start3A_198 = tpu.memref_slice %arg7[%dma_start3A_196, %dma_start3A_197] : memref<2x128xi32, #tpu.memory_space<vmem>> -> memref<1x128xi32, #tpu.memory_space<vmem>>
      %dma_start3A_199 = tpu.memref_squeeze %dma_start3A_198 : memref<1x128xi32, #tpu.memory_space<vmem>> -> memref<128xi32, #tpu.memory_space<vmem>>
      %dma_start3A_200 = arith.constant 0 : i32
      %dma_start3A_201 = arith.constant 0 : i32
      %dma_start3A_202 = tpu.memref_slice %arg2[%dma_start3A_200, %dma_start3A_201] : memref<10240x128xf32, #tpu.memory_space<hbm>> -> memref<10240x128xf32, #tpu.memory_space<hbm>>
      tpu.enqueue_indirect_dma source(%dma_start3A_202 : memref<10240x128xf32, #tpu.memory_space<hbm>>) target(%arg9 : memref<128x128xf32, #tpu.memory_space<vmem>>) offsets(%dma_start3A_199 : memref<128xi32, #tpu.memory_space<vmem>>) semaphore(%arg13 : memref<!tpu.dma_semaphore, #tpu.memory_space<semaphore_mem>>)
      %dma_wait3A_203 = arith.constant 1 : i32
      %dma_wait3A_204 = arith.constant 0 : i32
      %dma_wait3A_205 = tpu.memref_slice %arg8[%dma_wait3A_203, %dma_wait3A_204] : memref<2x128xi32, #tpu.memory_space<vmem>> -> memref<1x128xi32, #tpu.memory_space<vmem>>
      %dma_wait3A_206 = tpu.memref_squeeze %dma_wait3A_205 : memref<1x128xi32, #tpu.memory_space<vmem>> -> memref<128xi32, #tpu.memory_space<vmem>>
      %dma_wait3A_207 = arith.constant 0 : i32
      %dma_wait3A_208 = arith.constant 0 : i32
      %dma_wait3A_209 = tpu.memref_slice %arg6[%dma_wait3A_207, %dma_wait3A_208] : memref<10240x128xf32, #tpu.memory_space<vmem_shared>> -> memref<10240x128xf32, #tpu.memory_space<vmem_shared>>
      tpu.wait_indirect_dma semaphore(%arg16 : memref<!tpu.dma_semaphore, #tpu.memory_space<semaphore_mem>>) src(%arg10 : memref<128x128xf32, #tpu.memory_space<vmem>>) dst(%dma_wait3A_209 : memref<10240x128xf32, #tpu.memory_space<vmem_shared>>)
      %add3A_210 = arith.constant 2 : i32
      %add3A_211 = arith.addi %add3A_168, %add3A_210 : i32
      %add3A_212 = arith.addi %mul3A_2, %add3A_211 : i32
      %dma_start3A_213 = arith.constant 0 : i32
      %dma_start3A_214 = arith.constant 0 : i32
      %dma_start3A_215 = tpu.memref_slice %arg3[%add3A_212, %dma_start3A_213, %dma_start3A_214] : memref<2560x2x128xi32, #tpu.memory_space<hbm>> -> memref<1x2x128xi32, #tpu.memory_space<hbm>>
      %dma_start3A_216 = tpu.memref_squeeze %dma_start3A_215 : memref<1x2x128xi32, #tpu.memory_space<hbm>> -> memref<2x128xi32, #tpu.memory_space<hbm>>
      %dma_start3A_217 = arith.constant 0 : i32
      %dma_start3A_218 = arith.constant 0 : i32
      %dma_start3A_219 = tpu.memref_slice %arg3[%add3A_212, %dma_start3A_217, %dma_start3A_218] : memref<2560x2x128xi32, #tpu.memory_space<hbm>> -> memref<1x2x128xi32, #tpu.memory_space<hbm>>
      %dma_start3A_220 = tpu.memref_squeeze %dma_start3A_219 : memref<1x2x128xi32, #tpu.memory_space<hbm>> -> memref<2x128xi32, #tpu.memory_space<hbm>>
      tpu.enqueue_dma source(%dma_start3A_220 : memref<2x128xi32, #tpu.memory_space<hbm>>) target(%arg8 : memref<2x128xi32, #tpu.memory_space<vmem>>) target_semaphore(%arg12 : memref<!tpu.dma_semaphore, #tpu.memory_space<semaphore_mem>>)
    }
    %scan3A_43 = arith.constant 39 : i32
    %dma_wait3A_44 = arith.constant 0 : i32
    %dma_wait3A_45 = arith.constant 0 : i32
    %dma_wait3A_46 = tpu.memref_slice %arg7[%dma_wait3A_44, %dma_wait3A_45] : memref<2x128xi32, #tpu.memory_space<vmem>> -> memref<1x128xi32, #tpu.memory_space<vmem>>
    %dma_wait3A_47 = tpu.memref_squeeze %dma_wait3A_46 : memref<1x128xi32, #tpu.memory_space<vmem>> -> memref<128xi32, #tpu.memory_space<vmem>>
    %dma_wait3A_48 = arith.constant 0 : i32
    %dma_wait3A_49 = arith.constant 0 : i32
    %dma_wait3A_50 = tpu.memref_slice %arg2[%dma_wait3A_48, %dma_wait3A_49] : memref<10240x128xf32, #tpu.memory_space<hbm>> -> memref<10240x128xf32, #tpu.memory_space<hbm>>
    tpu.wait_indirect_dma semaphore(%arg13 : memref<!tpu.dma_semaphore, #tpu.memory_space<semaphore_mem>>) src(%dma_wait3A_50 : memref<10240x128xf32, #tpu.memory_space<hbm>>) dst(%arg9 : memref<128x128xf32, #tpu.memory_space<vmem>>)
    %dma_start3A_51 = arith.constant 1 : i32
    %dma_start3A_52 = arith.constant 0 : i32
    %dma_start3A_53 = tpu.memref_slice %arg7[%dma_start3A_51, %dma_start3A_52] : memref<2x128xi32, #tpu.memory_space<vmem>> -> memref<1x128xi32, #tpu.memory_space<vmem>>
    %dma_start3A_54 = tpu.memref_squeeze %dma_start3A_53 : memref<1x128xi32, #tpu.memory_space<vmem>> -> memref<128xi32, #tpu.memory_space<vmem>>
    %dma_start3A_55 = arith.constant 0 : i32
    %dma_start3A_56 = arith.constant 0 : i32
    %dma_start3A_57 = tpu.memref_slice %arg6[%dma_start3A_55, %dma_start3A_56] : memref<10240x128xf32, #tpu.memory_space<vmem_shared>> -> memref<10240x128xf32, #tpu.memory_space<vmem_shared>>
    tpu.enqueue_indirect_dma source(%arg9 : memref<128x128xf32, #tpu.memory_space<vmem>>) target(%dma_start3A_57 : memref<10240x128xf32, #tpu.memory_space<vmem_shared>>) offsets(%dma_start3A_54 : memref<128xi32, #tpu.memory_space<vmem>>) semaphore(%arg15 : memref<!tpu.dma_semaphore, #tpu.memory_space<semaphore_mem>>) {add = true}
    %add3A_58 = arith.constant 79 : i32
    %add3A_59 = arith.addi %mul3A_2, %add3A_58 : i32
    %dma_wait3A_60 = arith.constant 0 : i32
    %dma_wait3A_61 = arith.constant 0 : i32
    %dma_wait3A_62 = tpu.memref_slice %arg3[%add3A_59, %dma_wait3A_60, %dma_wait3A_61] : memref<2560x2x128xi32, #tpu.memory_space<hbm>> -> memref<1x2x128xi32, #tpu.memory_space<hbm>>
    %dma_wait3A_63 = tpu.memref_squeeze %dma_wait3A_62 : memref<1x2x128xi32, #tpu.memory_space<hbm>> -> memref<2x128xi32, #tpu.memory_space<hbm>>
    %dma_wait3A_64 = arith.constant 0 : i32
    %dma_wait3A_65 = arith.constant 0 : i32
    %dma_wait3A_66 = tpu.memref_slice %arg3[%add3A_59, %dma_wait3A_64, %dma_wait3A_65] : memref<2560x2x128xi32, #tpu.memory_space<hbm>> -> memref<1x2x128xi32, #tpu.memory_space<hbm>>
    %dma_wait3A_67 = tpu.memref_squeeze %dma_wait3A_66 : memref<1x2x128xi32, #tpu.memory_space<hbm>> -> memref<2x128xi32, #tpu.memory_space<hbm>>
    tpu.wait_dma2 semaphore(%arg12 : memref<!tpu.dma_semaphore, #tpu.memory_space<semaphore_mem>>) src(%dma_wait3A_67 : memref<2x128xi32, #tpu.memory_space<hbm>>) dst(%arg8 : memref<2x128xi32, #tpu.memory_space<vmem>>)
    %dma_start3A_68 = arith.constant 0 : i32
    %dma_start3A_69 = arith.constant 0 : i32
    %dma_start3A_70 = tpu.memref_slice %arg8[%dma_start3A_68, %dma_start3A_69] : memref<2x128xi32, #tpu.memory_space<vmem>> -> memref<1x128xi32, #tpu.memory_space<vmem>>
    %dma_start3A_71 = tpu.memref_squeeze %dma_start3A_70 : memref<1x128xi32, #tpu.memory_space<vmem>> -> memref<128xi32, #tpu.memory_space<vmem>>
    %dma_start3A_72 = arith.constant 0 : i32
    %dma_start3A_73 = arith.constant 0 : i32
    %dma_start3A_74 = tpu.memref_slice %arg2[%dma_start3A_72, %dma_start3A_73] : memref<10240x128xf32, #tpu.memory_space<hbm>> -> memref<10240x128xf32, #tpu.memory_space<hbm>>
    tpu.enqueue_indirect_dma source(%dma_start3A_74 : memref<10240x128xf32, #tpu.memory_space<hbm>>) target(%arg10 : memref<128x128xf32, #tpu.memory_space<vmem>>) offsets(%dma_start3A_71 : memref<128xi32, #tpu.memory_space<vmem>>) semaphore(%arg14 : memref<!tpu.dma_semaphore, #tpu.memory_space<semaphore_mem>>)
    %dma_wait3A_75 = arith.constant 1 : i32
    %dma_wait3A_76 = arith.constant 0 : i32
    %dma_wait3A_77 = tpu.memref_slice %arg7[%dma_wait3A_75, %dma_wait3A_76] : memref<2x128xi32, #tpu.memory_space<vmem>> -> memref<1x128xi32, #tpu.memory_space<vmem>>
    %dma_wait3A_78 = tpu.memref_squeeze %dma_wait3A_77 : memref<1x128xi32, #tpu.memory_space<vmem>> -> memref<128xi32, #tpu.memory_space<vmem>>
    %dma_wait3A_79 = arith.constant 0 : i32
    %dma_wait3A_80 = arith.constant 0 : i32
    %dma_wait3A_81 = tpu.memref_slice %arg6[%dma_wait3A_79, %dma_wait3A_80] : memref<10240x128xf32, #tpu.memory_space<vmem_shared>> -> memref<10240x128xf32, #tpu.memory_space<vmem_shared>>
    tpu.wait_indirect_dma semaphore(%arg15 : memref<!tpu.dma_semaphore, #tpu.memory_space<semaphore_mem>>) src(%arg9 : memref<128x128xf32, #tpu.memory_space<vmem>>) dst(%dma_wait3A_81 : memref<10240x128xf32, #tpu.memory_space<vmem_shared>>)
    %dma_wait3A_82 = arith.constant 0 : i32
    %dma_wait3A_83 = arith.constant 0 : i32
    %dma_wait3A_84 = tpu.memref_slice %arg8[%dma_wait3A_82, %dma_wait3A_83] : memref<2x128xi32, #tpu.memory_space<vmem>> -> memref<1x128xi32, #tpu.memory_space<vmem>>
    %dma_wait3A_85 = tpu.memref_squeeze %dma_wait3A_84 : memref<1x128xi32, #tpu.memory_space<vmem>> -> memref<128xi32, #tpu.memory_space<vmem>>
    %dma_wait3A_86 = arith.constant 0 : i32
    %dma_wait3A_87 = arith.constant 0 : i32
    %dma_wait3A_88 = tpu.memref_slice %arg2[%dma_wait3A_86, %dma_wait3A_87] : memref<10240x128xf32, #tpu.memory_space<hbm>> -> memref<10240x128xf32, #tpu.memory_space<hbm>>
    tpu.wait_indirect_dma semaphore(%arg14 : memref<!tpu.dma_semaphore, #tpu.memory_space<semaphore_mem>>) src(%dma_wait3A_88 : memref<10240x128xf32, #tpu.memory_space<hbm>>) dst(%arg10 : memref<128x128xf32, #tpu.memory_space<vmem>>)
    %dma_start3A_89 = arith.constant 1 : i32
    %dma_start3A_90 = arith.constant 0 : i32
    %dma_start3A_91 = tpu.memref_slice %arg8[%dma_start3A_89, %dma_start3A_90] : memref<2x128xi32, #tpu.memory_space<vmem>> -> memref<1x128xi32, #tpu.memory_space<vmem>>
    %dma_start3A_92 = tpu.memref_squeeze %dma_start3A_91 : memref<1x128xi32, #tpu.memory_space<vmem>> -> memref<128xi32, #tpu.memory_space<vmem>>
    %dma_start3A_93 = arith.constant 0 : i32
    %dma_start3A_94 = arith.constant 0 : i32
    %dma_start3A_95 = tpu.memref_slice %arg6[%dma_start3A_93, %dma_start3A_94] : memref<10240x128xf32, #tpu.memory_space<vmem_shared>> -> memref<10240x128xf32, #tpu.memory_space<vmem_shared>>
    tpu.enqueue_indirect_dma source(%arg10 : memref<128x128xf32, #tpu.memory_space<vmem>>) target(%dma_start3A_95 : memref<10240x128xf32, #tpu.memory_space<vmem_shared>>) offsets(%dma_start3A_92 : memref<128xi32, #tpu.memory_space<vmem>>) semaphore(%arg16 : memref<!tpu.dma_semaphore, #tpu.memory_space<semaphore_mem>>) {add = true}
    %dma_wait3A_96 = arith.constant 1 : i32
    %dma_wait3A_97 = arith.constant 0 : i32
    %dma_wait3A_98 = tpu.memref_slice %arg8[%dma_wait3A_96, %dma_wait3A_97] : memref<2x128xi32, #tpu.memory_space<vmem>> -> memref<1x128xi32, #tpu.memory_space<vmem>>
    %dma_wait3A_99 = tpu.memref_squeeze %dma_wait3A_98 : memref<1x128xi32, #tpu.memory_space<vmem>> -> memref<128xi32, #tpu.memory_space<vmem>>
    %dma_wait3A_100 = arith.constant 0 : i32
    %dma_wait3A_101 = arith.constant 0 : i32
    %dma_wait3A_102 = tpu.memref_slice %arg6[%dma_wait3A_100, %dma_wait3A_101] : memref<10240x128xf32, #tpu.memory_space<vmem_shared>> -> memref<10240x128xf32, #tpu.memory_space<vmem_shared>>
    tpu.wait_indirect_dma semaphore(%arg16 : memref<!tpu.dma_semaphore, #tpu.memory_space<semaphore_mem>>) src(%arg10 : memref<128x128xf32, #tpu.memory_space<vmem>>) dst(%dma_wait3A_102 : memref<10240x128xf32, #tpu.memory_space<vmem_shared>>)
    %barrier3A_103 = arith.constant 0 : index
    tpu.barrier barrier_id(%barrier3A_103)
    %mul3A_104 = arith.constant 640 : i32
    %mul3A_105 = arith.muli %arg1, %mul3A_104 : i32
    %mul3A_106 = arith.constant 640 : i32
    %mul3A_107 = arith.muli %arg1, %mul3A_106 : i32
    "tpu.region"() ({
      %run_scoped3A = tpu.sem_alloc : memref<!tpu.dma_semaphore, #tpu.memory_space<semaphore_mem>>
      %dma_start3A_108 = arith.constant 0 : i32
      %dma_start3A_109 = tpu.memref_slice %arg5[%arg0, %mul3A_107, %dma_start3A_108] : memref<2x10240x128xf32, #tpu.memory_space<hbm>> -> memref<1x640x128xf32, #tpu.memory_space<hbm>>
      %dma_start3A_110 = tpu.memref_squeeze %dma_start3A_109 : memref<1x640x128xf32, #tpu.memory_space<hbm>> -> memref<640x128xf32, #tpu.memory_space<hbm>>
      %dma_start3A_111 = arith.constant 0 : i32
      %dma_start3A_112 = tpu.memref_slice %arg6[%mul3A_105, %dma_start3A_111] : memref<10240x128xf32, #tpu.memory_space<vmem_shared>> -> memref<640x128xf32, #tpu.memory_space<vmem_shared>>
      tpu.enqueue_dma source(%dma_start3A_112 : memref<640x128xf32, #tpu.memory_space<vmem_shared>>) target(%dma_start3A_110 : memref<640x128xf32, #tpu.memory_space<hbm>>) target_semaphore(%run_scoped3A : memref<!tpu.dma_semaphore, #tpu.memory_space<semaphore_mem>>)
      %dma_wait3A_113 = arith.constant 0 : i32
      %dma_wait3A_114 = tpu.memref_slice %arg5[%arg0, %mul3A_107, %dma_wait3A_113] : memref<2x10240x128xf32, #tpu.memory_space<hbm>> -> memref<1x640x128xf32, #tpu.memory_space<hbm>>
      %dma_wait3A_115 = tpu.memref_squeeze %dma_wait3A_114 : memref<1x640x128xf32, #tpu.memory_space<hbm>> -> memref<640x128xf32, #tpu.memory_space<hbm>>
      %dma_wait3A_116 = arith.constant 0 : i32
      %dma_wait3A_117 = tpu.memref_slice %arg6[%mul3A_105, %dma_wait3A_116] : memref<10240x128xf32, #tpu.memory_space<vmem_shared>> -> memref<640x128xf32, #tpu.memory_space<vmem_shared>>
      tpu.wait_dma2 semaphore(%run_scoped3A : memref<!tpu.dma_semaphore, #tpu.memory_space<semaphore_mem>>) src(%dma_wait3A_117 : memref<640x128xf32, #tpu.memory_space<vmem_shared>>) dst(%dma_wait3A_115 : memref<640x128xf32, #tpu.memory_space<hbm>>)
      tpu.yield
    }) : () -> ()
    return
  }
}

#map = affine_map<(d0, d1) -> (0, 0, 0)>
#map1 = affine_map<(d0, d1) -> (0, 0)>
module attributes {stable_mosaic.version = 14 : i64} {
  func.func @agg(%arg0: i32, %arg1: i32, %arg2: memref<2x10240x128xf32, #tpu.memory_space<hbm>>, %arg3: memref<2560x2x128xi32, #tpu.memory_space<hbm>>, %arg4: memref<640x128xf32, #tpu.memory_space<hbm>>, %arg5: memref<2x10240x128xf32, #tpu.memory_space<hbm>>, %arg6: memref<10240x128xf32, #tpu.memory_space<vmem_shared>>, %arg7: memref<2x128xi32, #tpu.memory_space<vmem>>, %arg8: memref<2x128xi32, #tpu.memory_space<vmem>>, %arg9: memref<128x128xf32, #tpu.memory_space<vmem>>, %arg10: memref<128x128xf32, #tpu.memory_space<vmem>>, %arg11: memref<!tpu.dma_semaphore, #tpu.memory_space<semaphore_mem>>, %arg12: memref<!tpu.dma_semaphore, #tpu.memory_space<semaphore_mem>>, %arg13: memref<!tpu.dma_semaphore, #tpu.memory_space<semaphore_mem>>, %arg14: memref<!tpu.dma_semaphore, #tpu.memory_space<semaphore_mem>>, %arg15: memref<!tpu.dma_semaphore, #tpu.memory_space<semaphore_mem>>, %arg16: memref<!tpu.dma_semaphore, #tpu.memory_space<semaphore_mem>>) attributes {dimension_semantics = [#tpu.dimension_semantics<core_parallel>, #tpu.dimension_semantics<subcore_parallel>], iteration_bounds = array<i64: 2, 16>, scalar_prefetch = 0 : i64, scratch_operands = 11 : i64, tpu.core_type = #tpu.core_type<sc_vector_subcore>, window_params = [{transform_indices = #map}, {transform_indices = #map}, {transform_indices = #map1}, {transform_indices = #map}]} {
    %mul3A = arith.constant 160 : i32
    %mul3A_0 = arith.muli %arg1, %mul3A : i32
    %add3A = arith.constant 0 : i32
    %add3A_1 = arith.addi %mul3A_0, %add3A : i32
    %dma_start3A = arith.constant 0 : i32
    %dma_start3A_2 = arith.constant 0 : i32
    %dma_start3A_3 = tpu.memref_slice %arg3[%add3A_1, %dma_start3A, %dma_start3A_2] : memref<2560x2x128xi32, #tpu.memory_space<hbm>> -> memref<1x2x128xi32, #tpu.memory_space<hbm>>
    %dma_start3A_4 = tpu.memref_squeeze %dma_start3A_3 : memref<1x2x128xi32, #tpu.memory_space<hbm>> -> memref<2x128xi32, #tpu.memory_space<hbm>>
    %dma_start3A_5 = arith.constant 0 : i32
    %dma_start3A_6 = arith.constant 0 : i32
    %dma_start3A_7 = tpu.memref_slice %arg3[%add3A_1, %dma_start3A_5, %dma_start3A_6] : memref<2560x2x128xi32, #tpu.memory_space<hbm>> -> memref<1x2x128xi32, #tpu.memory_space<hbm>>
    %dma_start3A_8 = tpu.memref_squeeze %dma_start3A_7 : memref<1x2x128xi32, #tpu.memory_space<hbm>> -> memref<2x128xi32, #tpu.memory_space<hbm>>
    tpu.enqueue_dma source(%dma_start3A_8 : memref<2x128xi32, #tpu.memory_space<hbm>>) target(%arg7 : memref<2x128xi32, #tpu.memory_space<vmem>>) target_semaphore(%arg11 : memref<!tpu.dma_semaphore, #tpu.memory_space<semaphore_mem>>)
    %add3A_9 = arith.constant 1 : i32
    %add3A_10 = arith.addi %mul3A_0, %add3A_9 : i32
    %dma_start3A_11 = arith.constant 0 : i32
    %dma_start3A_12 = arith.constant 0 : i32
    %dma_start3A_13 = tpu.memref_slice %arg3[%add3A_10, %dma_start3A_11, %dma_start3A_12] : memref<2560x2x128xi32, #tpu.memory_space<hbm>> -> memref<1x2x128xi32, #tpu.memory_space<hbm>>
    %dma_start3A_14 = tpu.memref_squeeze %dma_start3A_13 : memref<1x2x128xi32, #tpu.memory_space<hbm>> -> memref<2x128xi32, #tpu.memory_space<hbm>>
    %dma_start3A_15 = arith.constant 0 : i32
    %dma_start3A_16 = arith.constant 0 : i32
    %dma_start3A_17 = tpu.memref_slice %arg3[%add3A_10, %dma_start3A_15, %dma_start3A_16] : memref<2560x2x128xi32, #tpu.memory_space<hbm>> -> memref<1x2x128xi32, #tpu.memory_space<hbm>>
    %dma_start3A_18 = tpu.memref_squeeze %dma_start3A_17 : memref<1x2x128xi32, #tpu.memory_space<hbm>> -> memref<2x128xi32, #tpu.memory_space<hbm>>
    tpu.enqueue_dma source(%dma_start3A_18 : memref<2x128xi32, #tpu.memory_space<hbm>>) target(%arg8 : memref<2x128xi32, #tpu.memory_space<vmem>>) target_semaphore(%arg12 : memref<!tpu.dma_semaphore, #tpu.memory_space<semaphore_mem>>)
    %mul3A_19 = arith.constant 640 : i32
    %mul3A_20 = arith.muli %arg1, %mul3A_19 : i32
    "tpu.region"() ({
      %run_scoped3A = tpu.sem_alloc : memref<!tpu.dma_semaphore, #tpu.memory_space<semaphore_mem>>
      %dma_start3A_121 = arith.constant 0 : i32
      %dma_start3A_122 = tpu.memref_slice %arg6[%mul3A_20, %dma_start3A_121] : memref<10240x128xf32, #tpu.memory_space<vmem_shared>> -> memref<640x128xf32, #tpu.memory_space<vmem_shared>>
      tpu.enqueue_dma source(%arg4 : memref<640x128xf32, #tpu.memory_space<hbm>>) target(%dma_start3A_122 : memref<640x128xf32, #tpu.memory_space<vmem_shared>>) target_semaphore(%run_scoped3A : memref<!tpu.dma_semaphore, #tpu.memory_space<semaphore_mem>>)
      %dma_wait3A_123 = arith.constant 0 : i32
      %dma_wait3A_124 = tpu.memref_slice %arg6[%mul3A_20, %dma_wait3A_123] : memref<10240x128xf32, #tpu.memory_space<vmem_shared>> -> memref<640x128xf32, #tpu.memory_space<vmem_shared>>
      tpu.wait_dma2 semaphore(%run_scoped3A : memref<!tpu.dma_semaphore, #tpu.memory_space<semaphore_mem>>) src(%arg4 : memref<640x128xf32, #tpu.memory_space<hbm>>) dst(%dma_wait3A_124 : memref<640x128xf32, #tpu.memory_space<vmem_shared>>)
      tpu.yield
    }) : () -> ()
    %add3A_21 = arith.constant 0 : i32
    %add3A_22 = arith.addi %mul3A_0, %add3A_21 : i32
    %dma_wait3A = arith.constant 0 : i32
    %dma_wait3A_23 = arith.constant 0 : i32
    %dma_wait3A_24 = tpu.memref_slice %arg3[%add3A_22, %dma_wait3A, %dma_wait3A_23] : memref<2560x2x128xi32, #tpu.memory_space<hbm>> -> memref<1x2x128xi32, #tpu.memory_space<hbm>>
    %dma_wait3A_25 = tpu.memref_squeeze %dma_wait3A_24 : memref<1x2x128xi32, #tpu.memory_space<hbm>> -> memref<2x128xi32, #tpu.memory_space<hbm>>
    %dma_wait3A_26 = arith.constant 0 : i32
    %dma_wait3A_27 = arith.constant 0 : i32
    %dma_wait3A_28 = tpu.memref_slice %arg3[%add3A_22, %dma_wait3A_26, %dma_wait3A_27] : memref<2560x2x128xi32, #tpu.memory_space<hbm>> -> memref<1x2x128xi32, #tpu.memory_space<hbm>>
    %dma_wait3A_29 = tpu.memref_squeeze %dma_wait3A_28 : memref<1x2x128xi32, #tpu.memory_space<hbm>> -> memref<2x128xi32, #tpu.memory_space<hbm>>
    tpu.wait_dma2 semaphore(%arg11 : memref<!tpu.dma_semaphore, #tpu.memory_space<semaphore_mem>>) src(%dma_wait3A_29 : memref<2x128xi32, #tpu.memory_space<hbm>>) dst(%arg7 : memref<2x128xi32, #tpu.memory_space<vmem>>)
    %dma_start3A_30 = arith.constant 0 : i32
    %dma_start3A_31 = arith.constant 0 : i32
    %dma_start3A_32 = tpu.memref_slice %arg7[%dma_start3A_30, %dma_start3A_31] : memref<2x128xi32, #tpu.memory_space<vmem>> -> memref<1x128xi32, #tpu.memory_space<vmem>>
    %dma_start3A_33 = tpu.memref_squeeze %dma_start3A_32 : memref<1x128xi32, #tpu.memory_space<vmem>> -> memref<128xi32, #tpu.memory_space<vmem>>
    %dma_start3A_34 = arith.constant 0 : i32
    %dma_start3A_35 = arith.constant 0 : i32
    %dma_start3A_36 = tpu.memref_slice %arg2[%arg0, %dma_start3A_34, %dma_start3A_35] : memref<2x10240x128xf32, #tpu.memory_space<hbm>> -> memref<1x10240x128xf32, #tpu.memory_space<hbm>>
    %dma_start3A_37 = tpu.memref_squeeze %dma_start3A_36 : memref<1x10240x128xf32, #tpu.memory_space<hbm>> -> memref<10240x128xf32, #tpu.memory_space<hbm>>
    %dma_start3A_38 = arith.constant 0 : i32
    %dma_start3A_39 = arith.constant 0 : i32
    %dma_start3A_40 = tpu.memref_slice %dma_start3A_37[%dma_start3A_38, %dma_start3A_39] : memref<10240x128xf32, #tpu.memory_space<hbm>> -> memref<10240x128xf32, #tpu.memory_space<hbm>>
    tpu.enqueue_indirect_dma source(%dma_start3A_40 : memref<10240x128xf32, #tpu.memory_space<hbm>>) target(%arg9 : memref<128x128xf32, #tpu.memory_space<vmem>>) offsets(%dma_start3A_33 : memref<128xi32, #tpu.memory_space<vmem>>) semaphore(%arg13 : memref<!tpu.dma_semaphore, #tpu.memory_space<semaphore_mem>>)
    %barrier3A = arith.constant 0 : index
    tpu.barrier barrier_id(%barrier3A)
    %scan3A = arith.constant 0 : i32
    %scan3A_41 = arith.constant 79 : i32
    %scan3A_42 = arith.addi %scan3A, %scan3A_41 : i32
    %scan3A_43 = arith.constant 1 : i32
    scf.for %scan3A_121 = %scan3A to %scan3A_42 step %scan3A_43  : i32 {
      %mul3A_122 = arith.constant 2 : i32
      %mul3A_123 = arith.muli %scan3A_121, %mul3A_122 : i32
      %add3A_124 = arith.constant 0 : i32
      %add3A_125 = arith.addi %add3A_124, %mul3A_123 : i32
      %add3A_126 = arith.constant 0 : i32
      %add3A_127 = arith.addi %add3A_125, %add3A_126 : i32
      %dma_wait3A_128 = arith.constant 0 : i32
      %dma_wait3A_129 = arith.constant 0 : i32
      %dma_wait3A_130 = tpu.memref_slice %arg7[%dma_wait3A_128, %dma_wait3A_129] : memref<2x128xi32, #tpu.memory_space<vmem>> -> memref<1x128xi32, #tpu.memory_space<vmem>>
      %dma_wait3A_131 = tpu.memref_squeeze %dma_wait3A_130 : memref<1x128xi32, #tpu.memory_space<vmem>> -> memref<128xi32, #tpu.memory_space<vmem>>
      %dma_wait3A_132 = arith.constant 0 : i32
      %dma_wait3A_133 = arith.constant 0 : i32
      %dma_wait3A_134 = tpu.memref_slice %arg2[%arg0, %dma_wait3A_132, %dma_wait3A_133] : memref<2x10240x128xf32, #tpu.memory_space<hbm>> -> memref<1x10240x128xf32, #tpu.memory_space<hbm>>
      %dma_wait3A_135 = tpu.memref_squeeze %dma_wait3A_134 : memref<1x10240x128xf32, #tpu.memory_space<hbm>> -> memref<10240x128xf32, #tpu.memory_space<hbm>>
      %dma_wait3A_136 = arith.constant 0 : i32
      %dma_wait3A_137 = arith.constant 0 : i32
      %dma_wait3A_138 = tpu.memref_slice %dma_wait3A_135[%dma_wait3A_136, %dma_wait3A_137] : memref<10240x128xf32, #tpu.memory_space<hbm>> -> memref<10240x128xf32, #tpu.memory_space<hbm>>
      tpu.wait_indirect_dma semaphore(%arg13 : memref<!tpu.dma_semaphore, #tpu.memory_space<semaphore_mem>>) src(%dma_wait3A_138 : memref<10240x128xf32, #tpu.memory_space<hbm>>) dst(%arg9 : memref<128x128xf32, #tpu.memory_space<vmem>>)
      %dma_start3A_139 = arith.constant 1 : i32
      %dma_start3A_140 = arith.constant 0 : i32
      %dma_start3A_141 = tpu.memref_slice %arg7[%dma_start3A_139, %dma_start3A_140] : memref<2x128xi32, #tpu.memory_space<vmem>> -> memref<1x128xi32, #tpu.memory_space<vmem>>
      %dma_start3A_142 = tpu.memref_squeeze %dma_start3A_141 : memref<1x128xi32, #tpu.memory_space<vmem>> -> memref<128xi32, #tpu.memory_space<vmem>>
      %dma_start3A_143 = arith.constant 0 : i32
      %dma_start3A_144 = arith.constant 0 : i32
      %dma_start3A_145 = tpu.memref_slice %arg6[%dma_start3A_143, %dma_start3A_144] : memref<10240x128xf32, #tpu.memory_space<vmem_shared>> -> memref<10240x128xf32, #tpu.memory_space<vmem_shared>>
      tpu.enqueue_indirect_dma source(%arg9 : memref<128x128xf32, #tpu.memory_space<vmem>>) target(%dma_start3A_145 : memref<10240x128xf32, #tpu.memory_space<vmem_shared>>) offsets(%dma_start3A_142 : memref<128xi32, #tpu.memory_space<vmem>>) semaphore(%arg15 : memref<!tpu.dma_semaphore, #tpu.memory_space<semaphore_mem>>) {add = true}
      %add3A_146 = arith.constant 1 : i32
      %add3A_147 = arith.addi %add3A_127, %add3A_146 : i32
      %add3A_148 = arith.addi %mul3A_0, %add3A_147 : i32
      %dma_wait3A_149 = arith.constant 0 : i32
      %dma_wait3A_150 = arith.constant 0 : i32
      %dma_wait3A_151 = tpu.memref_slice %arg3[%add3A_148, %dma_wait3A_149, %dma_wait3A_150] : memref<2560x2x128xi32, #tpu.memory_space<hbm>> -> memref<1x2x128xi32, #tpu.memory_space<hbm>>
      %dma_wait3A_152 = tpu.memref_squeeze %dma_wait3A_151 : memref<1x2x128xi32, #tpu.memory_space<hbm>> -> memref<2x128xi32, #tpu.memory_space<hbm>>
      %dma_wait3A_153 = arith.constant 0 : i32
      %dma_wait3A_154 = arith.constant 0 : i32
      %dma_wait3A_155 = tpu.memref_slice %arg3[%add3A_148, %dma_wait3A_153, %dma_wait3A_154] : memref<2560x2x128xi32, #tpu.memory_space<hbm>> -> memref<1x2x128xi32, #tpu.memory_space<hbm>>
      %dma_wait3A_156 = tpu.memref_squeeze %dma_wait3A_155 : memref<1x2x128xi32, #tpu.memory_space<hbm>> -> memref<2x128xi32, #tpu.memory_space<hbm>>
      tpu.wait_dma2 semaphore(%arg12 : memref<!tpu.dma_semaphore, #tpu.memory_space<semaphore_mem>>) src(%dma_wait3A_156 : memref<2x128xi32, #tpu.memory_space<hbm>>) dst(%arg8 : memref<2x128xi32, #tpu.memory_space<vmem>>)
      %add3A_157 = arith.constant 1 : i32
      %add3A_158 = arith.addi %add3A_127, %add3A_157 : i32
      %dma_start3A_159 = arith.constant 0 : i32
      %dma_start3A_160 = arith.constant 0 : i32
      %dma_start3A_161 = tpu.memref_slice %arg8[%dma_start3A_159, %dma_start3A_160] : memref<2x128xi32, #tpu.memory_space<vmem>> -> memref<1x128xi32, #tpu.memory_space<vmem>>
      %dma_start3A_162 = tpu.memref_squeeze %dma_start3A_161 : memref<1x128xi32, #tpu.memory_space<vmem>> -> memref<128xi32, #tpu.memory_space<vmem>>
      %dma_start3A_163 = arith.constant 0 : i32
      %dma_start3A_164 = arith.constant 0 : i32
      %dma_start3A_165 = tpu.memref_slice %arg2[%arg0, %dma_start3A_163, %dma_start3A_164] : memref<2x10240x128xf32, #tpu.memory_space<hbm>> -> memref<1x10240x128xf32, #tpu.memory_space<hbm>>
      %dma_start3A_166 = tpu.memref_squeeze %dma_start3A_165 : memref<1x10240x128xf32, #tpu.memory_space<hbm>> -> memref<10240x128xf32, #tpu.memory_space<hbm>>
      %dma_start3A_167 = arith.constant 0 : i32
      %dma_start3A_168 = arith.constant 0 : i32
      %dma_start3A_169 = tpu.memref_slice %dma_start3A_166[%dma_start3A_167, %dma_start3A_168] : memref<10240x128xf32, #tpu.memory_space<hbm>> -> memref<10240x128xf32, #tpu.memory_space<hbm>>
      tpu.enqueue_indirect_dma source(%dma_start3A_169 : memref<10240x128xf32, #tpu.memory_space<hbm>>) target(%arg10 : memref<128x128xf32, #tpu.memory_space<vmem>>) offsets(%dma_start3A_162 : memref<128xi32, #tpu.memory_space<vmem>>) semaphore(%arg14 : memref<!tpu.dma_semaphore, #tpu.memory_space<semaphore_mem>>)
      %dma_wait3A_170 = arith.constant 1 : i32
      %dma_wait3A_171 = arith.constant 0 : i32
      %dma_wait3A_172 = tpu.memref_slice %arg7[%dma_wait3A_170, %dma_wait3A_171] : memref<2x128xi32, #tpu.memory_space<vmem>> -> memref<1x128xi32, #tpu.memory_space<vmem>>
      %dma_wait3A_173 = tpu.memref_squeeze %dma_wait3A_172 : memref<1x128xi32, #tpu.memory_space<vmem>> -> memref<128xi32, #tpu.memory_space<vmem>>
      %dma_wait3A_174 = arith.constant 0 : i32
      %dma_wait3A_175 = arith.constant 0 : i32
      %dma_wait3A_176 = tpu.memref_slice %arg6[%dma_wait3A_174, %dma_wait3A_175] : memref<10240x128xf32, #tpu.memory_space<vmem_shared>> -> memref<10240x128xf32, #tpu.memory_space<vmem_shared>>
      tpu.wait_indirect_dma semaphore(%arg15 : memref<!tpu.dma_semaphore, #tpu.memory_space<semaphore_mem>>) src(%arg9 : memref<128x128xf32, #tpu.memory_space<vmem>>) dst(%dma_wait3A_176 : memref<10240x128xf32, #tpu.memory_space<vmem_shared>>)
      %add3A_177 = arith.constant 2 : i32
      %add3A_178 = arith.addi %add3A_127, %add3A_177 : i32
      %add3A_179 = arith.addi %mul3A_0, %add3A_178 : i32
      %dma_start3A_180 = arith.constant 0 : i32
      %dma_start3A_181 = arith.constant 0 : i32
      %dma_start3A_182 = tpu.memref_slice %arg3[%add3A_179, %dma_start3A_180, %dma_start3A_181] : memref<2560x2x128xi32, #tpu.memory_space<hbm>> -> memref<1x2x128xi32, #tpu.memory_space<hbm>>
      %dma_start3A_183 = tpu.memref_squeeze %dma_start3A_182 : memref<1x2x128xi32, #tpu.memory_space<hbm>> -> memref<2x128xi32, #tpu.memory_space<hbm>>
      %dma_start3A_184 = arith.constant 0 : i32
      %dma_start3A_185 = arith.constant 0 : i32
      %dma_start3A_186 = tpu.memref_slice %arg3[%add3A_179, %dma_start3A_184, %dma_start3A_185] : memref<2560x2x128xi32, #tpu.memory_space<hbm>> -> memref<1x2x128xi32, #tpu.memory_space<hbm>>
      %dma_start3A_187 = tpu.memref_squeeze %dma_start3A_186 : memref<1x2x128xi32, #tpu.memory_space<hbm>> -> memref<2x128xi32, #tpu.memory_space<hbm>>
      tpu.enqueue_dma source(%dma_start3A_187 : memref<2x128xi32, #tpu.memory_space<hbm>>) target(%arg7 : memref<2x128xi32, #tpu.memory_space<vmem>>) target_semaphore(%arg11 : memref<!tpu.dma_semaphore, #tpu.memory_space<semaphore_mem>>)
      %add3A_188 = arith.constant 1 : i32
      %add3A_189 = arith.addi %add3A_125, %add3A_188 : i32
      %dma_wait3A_190 = arith.constant 0 : i32
      %dma_wait3A_191 = arith.constant 0 : i32
      %dma_wait3A_192 = tpu.memref_slice %arg8[%dma_wait3A_190, %dma_wait3A_191] : memref<2x128xi32, #tpu.memory_space<vmem>> -> memref<1x128xi32, #tpu.memory_space<vmem>>
      %dma_wait3A_193 = tpu.memref_squeeze %dma_wait3A_192 : memref<1x128xi32, #tpu.memory_space<vmem>> -> memref<128xi32, #tpu.memory_space<vmem>>
      %dma_wait3A_194 = arith.constant 0 : i32
      %dma_wait3A_195 = arith.constant 0 : i32
      %dma_wait3A_196 = tpu.memref_slice %arg2[%arg0, %dma_wait3A_194, %dma_wait3A_195] : memref<2x10240x128xf32, #tpu.memory_space<hbm>> -> memref<1x10240x128xf32, #tpu.memory_space<hbm>>
      %dma_wait3A_197 = tpu.memref_squeeze %dma_wait3A_196 : memref<1x10240x128xf32, #tpu.memory_space<hbm>> -> memref<10240x128xf32, #tpu.memory_space<hbm>>
      %dma_wait3A_198 = arith.constant 0 : i32
      %dma_wait3A_199 = arith.constant 0 : i32
      %dma_wait3A_200 = tpu.memref_slice %dma_wait3A_197[%dma_wait3A_198, %dma_wait3A_199] : memref<10240x128xf32, #tpu.memory_space<hbm>> -> memref<10240x128xf32, #tpu.memory_space<hbm>>
      tpu.wait_indirect_dma semaphore(%arg14 : memref<!tpu.dma_semaphore, #tpu.memory_space<semaphore_mem>>) src(%dma_wait3A_200 : memref<10240x128xf32, #tpu.memory_space<hbm>>) dst(%arg10 : memref<128x128xf32, #tpu.memory_space<vmem>>)
      %dma_start3A_201 = arith.constant 1 : i32
      %dma_start3A_202 = arith.constant 0 : i32
      %dma_start3A_203 = tpu.memref_slice %arg8[%dma_start3A_201, %dma_start3A_202] : memref<2x128xi32, #tpu.memory_space<vmem>> -> memref<1x128xi32, #tpu.memory_space<vmem>>
      %dma_start3A_204 = tpu.memref_squeeze %dma_start3A_203 : memref<1x128xi32, #tpu.memory_space<vmem>> -> memref<128xi32, #tpu.memory_space<vmem>>
      %dma_start3A_205 = arith.constant 0 : i32
      %dma_start3A_206 = arith.constant 0 : i32
      %dma_start3A_207 = tpu.memref_slice %arg6[%dma_start3A_205, %dma_start3A_206] : memref<10240x128xf32, #tpu.memory_space<vmem_shared>> -> memref<10240x128xf32, #tpu.memory_space<vmem_shared>>
      tpu.enqueue_indirect_dma source(%arg10 : memref<128x128xf32, #tpu.memory_space<vmem>>) target(%dma_start3A_207 : memref<10240x128xf32, #tpu.memory_space<vmem_shared>>) offsets(%dma_start3A_204 : memref<128xi32, #tpu.memory_space<vmem>>) semaphore(%arg16 : memref<!tpu.dma_semaphore, #tpu.memory_space<semaphore_mem>>) {add = true}
      %add3A_208 = arith.constant 1 : i32
      %add3A_209 = arith.addi %add3A_189, %add3A_208 : i32
      %add3A_210 = arith.addi %mul3A_0, %add3A_209 : i32
      %dma_wait3A_211 = arith.constant 0 : i32
      %dma_wait3A_212 = arith.constant 0 : i32
      %dma_wait3A_213 = tpu.memref_slice %arg3[%add3A_210, %dma_wait3A_211, %dma_wait3A_212] : memref<2560x2x128xi32, #tpu.memory_space<hbm>> -> memref<1x2x128xi32, #tpu.memory_space<hbm>>
      %dma_wait3A_214 = tpu.memref_squeeze %dma_wait3A_213 : memref<1x2x128xi32, #tpu.memory_space<hbm>> -> memref<2x128xi32, #tpu.memory_space<hbm>>
      %dma_wait3A_215 = arith.constant 0 : i32
      %dma_wait3A_216 = arith.constant 0 : i32
      %dma_wait3A_217 = tpu.memref_slice %arg3[%add3A_210, %dma_wait3A_215, %dma_wait3A_216] : memref<2560x2x128xi32, #tpu.memory_space<hbm>> -> memref<1x2x128xi32, #tpu.memory_space<hbm>>
      %dma_wait3A_218 = tpu.memref_squeeze %dma_wait3A_217 : memref<1x2x128xi32, #tpu.memory_space<hbm>> -> memref<2x128xi32, #tpu.memory_space<hbm>>
      tpu.wait_dma2 semaphore(%arg11 : memref<!tpu.dma_semaphore, #tpu.memory_space<semaphore_mem>>) src(%dma_wait3A_218 : memref<2x128xi32, #tpu.memory_space<hbm>>) dst(%arg7 : memref<2x128xi32, #tpu.memory_space<vmem>>)
      %add3A_219 = arith.constant 1 : i32
      %add3A_220 = arith.addi %add3A_189, %add3A_219 : i32
      %dma_start3A_221 = arith.constant 0 : i32
      %dma_start3A_222 = arith.constant 0 : i32
      %dma_start3A_223 = tpu.memref_slice %arg7[%dma_start3A_221, %dma_start3A_222] : memref<2x128xi32, #tpu.memory_space<vmem>> -> memref<1x128xi32, #tpu.memory_space<vmem>>
      %dma_start3A_224 = tpu.memref_squeeze %dma_start3A_223 : memref<1x128xi32, #tpu.memory_space<vmem>> -> memref<128xi32, #tpu.memory_space<vmem>>
      %dma_start3A_225 = arith.constant 0 : i32
      %dma_start3A_226 = arith.constant 0 : i32
      %dma_start3A_227 = tpu.memref_slice %arg2[%arg0, %dma_start3A_225, %dma_start3A_226] : memref<2x10240x128xf32, #tpu.memory_space<hbm>> -> memref<1x10240x128xf32, #tpu.memory_space<hbm>>
      %dma_start3A_228 = tpu.memref_squeeze %dma_start3A_227 : memref<1x10240x128xf32, #tpu.memory_space<hbm>> -> memref<10240x128xf32, #tpu.memory_space<hbm>>
      %dma_start3A_229 = arith.constant 0 : i32
      %dma_start3A_230 = arith.constant 0 : i32
      %dma_start3A_231 = tpu.memref_slice %dma_start3A_228[%dma_start3A_229, %dma_start3A_230] : memref<10240x128xf32, #tpu.memory_space<hbm>> -> memref<10240x128xf32, #tpu.memory_space<hbm>>
      tpu.enqueue_indirect_dma source(%dma_start3A_231 : memref<10240x128xf32, #tpu.memory_space<hbm>>) target(%arg9 : memref<128x128xf32, #tpu.memory_space<vmem>>) offsets(%dma_start3A_224 : memref<128xi32, #tpu.memory_space<vmem>>) semaphore(%arg13 : memref<!tpu.dma_semaphore, #tpu.memory_space<semaphore_mem>>)
      %dma_wait3A_232 = arith.constant 1 : i32
      %dma_wait3A_233 = arith.constant 0 : i32
      %dma_wait3A_234 = tpu.memref_slice %arg8[%dma_wait3A_232, %dma_wait3A_233] : memref<2x128xi32, #tpu.memory_space<vmem>> -> memref<1x128xi32, #tpu.memory_space<vmem>>
      %dma_wait3A_235 = tpu.memref_squeeze %dma_wait3A_234 : memref<1x128xi32, #tpu.memory_space<vmem>> -> memref<128xi32, #tpu.memory_space<vmem>>
      %dma_wait3A_236 = arith.constant 0 : i32
      %dma_wait3A_237 = arith.constant 0 : i32
      %dma_wait3A_238 = tpu.memref_slice %arg6[%dma_wait3A_236, %dma_wait3A_237] : memref<10240x128xf32, #tpu.memory_space<vmem_shared>> -> memref<10240x128xf32, #tpu.memory_space<vmem_shared>>
      tpu.wait_indirect_dma semaphore(%arg16 : memref<!tpu.dma_semaphore, #tpu.memory_space<semaphore_mem>>) src(%arg10 : memref<128x128xf32, #tpu.memory_space<vmem>>) dst(%dma_wait3A_238 : memref<10240x128xf32, #tpu.memory_space<vmem_shared>>)
      %add3A_239 = arith.constant 2 : i32
      %add3A_240 = arith.addi %add3A_189, %add3A_239 : i32
      %add3A_241 = arith.addi %mul3A_0, %add3A_240 : i32
      %dma_start3A_242 = arith.constant 0 : i32
      %dma_start3A_243 = arith.constant 0 : i32
      %dma_start3A_244 = tpu.memref_slice %arg3[%add3A_241, %dma_start3A_242, %dma_start3A_243] : memref<2560x2x128xi32, #tpu.memory_space<hbm>> -> memref<1x2x128xi32, #tpu.memory_space<hbm>>
      %dma_start3A_245 = tpu.memref_squeeze %dma_start3A_244 : memref<1x2x128xi32, #tpu.memory_space<hbm>> -> memref<2x128xi32, #tpu.memory_space<hbm>>
      %dma_start3A_246 = arith.constant 0 : i32
      %dma_start3A_247 = arith.constant 0 : i32
      %dma_start3A_248 = tpu.memref_slice %arg3[%add3A_241, %dma_start3A_246, %dma_start3A_247] : memref<2560x2x128xi32, #tpu.memory_space<hbm>> -> memref<1x2x128xi32, #tpu.memory_space<hbm>>
      %dma_start3A_249 = tpu.memref_squeeze %dma_start3A_248 : memref<1x2x128xi32, #tpu.memory_space<hbm>> -> memref<2x128xi32, #tpu.memory_space<hbm>>
      tpu.enqueue_dma source(%dma_start3A_249 : memref<2x128xi32, #tpu.memory_space<hbm>>) target(%arg8 : memref<2x128xi32, #tpu.memory_space<vmem>>) target_semaphore(%arg12 : memref<!tpu.dma_semaphore, #tpu.memory_space<semaphore_mem>>)
    }
    %scan3A_44 = arith.constant 79 : i32
    %dma_wait3A_45 = arith.constant 0 : i32
    %dma_wait3A_46 = arith.constant 0 : i32
    %dma_wait3A_47 = tpu.memref_slice %arg7[%dma_wait3A_45, %dma_wait3A_46] : memref<2x128xi32, #tpu.memory_space<vmem>> -> memref<1x128xi32, #tpu.memory_space<vmem>>
    %dma_wait3A_48 = tpu.memref_squeeze %dma_wait3A_47 : memref<1x128xi32, #tpu.memory_space<vmem>> -> memref<128xi32, #tpu.memory_space<vmem>>
    %dma_wait3A_49 = arith.constant 0 : i32
    %dma_wait3A_50 = arith.constant 0 : i32
    %dma_wait3A_51 = tpu.memref_slice %arg2[%arg0, %dma_wait3A_49, %dma_wait3A_50] : memref<2x10240x128xf32, #tpu.memory_space<hbm>> -> memref<1x10240x128xf32, #tpu.memory_space<hbm>>
    %dma_wait3A_52 = tpu.memref_squeeze %dma_wait3A_51 : memref<1x10240x128xf32, #tpu.memory_space<hbm>> -> memref<10240x128xf32, #tpu.memory_space<hbm>>
    %dma_wait3A_53 = arith.constant 0 : i32
    %dma_wait3A_54 = arith.constant 0 : i32
    %dma_wait3A_55 = tpu.memref_slice %dma_wait3A_52[%dma_wait3A_53, %dma_wait3A_54] : memref<10240x128xf32, #tpu.memory_space<hbm>> -> memref<10240x128xf32, #tpu.memory_space<hbm>>
    tpu.wait_indirect_dma semaphore(%arg13 : memref<!tpu.dma_semaphore, #tpu.memory_space<semaphore_mem>>) src(%dma_wait3A_55 : memref<10240x128xf32, #tpu.memory_space<hbm>>) dst(%arg9 : memref<128x128xf32, #tpu.memory_space<vmem>>)
    %dma_start3A_56 = arith.constant 1 : i32
    %dma_start3A_57 = arith.constant 0 : i32
    %dma_start3A_58 = tpu.memref_slice %arg7[%dma_start3A_56, %dma_start3A_57] : memref<2x128xi32, #tpu.memory_space<vmem>> -> memref<1x128xi32, #tpu.memory_space<vmem>>
    %dma_start3A_59 = tpu.memref_squeeze %dma_start3A_58 : memref<1x128xi32, #tpu.memory_space<vmem>> -> memref<128xi32, #tpu.memory_space<vmem>>
    %dma_start3A_60 = arith.constant 0 : i32
    %dma_start3A_61 = arith.constant 0 : i32
    %dma_start3A_62 = tpu.memref_slice %arg6[%dma_start3A_60, %dma_start3A_61] : memref<10240x128xf32, #tpu.memory_space<vmem_shared>> -> memref<10240x128xf32, #tpu.memory_space<vmem_shared>>
    tpu.enqueue_indirect_dma source(%arg9 : memref<128x128xf32, #tpu.memory_space<vmem>>) target(%dma_start3A_62 : memref<10240x128xf32, #tpu.memory_space<vmem_shared>>) offsets(%dma_start3A_59 : memref<128xi32, #tpu.memory_space<vmem>>) semaphore(%arg15 : memref<!tpu.dma_semaphore, #tpu.memory_space<semaphore_mem>>) {add = true}
    %add3A_63 = arith.constant 159 : i32
    %add3A_64 = arith.addi %mul3A_0, %add3A_63 : i32
    %dma_wait3A_65 = arith.constant 0 : i32
    %dma_wait3A_66 = arith.constant 0 : i32
    %dma_wait3A_67 = tpu.memref_slice %arg3[%add3A_64, %dma_wait3A_65, %dma_wait3A_66] : memref<2560x2x128xi32, #tpu.memory_space<hbm>> -> memref<1x2x128xi32, #tpu.memory_space<hbm>>
    %dma_wait3A_68 = tpu.memref_squeeze %dma_wait3A_67 : memref<1x2x128xi32, #tpu.memory_space<hbm>> -> memref<2x128xi32, #tpu.memory_space<hbm>>
    %dma_wait3A_69 = arith.constant 0 : i32
    %dma_wait3A_70 = arith.constant 0 : i32
    %dma_wait3A_71 = tpu.memref_slice %arg3[%add3A_64, %dma_wait3A_69, %dma_wait3A_70] : memref<2560x2x128xi32, #tpu.memory_space<hbm>> -> memref<1x2x128xi32, #tpu.memory_space<hbm>>
    %dma_wait3A_72 = tpu.memref_squeeze %dma_wait3A_71 : memref<1x2x128xi32, #tpu.memory_space<hbm>> -> memref<2x128xi32, #tpu.memory_space<hbm>>
    tpu.wait_dma2 semaphore(%arg12 : memref<!tpu.dma_semaphore, #tpu.memory_space<semaphore_mem>>) src(%dma_wait3A_72 : memref<2x128xi32, #tpu.memory_space<hbm>>) dst(%arg8 : memref<2x128xi32, #tpu.memory_space<vmem>>)
    %dma_start3A_73 = arith.constant 0 : i32
    %dma_start3A_74 = arith.constant 0 : i32
    %dma_start3A_75 = tpu.memref_slice %arg8[%dma_start3A_73, %dma_start3A_74] : memref<2x128xi32, #tpu.memory_space<vmem>> -> memref<1x128xi32, #tpu.memory_space<vmem>>
    %dma_start3A_76 = tpu.memref_squeeze %dma_start3A_75 : memref<1x128xi32, #tpu.memory_space<vmem>> -> memref<128xi32, #tpu.memory_space<vmem>>
    %dma_start3A_77 = arith.constant 0 : i32
    %dma_start3A_78 = arith.constant 0 : i32
    %dma_start3A_79 = tpu.memref_slice %arg2[%arg0, %dma_start3A_77, %dma_start3A_78] : memref<2x10240x128xf32, #tpu.memory_space<hbm>> -> memref<1x10240x128xf32, #tpu.memory_space<hbm>>
    %dma_start3A_80 = tpu.memref_squeeze %dma_start3A_79 : memref<1x10240x128xf32, #tpu.memory_space<hbm>> -> memref<10240x128xf32, #tpu.memory_space<hbm>>
    %dma_start3A_81 = arith.constant 0 : i32
    %dma_start3A_82 = arith.constant 0 : i32
    %dma_start3A_83 = tpu.memref_slice %dma_start3A_80[%dma_start3A_81, %dma_start3A_82] : memref<10240x128xf32, #tpu.memory_space<hbm>> -> memref<10240x128xf32, #tpu.memory_space<hbm>>
    tpu.enqueue_indirect_dma source(%dma_start3A_83 : memref<10240x128xf32, #tpu.memory_space<hbm>>) target(%arg10 : memref<128x128xf32, #tpu.memory_space<vmem>>) offsets(%dma_start3A_76 : memref<128xi32, #tpu.memory_space<vmem>>) semaphore(%arg14 : memref<!tpu.dma_semaphore, #tpu.memory_space<semaphore_mem>>)
    %dma_wait3A_84 = arith.constant 1 : i32
    %dma_wait3A_85 = arith.constant 0 : i32
    %dma_wait3A_86 = tpu.memref_slice %arg7[%dma_wait3A_84, %dma_wait3A_85] : memref<2x128xi32, #tpu.memory_space<vmem>> -> memref<1x128xi32, #tpu.memory_space<vmem>>
    %dma_wait3A_87 = tpu.memref_squeeze %dma_wait3A_86 : memref<1x128xi32, #tpu.memory_space<vmem>> -> memref<128xi32, #tpu.memory_space<vmem>>
    %dma_wait3A_88 = arith.constant 0 : i32
    %dma_wait3A_89 = arith.constant 0 : i32
    %dma_wait3A_90 = tpu.memref_slice %arg6[%dma_wait3A_88, %dma_wait3A_89] : memref<10240x128xf32, #tpu.memory_space<vmem_shared>> -> memref<10240x128xf32, #tpu.memory_space<vmem_shared>>
    tpu.wait_indirect_dma semaphore(%arg15 : memref<!tpu.dma_semaphore, #tpu.memory_space<semaphore_mem>>) src(%arg9 : memref<128x128xf32, #tpu.memory_space<vmem>>) dst(%dma_wait3A_90 : memref<10240x128xf32, #tpu.memory_space<vmem_shared>>)
    %dma_wait3A_91 = arith.constant 0 : i32
    %dma_wait3A_92 = arith.constant 0 : i32
    %dma_wait3A_93 = tpu.memref_slice %arg8[%dma_wait3A_91, %dma_wait3A_92] : memref<2x128xi32, #tpu.memory_space<vmem>> -> memref<1x128xi32, #tpu.memory_space<vmem>>
    %dma_wait3A_94 = tpu.memref_squeeze %dma_wait3A_93 : memref<1x128xi32, #tpu.memory_space<vmem>> -> memref<128xi32, #tpu.memory_space<vmem>>
    %dma_wait3A_95 = arith.constant 0 : i32
    %dma_wait3A_96 = arith.constant 0 : i32
    %dma_wait3A_97 = tpu.memref_slice %arg2[%arg0, %dma_wait3A_95, %dma_wait3A_96] : memref<2x10240x128xf32, #tpu.memory_space<hbm>> -> memref<1x10240x128xf32, #tpu.memory_space<hbm>>
    %dma_wait3A_98 = tpu.memref_squeeze %dma_wait3A_97 : memref<1x10240x128xf32, #tpu.memory_space<hbm>> -> memref<10240x128xf32, #tpu.memory_space<hbm>>
    %dma_wait3A_99 = arith.constant 0 : i32
    %dma_wait3A_100 = arith.constant 0 : i32
    %dma_wait3A_101 = tpu.memref_slice %dma_wait3A_98[%dma_wait3A_99, %dma_wait3A_100] : memref<10240x128xf32, #tpu.memory_space<hbm>> -> memref<10240x128xf32, #tpu.memory_space<hbm>>
    tpu.wait_indirect_dma semaphore(%arg14 : memref<!tpu.dma_semaphore, #tpu.memory_space<semaphore_mem>>) src(%dma_wait3A_101 : memref<10240x128xf32, #tpu.memory_space<hbm>>) dst(%arg10 : memref<128x128xf32, #tpu.memory_space<vmem>>)
    %dma_start3A_102 = arith.constant 1 : i32
    %dma_start3A_103 = arith.constant 0 : i32
    %dma_start3A_104 = tpu.memref_slice %arg8[%dma_start3A_102, %dma_start3A_103] : memref<2x128xi32, #tpu.memory_space<vmem>> -> memref<1x128xi32, #tpu.memory_space<vmem>>
    %dma_start3A_105 = tpu.memref_squeeze %dma_start3A_104 : memref<1x128xi32, #tpu.memory_space<vmem>> -> memref<128xi32, #tpu.memory_space<vmem>>
    %dma_start3A_106 = arith.constant 0 : i32
    %dma_start3A_107 = arith.constant 0 : i32
    %dma_start3A_108 = tpu.memref_slice %arg6[%dma_start3A_106, %dma_start3A_107] : memref<10240x128xf32, #tpu.memory_space<vmem_shared>> -> memref<10240x128xf32, #tpu.memory_space<vmem_shared>>
    tpu.enqueue_indirect_dma source(%arg10 : memref<128x128xf32, #tpu.memory_space<vmem>>) target(%dma_start3A_108 : memref<10240x128xf32, #tpu.memory_space<vmem_shared>>) offsets(%dma_start3A_105 : memref<128xi32, #tpu.memory_space<vmem>>) semaphore(%arg16 : memref<!tpu.dma_semaphore, #tpu.memory_space<semaphore_mem>>) {add = true}
    %dma_wait3A_109 = arith.constant 1 : i32
    %dma_wait3A_110 = arith.constant 0 : i32
    %dma_wait3A_111 = tpu.memref_slice %arg8[%dma_wait3A_109, %dma_wait3A_110] : memref<2x128xi32, #tpu.memory_space<vmem>> -> memref<1x128xi32, #tpu.memory_space<vmem>>
    %dma_wait3A_112 = tpu.memref_squeeze %dma_wait3A_111 : memref<1x128xi32, #tpu.memory_space<vmem>> -> memref<128xi32, #tpu.memory_space<vmem>>
    %dma_wait3A_113 = arith.constant 0 : i32
    %dma_wait3A_114 = arith.constant 0 : i32
    %dma_wait3A_115 = tpu.memref_slice %arg6[%dma_wait3A_113, %dma_wait3A_114] : memref<10240x128xf32, #tpu.memory_space<vmem_shared>> -> memref<10240x128xf32, #tpu.memory_space<vmem_shared>>
    tpu.wait_indirect_dma semaphore(%arg16 : memref<!tpu.dma_semaphore, #tpu.memory_space<semaphore_mem>>) src(%arg10 : memref<128x128xf32, #tpu.memory_space<vmem>>) dst(%dma_wait3A_115 : memref<10240x128xf32, #tpu.memory_space<vmem_shared>>)
    %barrier3A_116 = arith.constant 0 : index
    tpu.barrier barrier_id(%barrier3A_116)
    %mul3A_117 = arith.constant 640 : i32
    %mul3A_118 = arith.muli %arg1, %mul3A_117 : i32
    %mul3A_119 = arith.constant 640 : i32
    %mul3A_120 = arith.muli %arg1, %mul3A_119 : i32
    "tpu.region"() ({
      %run_scoped3A = tpu.sem_alloc : memref<!tpu.dma_semaphore, #tpu.memory_space<semaphore_mem>>
      %dma_start3A_121 = arith.constant 0 : i32
      %dma_start3A_122 = tpu.memref_slice %arg5[%arg0, %mul3A_120, %dma_start3A_121] : memref<2x10240x128xf32, #tpu.memory_space<hbm>> -> memref<1x640x128xf32, #tpu.memory_space<hbm>>
      %dma_start3A_123 = tpu.memref_squeeze %dma_start3A_122 : memref<1x640x128xf32, #tpu.memory_space<hbm>> -> memref<640x128xf32, #tpu.memory_space<hbm>>
      %dma_start3A_124 = arith.constant 0 : i32
      %dma_start3A_125 = tpu.memref_slice %arg6[%mul3A_118, %dma_start3A_124] : memref<10240x128xf32, #tpu.memory_space<vmem_shared>> -> memref<640x128xf32, #tpu.memory_space<vmem_shared>>
      tpu.enqueue_dma source(%dma_start3A_125 : memref<640x128xf32, #tpu.memory_space<vmem_shared>>) target(%dma_start3A_123 : memref<640x128xf32, #tpu.memory_space<hbm>>) target_semaphore(%run_scoped3A : memref<!tpu.dma_semaphore, #tpu.memory_space<semaphore_mem>>)
      %dma_wait3A_126 = arith.constant 0 : i32
      %dma_wait3A_127 = tpu.memref_slice %arg5[%arg0, %mul3A_120, %dma_wait3A_126] : memref<2x10240x128xf32, #tpu.memory_space<hbm>> -> memref<1x640x128xf32, #tpu.memory_space<hbm>>
      %dma_wait3A_128 = tpu.memref_squeeze %dma_wait3A_127 : memref<1x640x128xf32, #tpu.memory_space<hbm>> -> memref<640x128xf32, #tpu.memory_space<hbm>>
      %dma_wait3A_129 = arith.constant 0 : i32
      %dma_wait3A_130 = tpu.memref_slice %arg6[%mul3A_118, %dma_wait3A_129] : memref<10240x128xf32, #tpu.memory_space<vmem_shared>> -> memref<640x128xf32, #tpu.memory_space<vmem_shared>>
      tpu.wait_dma2 semaphore(%run_scoped3A : memref<!tpu.dma_semaphore, #tpu.memory_space<semaphore_mem>>) src(%dma_wait3A_130 : memref<640x128xf32, #tpu.memory_space<vmem_shared>>) dst(%dma_wait3A_128 : memref<640x128xf32, #tpu.memory_space<hbm>>)
      tpu.yield
    }) : () -> ()
    return
  }
}

#map = affine_map<(d0, d1) -> (0, 0)>
#map1 = affine_map<(d0, d1) -> (0, 0, 0)>
module attributes {stable_mosaic.version = 14 : i64} {
  func.func @agg(%arg0: i32, %arg1: i32, %arg2: memref<10240x128xf32, #tpu.memory_space<hbm>>, %arg3: memref<2560x2x128xi32, #tpu.memory_space<hbm>>, %arg4: memref<640x128xf32, #tpu.memory_space<hbm>>, %arg5: memref<2x10240x128xf32, #tpu.memory_space<hbm>>, %arg6: memref<10240x128xf32, #tpu.memory_space<vmem_shared>>, %arg7: memref<2x128xi32, #tpu.memory_space<vmem>>, %arg8: memref<2x128xi32, #tpu.memory_space<vmem>>, %arg9: memref<128x128xf32, #tpu.memory_space<vmem>>, %arg10: memref<128x128xf32, #tpu.memory_space<vmem>>, %arg11: memref<!tpu.dma_semaphore, #tpu.memory_space<semaphore_mem>>, %arg12: memref<!tpu.dma_semaphore, #tpu.memory_space<semaphore_mem>>, %arg13: memref<!tpu.dma_semaphore, #tpu.memory_space<semaphore_mem>>, %arg14: memref<!tpu.dma_semaphore, #tpu.memory_space<semaphore_mem>>, %arg15: memref<!tpu.dma_semaphore, #tpu.memory_space<semaphore_mem>>, %arg16: memref<!tpu.dma_semaphore, #tpu.memory_space<semaphore_mem>>) attributes {dimension_semantics = [#tpu.dimension_semantics<core_parallel>, #tpu.dimension_semantics<subcore_parallel>], iteration_bounds = array<i64: 2, 16>, scalar_prefetch = 0 : i64, scratch_operands = 11 : i64, tpu.core_type = #tpu.core_type<sc_vector_subcore>, window_params = [{transform_indices = #map}, {transform_indices = #map1}, {transform_indices = #map}, {transform_indices = #map1}]} {
    %mul3A = arith.constant 2 : i32
    %mul3A_0 = arith.muli %arg1, %mul3A : i32
    %add3A = arith.addi %mul3A_0, %arg0 : i32
    %mul3A_1 = arith.constant 80 : i32
    %mul3A_2 = arith.muli %add3A, %mul3A_1 : i32
    %add3A_3 = arith.constant 0 : i32
    %add3A_4 = arith.addi %mul3A_2, %add3A_3 : i32
    %dma_start3A = arith.constant 0 : i32
    %dma_start3A_5 = arith.constant 0 : i32
    %dma_start3A_6 = tpu.memref_slice %arg3[%add3A_4, %dma_start3A, %dma_start3A_5] : memref<2560x2x128xi32, #tpu.memory_space<hbm>> -> memref<1x2x128xi32, #tpu.memory_space<hbm>>
    %dma_start3A_7 = tpu.memref_squeeze %dma_start3A_6 : memref<1x2x128xi32, #tpu.memory_space<hbm>> -> memref<2x128xi32, #tpu.memory_space<hbm>>
    %dma_start3A_8 = arith.constant 0 : i32
    %dma_start3A_9 = arith.constant 0 : i32
    %dma_start3A_10 = tpu.memref_slice %arg3[%add3A_4, %dma_start3A_8, %dma_start3A_9] : memref<2560x2x128xi32, #tpu.memory_space<hbm>> -> memref<1x2x128xi32, #tpu.memory_space<hbm>>
    %dma_start3A_11 = tpu.memref_squeeze %dma_start3A_10 : memref<1x2x128xi32, #tpu.memory_space<hbm>> -> memref<2x128xi32, #tpu.memory_space<hbm>>
    tpu.enqueue_dma source(%dma_start3A_11 : memref<2x128xi32, #tpu.memory_space<hbm>>) target(%arg7 : memref<2x128xi32, #tpu.memory_space<vmem>>) target_semaphore(%arg11 : memref<!tpu.dma_semaphore, #tpu.memory_space<semaphore_mem>>)
    %add3A_12 = arith.constant 1 : i32
    %add3A_13 = arith.addi %mul3A_2, %add3A_12 : i32
    %dma_start3A_14 = arith.constant 0 : i32
    %dma_start3A_15 = arith.constant 0 : i32
    %dma_start3A_16 = tpu.memref_slice %arg3[%add3A_13, %dma_start3A_14, %dma_start3A_15] : memref<2560x2x128xi32, #tpu.memory_space<hbm>> -> memref<1x2x128xi32, #tpu.memory_space<hbm>>
    %dma_start3A_17 = tpu.memref_squeeze %dma_start3A_16 : memref<1x2x128xi32, #tpu.memory_space<hbm>> -> memref<2x128xi32, #tpu.memory_space<hbm>>
    %dma_start3A_18 = arith.constant 0 : i32
    %dma_start3A_19 = arith.constant 0 : i32
    %dma_start3A_20 = tpu.memref_slice %arg3[%add3A_13, %dma_start3A_18, %dma_start3A_19] : memref<2560x2x128xi32, #tpu.memory_space<hbm>> -> memref<1x2x128xi32, #tpu.memory_space<hbm>>
    %dma_start3A_21 = tpu.memref_squeeze %dma_start3A_20 : memref<1x2x128xi32, #tpu.memory_space<hbm>> -> memref<2x128xi32, #tpu.memory_space<hbm>>
    tpu.enqueue_dma source(%dma_start3A_21 : memref<2x128xi32, #tpu.memory_space<hbm>>) target(%arg8 : memref<2x128xi32, #tpu.memory_space<vmem>>) target_semaphore(%arg12 : memref<!tpu.dma_semaphore, #tpu.memory_space<semaphore_mem>>)
    %mul3A_22 = arith.constant 640 : i32
    %mul3A_23 = arith.muli %arg1, %mul3A_22 : i32
    "tpu.region"() ({
      %run_scoped3A = tpu.sem_alloc : memref<!tpu.dma_semaphore, #tpu.memory_space<semaphore_mem>>
      %dma_start3A_108 = arith.constant 0 : i32
      %dma_start3A_109 = tpu.memref_slice %arg6[%mul3A_23, %dma_start3A_108] : memref<10240x128xf32, #tpu.memory_space<vmem_shared>> -> memref<640x128xf32, #tpu.memory_space<vmem_shared>>
      tpu.enqueue_dma source(%arg4 : memref<640x128xf32, #tpu.memory_space<hbm>>) target(%dma_start3A_109 : memref<640x128xf32, #tpu.memory_space<vmem_shared>>) target_semaphore(%run_scoped3A : memref<!tpu.dma_semaphore, #tpu.memory_space<semaphore_mem>>)
      %dma_wait3A_110 = arith.constant 0 : i32
      %dma_wait3A_111 = tpu.memref_slice %arg6[%mul3A_23, %dma_wait3A_110] : memref<10240x128xf32, #tpu.memory_space<vmem_shared>> -> memref<640x128xf32, #tpu.memory_space<vmem_shared>>
      tpu.wait_dma2 semaphore(%run_scoped3A : memref<!tpu.dma_semaphore, #tpu.memory_space<semaphore_mem>>) src(%arg4 : memref<640x128xf32, #tpu.memory_space<hbm>>) dst(%dma_wait3A_111 : memref<640x128xf32, #tpu.memory_space<vmem_shared>>)
      tpu.yield
    }) : () -> ()
    %add3A_24 = arith.constant 0 : i32
    %add3A_25 = arith.addi %mul3A_2, %add3A_24 : i32
    %dma_wait3A = arith.constant 0 : i32
    %dma_wait3A_26 = arith.constant 0 : i32
    %dma_wait3A_27 = tpu.memref_slice %arg3[%add3A_25, %dma_wait3A, %dma_wait3A_26] : memref<2560x2x128xi32, #tpu.memory_space<hbm>> -> memref<1x2x128xi32, #tpu.memory_space<hbm>>
    %dma_wait3A_28 = tpu.memref_squeeze %dma_wait3A_27 : memref<1x2x128xi32, #tpu.memory_space<hbm>> -> memref<2x128xi32, #tpu.memory_space<hbm>>
    %dma_wait3A_29 = arith.constant 0 : i32
    %dma_wait3A_30 = arith.constant 0 : i32
    %dma_wait3A_31 = tpu.memref_slice %arg3[%add3A_25, %dma_wait3A_29, %dma_wait3A_30] : memref<2560x2x128xi32, #tpu.memory_space<hbm>> -> memref<1x2x128xi32, #tpu.memory_space<hbm>>
    %dma_wait3A_32 = tpu.memref_squeeze %dma_wait3A_31 : memref<1x2x128xi32, #tpu.memory_space<hbm>> -> memref<2x128xi32, #tpu.memory_space<hbm>>
    tpu.wait_dma2 semaphore(%arg11 : memref<!tpu.dma_semaphore, #tpu.memory_space<semaphore_mem>>) src(%dma_wait3A_32 : memref<2x128xi32, #tpu.memory_space<hbm>>) dst(%arg7 : memref<2x128xi32, #tpu.memory_space<vmem>>)
    %dma_start3A_33 = arith.constant 0 : i32
    %dma_start3A_34 = arith.constant 0 : i32
    %dma_start3A_35 = tpu.memref_slice %arg7[%dma_start3A_33, %dma_start3A_34] : memref<2x128xi32, #tpu.memory_space<vmem>> -> memref<1x128xi32, #tpu.memory_space<vmem>>
    %dma_start3A_36 = tpu.memref_squeeze %dma_start3A_35 : memref<1x128xi32, #tpu.memory_space<vmem>> -> memref<128xi32, #tpu.memory_space<vmem>>
    %dma_start3A_37 = arith.constant 0 : i32
    %dma_start3A_38 = arith.constant 0 : i32
    %dma_start3A_39 = tpu.memref_slice %arg2[%dma_start3A_37, %dma_start3A_38] : memref<10240x128xf32, #tpu.memory_space<hbm>> -> memref<10240x128xf32, #tpu.memory_space<hbm>>
    tpu.enqueue_indirect_dma source(%dma_start3A_39 : memref<10240x128xf32, #tpu.memory_space<hbm>>) target(%arg9 : memref<128x128xf32, #tpu.memory_space<vmem>>) offsets(%dma_start3A_36 : memref<128xi32, #tpu.memory_space<vmem>>) semaphore(%arg13 : memref<!tpu.dma_semaphore, #tpu.memory_space<semaphore_mem>>)
    %barrier3A = arith.constant 0 : index
    tpu.barrier barrier_id(%barrier3A)
    %scan3A = arith.constant 0 : i32
    %scan3A_40 = arith.constant 39 : i32
    %scan3A_41 = arith.addi %scan3A, %scan3A_40 : i32
    %scan3A_42 = arith.constant 1 : i32
    scf.for %scan3A_108 = %scan3A to %scan3A_41 step %scan3A_42  : i32 {
      %mul3A_109 = arith.constant 2 : i32
      %mul3A_110 = arith.muli %scan3A_108, %mul3A_109 : i32
      %add3A_111 = arith.constant 0 : i32
      %add3A_112 = arith.addi %add3A_111, %mul3A_110 : i32
      %add3A_113 = arith.constant 0 : i32
      %add3A_114 = arith.addi %add3A_112, %add3A_113 : i32
      %dma_wait3A_115 = arith.constant 0 : i32
      %dma_wait3A_116 = arith.constant 0 : i32
      %dma_wait3A_117 = tpu.memref_slice %arg7[%dma_wait3A_115, %dma_wait3A_116] : memref<2x128xi32, #tpu.memory_space<vmem>> -> memref<1x128xi32, #tpu.memory_space<vmem>>
      %dma_wait3A_118 = tpu.memref_squeeze %dma_wait3A_117 : memref<1x128xi32, #tpu.memory_space<vmem>> -> memref<128xi32, #tpu.memory_space<vmem>>
      %dma_wait3A_119 = arith.constant 0 : i32
      %dma_wait3A_120 = arith.constant 0 : i32
      %dma_wait3A_121 = tpu.memref_slice %arg2[%dma_wait3A_119, %dma_wait3A_120] : memref<10240x128xf32, #tpu.memory_space<hbm>> -> memref<10240x128xf32, #tpu.memory_space<hbm>>
      tpu.wait_indirect_dma semaphore(%arg13 : memref<!tpu.dma_semaphore, #tpu.memory_space<semaphore_mem>>) src(%dma_wait3A_121 : memref<10240x128xf32, #tpu.memory_space<hbm>>) dst(%arg9 : memref<128x128xf32, #tpu.memory_space<vmem>>)
      %dma_start3A_122 = arith.constant 1 : i32
      %dma_start3A_123 = arith.constant 0 : i32
      %dma_start3A_124 = tpu.memref_slice %arg7[%dma_start3A_122, %dma_start3A_123] : memref<2x128xi32, #tpu.memory_space<vmem>> -> memref<1x128xi32, #tpu.memory_space<vmem>>
      %dma_start3A_125 = tpu.memref_squeeze %dma_start3A_124 : memref<1x128xi32, #tpu.memory_space<vmem>> -> memref<128xi32, #tpu.memory_space<vmem>>
      %dma_start3A_126 = arith.constant 0 : i32
      %dma_start3A_127 = arith.constant 0 : i32
      %dma_start3A_128 = tpu.memref_slice %arg6[%dma_start3A_126, %dma_start3A_127] : memref<10240x128xf32, #tpu.memory_space<vmem_shared>> -> memref<10240x128xf32, #tpu.memory_space<vmem_shared>>
      tpu.enqueue_indirect_dma source(%arg9 : memref<128x128xf32, #tpu.memory_space<vmem>>) target(%dma_start3A_128 : memref<10240x128xf32, #tpu.memory_space<vmem_shared>>) offsets(%dma_start3A_125 : memref<128xi32, #tpu.memory_space<vmem>>) semaphore(%arg15 : memref<!tpu.dma_semaphore, #tpu.memory_space<semaphore_mem>>) {add = true}
      %add3A_129 = arith.constant 1 : i32
      %add3A_130 = arith.addi %add3A_114, %add3A_129 : i32
      %add3A_131 = arith.addi %mul3A_2, %add3A_130 : i32
      %dma_wait3A_132 = arith.constant 0 : i32
      %dma_wait3A_133 = arith.constant 0 : i32
      %dma_wait3A_134 = tpu.memref_slice %arg3[%add3A_131, %dma_wait3A_132, %dma_wait3A_133] : memref<2560x2x128xi32, #tpu.memory_space<hbm>> -> memref<1x2x128xi32, #tpu.memory_space<hbm>>
      %dma_wait3A_135 = tpu.memref_squeeze %dma_wait3A_134 : memref<1x2x128xi32, #tpu.memory_space<hbm>> -> memref<2x128xi32, #tpu.memory_space<hbm>>
      %dma_wait3A_136 = arith.constant 0 : i32
      %dma_wait3A_137 = arith.constant 0 : i32
      %dma_wait3A_138 = tpu.memref_slice %arg3[%add3A_131, %dma_wait3A_136, %dma_wait3A_137] : memref<2560x2x128xi32, #tpu.memory_space<hbm>> -> memref<1x2x128xi32, #tpu.memory_space<hbm>>
      %dma_wait3A_139 = tpu.memref_squeeze %dma_wait3A_138 : memref<1x2x128xi32, #tpu.memory_space<hbm>> -> memref<2x128xi32, #tpu.memory_space<hbm>>
      tpu.wait_dma2 semaphore(%arg12 : memref<!tpu.dma_semaphore, #tpu.memory_space<semaphore_mem>>) src(%dma_wait3A_139 : memref<2x128xi32, #tpu.memory_space<hbm>>) dst(%arg8 : memref<2x128xi32, #tpu.memory_space<vmem>>)
      %add3A_140 = arith.constant 1 : i32
      %add3A_141 = arith.addi %add3A_114, %add3A_140 : i32
      %dma_start3A_142 = arith.constant 0 : i32
      %dma_start3A_143 = arith.constant 0 : i32
      %dma_start3A_144 = tpu.memref_slice %arg8[%dma_start3A_142, %dma_start3A_143] : memref<2x128xi32, #tpu.memory_space<vmem>> -> memref<1x128xi32, #tpu.memory_space<vmem>>
      %dma_start3A_145 = tpu.memref_squeeze %dma_start3A_144 : memref<1x128xi32, #tpu.memory_space<vmem>> -> memref<128xi32, #tpu.memory_space<vmem>>
      %dma_start3A_146 = arith.constant 0 : i32
      %dma_start3A_147 = arith.constant 0 : i32
      %dma_start3A_148 = tpu.memref_slice %arg2[%dma_start3A_146, %dma_start3A_147] : memref<10240x128xf32, #tpu.memory_space<hbm>> -> memref<10240x128xf32, #tpu.memory_space<hbm>>
      tpu.enqueue_indirect_dma source(%dma_start3A_148 : memref<10240x128xf32, #tpu.memory_space<hbm>>) target(%arg10 : memref<128x128xf32, #tpu.memory_space<vmem>>) offsets(%dma_start3A_145 : memref<128xi32, #tpu.memory_space<vmem>>) semaphore(%arg14 : memref<!tpu.dma_semaphore, #tpu.memory_space<semaphore_mem>>)
      %dma_wait3A_149 = arith.constant 1 : i32
      %dma_wait3A_150 = arith.constant 0 : i32
      %dma_wait3A_151 = tpu.memref_slice %arg7[%dma_wait3A_149, %dma_wait3A_150] : memref<2x128xi32, #tpu.memory_space<vmem>> -> memref<1x128xi32, #tpu.memory_space<vmem>>
      %dma_wait3A_152 = tpu.memref_squeeze %dma_wait3A_151 : memref<1x128xi32, #tpu.memory_space<vmem>> -> memref<128xi32, #tpu.memory_space<vmem>>
      %dma_wait3A_153 = arith.constant 0 : i32
      %dma_wait3A_154 = arith.constant 0 : i32
      %dma_wait3A_155 = tpu.memref_slice %arg6[%dma_wait3A_153, %dma_wait3A_154] : memref<10240x128xf32, #tpu.memory_space<vmem_shared>> -> memref<10240x128xf32, #tpu.memory_space<vmem_shared>>
      tpu.wait_indirect_dma semaphore(%arg15 : memref<!tpu.dma_semaphore, #tpu.memory_space<semaphore_mem>>) src(%arg9 : memref<128x128xf32, #tpu.memory_space<vmem>>) dst(%dma_wait3A_155 : memref<10240x128xf32, #tpu.memory_space<vmem_shared>>)
      %add3A_156 = arith.constant 2 : i32
      %add3A_157 = arith.addi %add3A_114, %add3A_156 : i32
      %add3A_158 = arith.addi %mul3A_2, %add3A_157 : i32
      %dma_start3A_159 = arith.constant 0 : i32
      %dma_start3A_160 = arith.constant 0 : i32
      %dma_start3A_161 = tpu.memref_slice %arg3[%add3A_158, %dma_start3A_159, %dma_start3A_160] : memref<2560x2x128xi32, #tpu.memory_space<hbm>> -> memref<1x2x128xi32, #tpu.memory_space<hbm>>
      %dma_start3A_162 = tpu.memref_squeeze %dma_start3A_161 : memref<1x2x128xi32, #tpu.memory_space<hbm>> -> memref<2x128xi32, #tpu.memory_space<hbm>>
      %dma_start3A_163 = arith.constant 0 : i32
      %dma_start3A_164 = arith.constant 0 : i32
      %dma_start3A_165 = tpu.memref_slice %arg3[%add3A_158, %dma_start3A_163, %dma_start3A_164] : memref<2560x2x128xi32, #tpu.memory_space<hbm>> -> memref<1x2x128xi32, #tpu.memory_space<hbm>>
      %dma_start3A_166 = tpu.memref_squeeze %dma_start3A_165 : memref<1x2x128xi32, #tpu.memory_space<hbm>> -> memref<2x128xi32, #tpu.memory_space<hbm>>
      tpu.enqueue_dma source(%dma_start3A_166 : memref<2x128xi32, #tpu.memory_space<hbm>>) target(%arg7 : memref<2x128xi32, #tpu.memory_space<vmem>>) target_semaphore(%arg11 : memref<!tpu.dma_semaphore, #tpu.memory_space<semaphore_mem>>)
      %add3A_167 = arith.constant 1 : i32
      %add3A_168 = arith.addi %add3A_112, %add3A_167 : i32
      %dma_wait3A_169 = arith.constant 0 : i32
      %dma_wait3A_170 = arith.constant 0 : i32
      %dma_wait3A_171 = tpu.memref_slice %arg8[%dma_wait3A_169, %dma_wait3A_170] : memref<2x128xi32, #tpu.memory_space<vmem>> -> memref<1x128xi32, #tpu.memory_space<vmem>>
      %dma_wait3A_172 = tpu.memref_squeeze %dma_wait3A_171 : memref<1x128xi32, #tpu.memory_space<vmem>> -> memref<128xi32, #tpu.memory_space<vmem>>
      %dma_wait3A_173 = arith.constant 0 : i32
      %dma_wait3A_174 = arith.constant 0 : i32
      %dma_wait3A_175 = tpu.memref_slice %arg2[%dma_wait3A_173, %dma_wait3A_174] : memref<10240x128xf32, #tpu.memory_space<hbm>> -> memref<10240x128xf32, #tpu.memory_space<hbm>>
      tpu.wait_indirect_dma semaphore(%arg14 : memref<!tpu.dma_semaphore, #tpu.memory_space<semaphore_mem>>) src(%dma_wait3A_175 : memref<10240x128xf32, #tpu.memory_space<hbm>>) dst(%arg10 : memref<128x128xf32, #tpu.memory_space<vmem>>)
      %dma_start3A_176 = arith.constant 1 : i32
      %dma_start3A_177 = arith.constant 0 : i32
      %dma_start3A_178 = tpu.memref_slice %arg8[%dma_start3A_176, %dma_start3A_177] : memref<2x128xi32, #tpu.memory_space<vmem>> -> memref<1x128xi32, #tpu.memory_space<vmem>>
      %dma_start3A_179 = tpu.memref_squeeze %dma_start3A_178 : memref<1x128xi32, #tpu.memory_space<vmem>> -> memref<128xi32, #tpu.memory_space<vmem>>
      %dma_start3A_180 = arith.constant 0 : i32
      %dma_start3A_181 = arith.constant 0 : i32
      %dma_start3A_182 = tpu.memref_slice %arg6[%dma_start3A_180, %dma_start3A_181] : memref<10240x128xf32, #tpu.memory_space<vmem_shared>> -> memref<10240x128xf32, #tpu.memory_space<vmem_shared>>
      tpu.enqueue_indirect_dma source(%arg10 : memref<128x128xf32, #tpu.memory_space<vmem>>) target(%dma_start3A_182 : memref<10240x128xf32, #tpu.memory_space<vmem_shared>>) offsets(%dma_start3A_179 : memref<128xi32, #tpu.memory_space<vmem>>) semaphore(%arg16 : memref<!tpu.dma_semaphore, #tpu.memory_space<semaphore_mem>>) {add = true}
      %add3A_183 = arith.constant 1 : i32
      %add3A_184 = arith.addi %add3A_168, %add3A_183 : i32
      %add3A_185 = arith.addi %mul3A_2, %add3A_184 : i32
      %dma_wait3A_186 = arith.constant 0 : i32
      %dma_wait3A_187 = arith.constant 0 : i32
      %dma_wait3A_188 = tpu.memref_slice %arg3[%add3A_185, %dma_wait3A_186, %dma_wait3A_187] : memref<2560x2x128xi32, #tpu.memory_space<hbm>> -> memref<1x2x128xi32, #tpu.memory_space<hbm>>
      %dma_wait3A_189 = tpu.memref_squeeze %dma_wait3A_188 : memref<1x2x128xi32, #tpu.memory_space<hbm>> -> memref<2x128xi32, #tpu.memory_space<hbm>>
      %dma_wait3A_190 = arith.constant 0 : i32
      %dma_wait3A_191 = arith.constant 0 : i32
      %dma_wait3A_192 = tpu.memref_slice %arg3[%add3A_185, %dma_wait3A_190, %dma_wait3A_191] : memref<2560x2x128xi32, #tpu.memory_space<hbm>> -> memref<1x2x128xi32, #tpu.memory_space<hbm>>
      %dma_wait3A_193 = tpu.memref_squeeze %dma_wait3A_192 : memref<1x2x128xi32, #tpu.memory_space<hbm>> -> memref<2x128xi32, #tpu.memory_space<hbm>>
      tpu.wait_dma2 semaphore(%arg11 : memref<!tpu.dma_semaphore, #tpu.memory_space<semaphore_mem>>) src(%dma_wait3A_193 : memref<2x128xi32, #tpu.memory_space<hbm>>) dst(%arg7 : memref<2x128xi32, #tpu.memory_space<vmem>>)
      %add3A_194 = arith.constant 1 : i32
      %add3A_195 = arith.addi %add3A_168, %add3A_194 : i32
      %dma_start3A_196 = arith.constant 0 : i32
      %dma_start3A_197 = arith.constant 0 : i32
      %dma_start3A_198 = tpu.memref_slice %arg7[%dma_start3A_196, %dma_start3A_197] : memref<2x128xi32, #tpu.memory_space<vmem>> -> memref<1x128xi32, #tpu.memory_space<vmem>>
      %dma_start3A_199 = tpu.memref_squeeze %dma_start3A_198 : memref<1x128xi32, #tpu.memory_space<vmem>> -> memref<128xi32, #tpu.memory_space<vmem>>
      %dma_start3A_200 = arith.constant 0 : i32
      %dma_start3A_201 = arith.constant 0 : i32
      %dma_start3A_202 = tpu.memref_slice %arg2[%dma_start3A_200, %dma_start3A_201] : memref<10240x128xf32, #tpu.memory_space<hbm>> -> memref<10240x128xf32, #tpu.memory_space<hbm>>
      tpu.enqueue_indirect_dma source(%dma_start3A_202 : memref<10240x128xf32, #tpu.memory_space<hbm>>) target(%arg9 : memref<128x128xf32, #tpu.memory_space<vmem>>) offsets(%dma_start3A_199 : memref<128xi32, #tpu.memory_space<vmem>>) semaphore(%arg13 : memref<!tpu.dma_semaphore, #tpu.memory_space<semaphore_mem>>)
      %dma_wait3A_203 = arith.constant 1 : i32
      %dma_wait3A_204 = arith.constant 0 : i32
      %dma_wait3A_205 = tpu.memref_slice %arg8[%dma_wait3A_203, %dma_wait3A_204] : memref<2x128xi32, #tpu.memory_space<vmem>> -> memref<1x128xi32, #tpu.memory_space<vmem>>
      %dma_wait3A_206 = tpu.memref_squeeze %dma_wait3A_205 : memref<1x128xi32, #tpu.memory_space<vmem>> -> memref<128xi32, #tpu.memory_space<vmem>>
      %dma_wait3A_207 = arith.constant 0 : i32
      %dma_wait3A_208 = arith.constant 0 : i32
      %dma_wait3A_209 = tpu.memref_slice %arg6[%dma_wait3A_207, %dma_wait3A_208] : memref<10240x128xf32, #tpu.memory_space<vmem_shared>> -> memref<10240x128xf32, #tpu.memory_space<vmem_shared>>
      tpu.wait_indirect_dma semaphore(%arg16 : memref<!tpu.dma_semaphore, #tpu.memory_space<semaphore_mem>>) src(%arg10 : memref<128x128xf32, #tpu.memory_space<vmem>>) dst(%dma_wait3A_209 : memref<10240x128xf32, #tpu.memory_space<vmem_shared>>)
      %add3A_210 = arith.constant 2 : i32
      %add3A_211 = arith.addi %add3A_168, %add3A_210 : i32
      %add3A_212 = arith.addi %mul3A_2, %add3A_211 : i32
      %dma_start3A_213 = arith.constant 0 : i32
      %dma_start3A_214 = arith.constant 0 : i32
      %dma_start3A_215 = tpu.memref_slice %arg3[%add3A_212, %dma_start3A_213, %dma_start3A_214] : memref<2560x2x128xi32, #tpu.memory_space<hbm>> -> memref<1x2x128xi32, #tpu.memory_space<hbm>>
      %dma_start3A_216 = tpu.memref_squeeze %dma_start3A_215 : memref<1x2x128xi32, #tpu.memory_space<hbm>> -> memref<2x128xi32, #tpu.memory_space<hbm>>
      %dma_start3A_217 = arith.constant 0 : i32
      %dma_start3A_218 = arith.constant 0 : i32
      %dma_start3A_219 = tpu.memref_slice %arg3[%add3A_212, %dma_start3A_217, %dma_start3A_218] : memref<2560x2x128xi32, #tpu.memory_space<hbm>> -> memref<1x2x128xi32, #tpu.memory_space<hbm>>
      %dma_start3A_220 = tpu.memref_squeeze %dma_start3A_219 : memref<1x2x128xi32, #tpu.memory_space<hbm>> -> memref<2x128xi32, #tpu.memory_space<hbm>>
      tpu.enqueue_dma source(%dma_start3A_220 : memref<2x128xi32, #tpu.memory_space<hbm>>) target(%arg8 : memref<2x128xi32, #tpu.memory_space<vmem>>) target_semaphore(%arg12 : memref<!tpu.dma_semaphore, #tpu.memory_space<semaphore_mem>>)
    }
    %scan3A_43 = arith.constant 39 : i32
    %dma_wait3A_44 = arith.constant 0 : i32
    %dma_wait3A_45 = arith.constant 0 : i32
    %dma_wait3A_46 = tpu.memref_slice %arg7[%dma_wait3A_44, %dma_wait3A_45] : memref<2x128xi32, #tpu.memory_space<vmem>> -> memref<1x128xi32, #tpu.memory_space<vmem>>
    %dma_wait3A_47 = tpu.memref_squeeze %dma_wait3A_46 : memref<1x128xi32, #tpu.memory_space<vmem>> -> memref<128xi32, #tpu.memory_space<vmem>>
    %dma_wait3A_48 = arith.constant 0 : i32
    %dma_wait3A_49 = arith.constant 0 : i32
    %dma_wait3A_50 = tpu.memref_slice %arg2[%dma_wait3A_48, %dma_wait3A_49] : memref<10240x128xf32, #tpu.memory_space<hbm>> -> memref<10240x128xf32, #tpu.memory_space<hbm>>
    tpu.wait_indirect_dma semaphore(%arg13 : memref<!tpu.dma_semaphore, #tpu.memory_space<semaphore_mem>>) src(%dma_wait3A_50 : memref<10240x128xf32, #tpu.memory_space<hbm>>) dst(%arg9 : memref<128x128xf32, #tpu.memory_space<vmem>>)
    %dma_start3A_51 = arith.constant 1 : i32
    %dma_start3A_52 = arith.constant 0 : i32
    %dma_start3A_53 = tpu.memref_slice %arg7[%dma_start3A_51, %dma_start3A_52] : memref<2x128xi32, #tpu.memory_space<vmem>> -> memref<1x128xi32, #tpu.memory_space<vmem>>
    %dma_start3A_54 = tpu.memref_squeeze %dma_start3A_53 : memref<1x128xi32, #tpu.memory_space<vmem>> -> memref<128xi32, #tpu.memory_space<vmem>>
    %dma_start3A_55 = arith.constant 0 : i32
    %dma_start3A_56 = arith.constant 0 : i32
    %dma_start3A_57 = tpu.memref_slice %arg6[%dma_start3A_55, %dma_start3A_56] : memref<10240x128xf32, #tpu.memory_space<vmem_shared>> -> memref<10240x128xf32, #tpu.memory_space<vmem_shared>>
    tpu.enqueue_indirect_dma source(%arg9 : memref<128x128xf32, #tpu.memory_space<vmem>>) target(%dma_start3A_57 : memref<10240x128xf32, #tpu.memory_space<vmem_shared>>) offsets(%dma_start3A_54 : memref<128xi32, #tpu.memory_space<vmem>>) semaphore(%arg15 : memref<!tpu.dma_semaphore, #tpu.memory_space<semaphore_mem>>) {add = true}
    %add3A_58 = arith.constant 79 : i32
    %add3A_59 = arith.addi %mul3A_2, %add3A_58 : i32
    %dma_wait3A_60 = arith.constant 0 : i32
    %dma_wait3A_61 = arith.constant 0 : i32
    %dma_wait3A_62 = tpu.memref_slice %arg3[%add3A_59, %dma_wait3A_60, %dma_wait3A_61] : memref<2560x2x128xi32, #tpu.memory_space<hbm>> -> memref<1x2x128xi32, #tpu.memory_space<hbm>>
    %dma_wait3A_63 = tpu.memref_squeeze %dma_wait3A_62 : memref<1x2x128xi32, #tpu.memory_space<hbm>> -> memref<2x128xi32, #tpu.memory_space<hbm>>
    %dma_wait3A_64 = arith.constant 0 : i32
    %dma_wait3A_65 = arith.constant 0 : i32
    %dma_wait3A_66 = tpu.memref_slice %arg3[%add3A_59, %dma_wait3A_64, %dma_wait3A_65] : memref<2560x2x128xi32, #tpu.memory_space<hbm>> -> memref<1x2x128xi32, #tpu.memory_space<hbm>>
    %dma_wait3A_67 = tpu.memref_squeeze %dma_wait3A_66 : memref<1x2x128xi32, #tpu.memory_space<hbm>> -> memref<2x128xi32, #tpu.memory_space<hbm>>
    tpu.wait_dma2 semaphore(%arg12 : memref<!tpu.dma_semaphore, #tpu.memory_space<semaphore_mem>>) src(%dma_wait3A_67 : memref<2x128xi32, #tpu.memory_space<hbm>>) dst(%arg8 : memref<2x128xi32, #tpu.memory_space<vmem>>)
    %dma_start3A_68 = arith.constant 0 : i32
    %dma_start3A_69 = arith.constant 0 : i32
    %dma_start3A_70 = tpu.memref_slice %arg8[%dma_start3A_68, %dma_start3A_69] : memref<2x128xi32, #tpu.memory_space<vmem>> -> memref<1x128xi32, #tpu.memory_space<vmem>>
    %dma_start3A_71 = tpu.memref_squeeze %dma_start3A_70 : memref<1x128xi32, #tpu.memory_space<vmem>> -> memref<128xi32, #tpu.memory_space<vmem>>
    %dma_start3A_72 = arith.constant 0 : i32
    %dma_start3A_73 = arith.constant 0 : i32
    %dma_start3A_74 = tpu.memref_slice %arg2[%dma_start3A_72, %dma_start3A_73] : memref<10240x128xf32, #tpu.memory_space<hbm>> -> memref<10240x128xf32, #tpu.memory_space<hbm>>
    tpu.enqueue_indirect_dma source(%dma_start3A_74 : memref<10240x128xf32, #tpu.memory_space<hbm>>) target(%arg10 : memref<128x128xf32, #tpu.memory_space<vmem>>) offsets(%dma_start3A_71 : memref<128xi32, #tpu.memory_space<vmem>>) semaphore(%arg14 : memref<!tpu.dma_semaphore, #tpu.memory_space<semaphore_mem>>)
    %dma_wait3A_75 = arith.constant 1 : i32
    %dma_wait3A_76 = arith.constant 0 : i32
    %dma_wait3A_77 = tpu.memref_slice %arg7[%dma_wait3A_75, %dma_wait3A_76] : memref<2x128xi32, #tpu.memory_space<vmem>> -> memref<1x128xi32, #tpu.memory_space<vmem>>
    %dma_wait3A_78 = tpu.memref_squeeze %dma_wait3A_77 : memref<1x128xi32, #tpu.memory_space<vmem>> -> memref<128xi32, #tpu.memory_space<vmem>>
    %dma_wait3A_79 = arith.constant 0 : i32
    %dma_wait3A_80 = arith.constant 0 : i32
    %dma_wait3A_81 = tpu.memref_slice %arg6[%dma_wait3A_79, %dma_wait3A_80] : memref<10240x128xf32, #tpu.memory_space<vmem_shared>> -> memref<10240x128xf32, #tpu.memory_space<vmem_shared>>
    tpu.wait_indirect_dma semaphore(%arg15 : memref<!tpu.dma_semaphore, #tpu.memory_space<semaphore_mem>>) src(%arg9 : memref<128x128xf32, #tpu.memory_space<vmem>>) dst(%dma_wait3A_81 : memref<10240x128xf32, #tpu.memory_space<vmem_shared>>)
    %dma_wait3A_82 = arith.constant 0 : i32
    %dma_wait3A_83 = arith.constant 0 : i32
    %dma_wait3A_84 = tpu.memref_slice %arg8[%dma_wait3A_82, %dma_wait3A_83] : memref<2x128xi32, #tpu.memory_space<vmem>> -> memref<1x128xi32, #tpu.memory_space<vmem>>
    %dma_wait3A_85 = tpu.memref_squeeze %dma_wait3A_84 : memref<1x128xi32, #tpu.memory_space<vmem>> -> memref<128xi32, #tpu.memory_space<vmem>>
    %dma_wait3A_86 = arith.constant 0 : i32
    %dma_wait3A_87 = arith.constant 0 : i32
    %dma_wait3A_88 = tpu.memref_slice %arg2[%dma_wait3A_86, %dma_wait3A_87] : memref<10240x128xf32, #tpu.memory_space<hbm>> -> memref<10240x128xf32, #tpu.memory_space<hbm>>
    tpu.wait_indirect_dma semaphore(%arg14 : memref<!tpu.dma_semaphore, #tpu.memory_space<semaphore_mem>>) src(%dma_wait3A_88 : memref<10240x128xf32, #tpu.memory_space<hbm>>) dst(%arg10 : memref<128x128xf32, #tpu.memory_space<vmem>>)
    %dma_start3A_89 = arith.constant 1 : i32
    %dma_start3A_90 = arith.constant 0 : i32
    %dma_start3A_91 = tpu.memref_slice %arg8[%dma_start3A_89, %dma_start3A_90] : memref<2x128xi32, #tpu.memory_space<vmem>> -> memref<1x128xi32, #tpu.memory_space<vmem>>
    %dma_start3A_92 = tpu.memref_squeeze %dma_start3A_91 : memref<1x128xi32, #tpu.memory_space<vmem>> -> memref<128xi32, #tpu.memory_space<vmem>>
    %dma_start3A_93 = arith.constant 0 : i32
    %dma_start3A_94 = arith.constant 0 : i32
    %dma_start3A_95 = tpu.memref_slice %arg6[%dma_start3A_93, %dma_start3A_94] : memref<10240x128xf32, #tpu.memory_space<vmem_shared>> -> memref<10240x128xf32, #tpu.memory_space<vmem_shared>>
    tpu.enqueue_indirect_dma source(%arg10 : memref<128x128xf32, #tpu.memory_space<vmem>>) target(%dma_start3A_95 : memref<10240x128xf32, #tpu.memory_space<vmem_shared>>) offsets(%dma_start3A_92 : memref<128xi32, #tpu.memory_space<vmem>>) semaphore(%arg16 : memref<!tpu.dma_semaphore, #tpu.memory_space<semaphore_mem>>) {add = true}
    %dma_wait3A_96 = arith.constant 1 : i32
    %dma_wait3A_97 = arith.constant 0 : i32
    %dma_wait3A_98 = tpu.memref_slice %arg8[%dma_wait3A_96, %dma_wait3A_97] : memref<2x128xi32, #tpu.memory_space<vmem>> -> memref<1x128xi32, #tpu.memory_space<vmem>>
    %dma_wait3A_99 = tpu.memref_squeeze %dma_wait3A_98 : memref<1x128xi32, #tpu.memory_space<vmem>> -> memref<128xi32, #tpu.memory_space<vmem>>
    %dma_wait3A_100 = arith.constant 0 : i32
    %dma_wait3A_101 = arith.constant 0 : i32
    %dma_wait3A_102 = tpu.memref_slice %arg6[%dma_wait3A_100, %dma_wait3A_101] : memref<10240x128xf32, #tpu.memory_space<vmem_shared>> -> memref<10240x128xf32, #tpu.memory_space<vmem_shared>>
    tpu.wait_indirect_dma semaphore(%arg16 : memref<!tpu.dma_semaphore, #tpu.memory_space<semaphore_mem>>) src(%arg10 : memref<128x128xf32, #tpu.memory_space<vmem>>) dst(%dma_wait3A_102 : memref<10240x128xf32, #tpu.memory_space<vmem_shared>>)
    %barrier3A_103 = arith.constant 0 : index
    tpu.barrier barrier_id(%barrier3A_103)
    %mul3A_104 = arith.constant 640 : i32
    %mul3A_105 = arith.muli %arg1, %mul3A_104 : i32
    %mul3A_106 = arith.constant 640 : i32
    %mul3A_107 = arith.muli %arg1, %mul3A_106 : i32
    "tpu.region"() ({
      %run_scoped3A = tpu.sem_alloc : memref<!tpu.dma_semaphore, #tpu.memory_space<semaphore_mem>>
      %dma_start3A_108 = arith.constant 0 : i32
      %dma_start3A_109 = tpu.memref_slice %arg5[%arg0, %mul3A_107, %dma_start3A_108] : memref<2x10240x128xf32, #tpu.memory_space<hbm>> -> memref<1x640x128xf32, #tpu.memory_space<hbm>>
      %dma_start3A_110 = tpu.memref_squeeze %dma_start3A_109 : memref<1x640x128xf32, #tpu.memory_space<hbm>> -> memref<640x128xf32, #tpu.memory_space<hbm>>
      %dma_start3A_111 = arith.constant 0 : i32
      %dma_start3A_112 = tpu.memref_slice %arg6[%mul3A_105, %dma_start3A_111] : memref<10240x128xf32, #tpu.memory_space<vmem_shared>> -> memref<640x128xf32, #tpu.memory_space<vmem_shared>>
      tpu.enqueue_dma source(%dma_start3A_112 : memref<640x128xf32, #tpu.memory_space<vmem_shared>>) target(%dma_start3A_110 : memref<640x128xf32, #tpu.memory_space<hbm>>) target_semaphore(%run_scoped3A : memref<!tpu.dma_semaphore, #tpu.memory_space<semaphore_mem>>)
      %dma_wait3A_113 = arith.constant 0 : i32
      %dma_wait3A_114 = tpu.memref_slice %arg5[%arg0, %mul3A_107, %dma_wait3A_113] : memref<2x10240x128xf32, #tpu.memory_space<hbm>> -> memref<1x640x128xf32, #tpu.memory_space<hbm>>
      %dma_wait3A_115 = tpu.memref_squeeze %dma_wait3A_114 : memref<1x640x128xf32, #tpu.memory_space<hbm>> -> memref<640x128xf32, #tpu.memory_space<hbm>>
      %dma_wait3A_116 = arith.constant 0 : i32
      %dma_wait3A_117 = tpu.memref_slice %arg6[%mul3A_105, %dma_wait3A_116] : memref<10240x128xf32, #tpu.memory_space<vmem_shared>> -> memref<640x128xf32, #tpu.memory_space<vmem_shared>>
      tpu.wait_dma2 semaphore(%run_scoped3A : memref<!tpu.dma_semaphore, #tpu.memory_space<semaphore_mem>>) src(%dma_wait3A_117 : memref<640x128xf32, #tpu.memory_space<vmem_shared>>) dst(%dma_wait3A_115 : memref<640x128xf32, #tpu.memory_space<hbm>>)
      tpu.yield
    }) : () -> ()
    return
  }
}

module attributes {stable_mosaic.version = 14 : i64} {
  func.func @body(%arg0: memref<32x10240xf32, #tpu.memory_space<vmem>>, %arg1: memref<1x10240xf32, #tpu.memory_space<vmem>>) attributes {dimension_semantics = [], scalar_prefetch = 0 : i64, scratch_operands = 0 : i64, tpu.core_type = #tpu.core_type<tc>} {
    %get3A = arith.constant 0 : index
    %get3A_0 = arith.constant 0 : index
    %get3A_1 = vector.load %arg0[%get3A, %get3A_0] : memref<32x10240xf32, #tpu.memory_space<vmem>>, vector<32x10240xf32>
    %reduce_sum3A = arith.constant dense<0.000000e+00> : vector<10240xf32>
    %reduce_sum3A_2 = vector.multi_reduction <add>, %get3A_1, %reduce_sum3A [0] : vector<32x10240xf32> to vector<10240xf32>
    %add3A = arith.constant 1.000000e+00 : f32
    %add3A_3 = vector.broadcast %add3A : f32 to vector<10240xf32>
    %add3A_4 = arith.addf %reduce_sum3A_2, %add3A_3 : vector<10240xf32>
    %rsqrt3A = math.rsqrt %add3A_4 : vector<10240xf32>
    %broadcast_in_dim3A = vector.shape_cast %rsqrt3A : vector<10240xf32> to vector<1x10240xf32>
    %swap3A = arith.constant 0 : index
    %swap3A_5 = arith.constant 0 : index
    %swap3A_6 = vector.load %arg1[%swap3A, %swap3A_5] : memref<1x10240xf32, #tpu.memory_space<vmem>>, vector<1x10240xf32>
    tpu.vector_store %arg1[%swap3A, %swap3A_5], %broadcast_in_dim3A {strides = array<i32>} : memref<1x10240xf32, #tpu.memory_space<vmem>>, vector<1x10240xf32>,
    return
  }
}

module attributes {stable_mosaic.version = 14 : i64} {
  func.func @body(%arg0: i32, %arg1: memref<2000x128xf32, #tpu.memory_space<vmem>>, %arg2: memref<2000x1xf32, #tpu.memory_space<vmem>>, %arg3: memref<2000x128xf32, #tpu.memory_space<vmem>>) attributes {dimension_semantics = [#tpu.dimension_semantics<arbitrary>], iteration_bounds = array<i64: 5>, scalar_prefetch = 0 : i64, scratch_operands = 0 : i64, tpu.core_type = #tpu.core_type<tc>, window_params = [{transform_indices = @transform_0, window_bounds = array<i64: 2000, 128>}, {transform_indices = @transform_1, window_bounds = array<i64: 2000, 1>}, {transform_indices = @transform_2, window_bounds = array<i64: 2000, 128>}]} {
    %get3A = arith.constant 0 : index
    %get3A_0 = arith.constant 0 : index
    %get3A_1 = vector.load %arg1[%get3A, %get3A_0] : memref<2000x128xf32, #tpu.memory_space<vmem>>, vector<2000x128xf32>
    %get3A_2 = arith.constant 0 : index
    %get3A_3 = arith.constant 0 : index
    %get3A_4 = vector.load %arg2[%get3A_2, %get3A_3] : memref<2000x1xf32, #tpu.memory_space<vmem>>, vector<2000x1xf32>
    %mul3A = vector.broadcast %get3A_4 : vector<2000x1xf32> to vector<2000x128xf32>
    %mul3A_5 = arith.mulf %get3A_1, %mul3A : vector<2000x128xf32>
    %swap3A = arith.constant 0 : index
    %swap3A_6 = arith.constant 0 : index
    %swap3A_7 = vector.load %arg3[%swap3A, %swap3A_6] : memref<2000x128xf32, #tpu.memory_space<vmem>>, vector<2000x128xf32>
    tpu.vector_store %arg3[%swap3A, %swap3A_6], %mul3A_5 {strides = array<i32>} : memref<2000x128xf32, #tpu.memory_space<vmem>>, vector<2000x128xf32>,
    return
  }
  func.func @transform_0(%arg0: i32) -> (i32, i32) {
    %c0_i32 = arith.constant 0 : i32
    %c0_i32_0 = arith.constant 0 : i32
    return %arg0, %c0_i32 : i32, i32
  }
  func.func @transform_1(%arg0: i32) -> (i32, i32) {
    %c0_i32 = arith.constant 0 : i32
    %c0_i32_0 = arith.constant 0 : i32
    return %arg0, %c0_i32 : i32, i32
  }
  func.func @transform_2(%arg0: i32) -> (i32, i32) {
    %c0_i32 = arith.constant 0 : i32
    %c0_i32_0 = arith.constant 0 : i32
    return %arg0, %c0_i32 : i32, i32
  }
}

module attributes {stable_mosaic.version = 14 : i64} {
  func.func @body(%arg0: i32, %arg1: memref<2x2048x128xf32, #tpu.memory_space<vmem>>, %arg2: memref<2048x128xf32, #tpu.memory_space<vmem>>, %arg3: memref<2048x1xf32, #tpu.memory_space<vmem>>, %arg4: memref<256x128xf32, #tpu.memory_space<vmem>>, %arg5: memref<1x256xf32, #tpu.memory_space<vmem>>, %arg6: memref<256x256xf32, #tpu.memory_space<vmem>>, %arg7: memref<2x2048x128xf32, #tpu.memory_space<vmem>>) attributes {dimension_semantics = [#tpu.dimension_semantics<arbitrary>], iteration_bounds = array<i64: 5>, scalar_prefetch = 0 : i64, scratch_operands = 0 : i64, tpu.core_type = #tpu.core_type<tc>, window_params = [{transform_indices = @transform_0, window_bounds = array<i64: 2, 2048, 128>}, {transform_indices = @transform_1, window_bounds = array<i64: 2048, 128>}, {transform_indices = @transform_2, window_bounds = array<i64: 2048, 1>}, {pipeline_mode = #tpu.pipeline_mode<synchronous>, transform_indices = @transform_3, window_bounds = array<i64: 256, 128>}, {pipeline_mode = #tpu.pipeline_mode<synchronous>, transform_indices = @transform_4, window_bounds = array<i64: 1, 256>}, {pipeline_mode = #tpu.pipeline_mode<synchronous>, transform_indices = @transform_5, window_bounds = array<i64: 256, 256>}, {transform_indices = @transform_6, window_bounds = array<i64: 2, 2048, 128>}]} {
    %get3A = arith.constant 0 : index
    %get3A_0 = arith.constant 0 : index
    %get3A_1 = vector.load %arg3[%get3A, %get3A_0] : memref<2048x1xf32, #tpu.memory_space<vmem>>, vector<2048x1xf32>
    %get3A_2 = arith.constant 0 : index
    %get3A_3 = arith.constant 0 : index
    %get3A_4 = arith.constant 0 : index
    %get3A_5 = vector.load %arg1[%get3A_2, %get3A_3, %get3A_4] : memref<2x2048x128xf32, #tpu.memory_space<vmem>>, vector<1x2048x128xf32>
    %get3A_6 = vector.shape_cast %get3A_5 : vector<1x2048x128xf32> to vector<2048x128xf32>
    %get3A_7 = arith.constant 1 : index
    %get3A_8 = arith.constant 0 : index
    %get3A_9 = arith.constant 0 : index
    %get3A_10 = vector.load %arg1[%get3A_7, %get3A_8, %get3A_9] : memref<2x2048x128xf32, #tpu.memory_space<vmem>>, vector<1x2048x128xf32>
    %get3A_11 = vector.shape_cast %get3A_10 : vector<1x2048x128xf32> to vector<2048x128xf32>
    %add3A = arith.addf %get3A_6, %get3A_11 : vector<2048x128xf32>
    %get3A_12 = arith.constant 0 : index
    %get3A_13 = arith.constant 0 : index
    %get3A_14 = vector.load %arg2[%get3A_12, %get3A_13] : memref<2048x128xf32, #tpu.memory_space<vmem>>, vector<2048x128xf32>
    %add3A_15 = arith.addf %add3A, %get3A_14 : vector<2048x128xf32>
    %mul3A = vector.broadcast %get3A_1 : vector<2048x1xf32> to vector<2048x128xf32>
    %mul3A_16 = arith.mulf %mul3A, %add3A_15 : vector<2048x128xf32>
    %get3A_17 = arith.constant 0 : index
    %get3A_18 = arith.constant 0 : index
    %get3A_19 = vector.load %arg4[%get3A_17, %get3A_18] : memref<256x128xf32, #tpu.memory_space<vmem>>, vector<256x128xf32>
    %dot_general3A = arith.constant dense<0.000000e+00> : vector<2048x256xf32>
    %dot_general3A_20 = tpu.matmul %mul3A_16, %get3A_19, %dot_general3A {dimension_numbers = #tpu.dot_dimension_numbers<[1], [1], [0], [0], [0, 0, 1, 0], [], []>, transpose_lhs_hint = false} : vector<2048x128xf32>, vector<256x128xf32>, vector<2048x256xf32> -> vector<2048x256xf32>
    %get3A_21 = arith.constant 0 : index
    %get3A_22 = arith.constant 0 : index
    %get3A_23 = vector.load %arg5[%get3A_21, %get3A_22] : memref<1x256xf32, #tpu.memory_space<vmem>>, vector<1x256xf32>
    %add3A_24 = vector.broadcast %get3A_23 : vector<1x256xf32> to vector<2048x256xf32>
    %add3A_25 = arith.addf %dot_general3A_20, %add3A_24 : vector<2048x256xf32>
    %max3A = arith.constant 0.000000e+00 : f32
    %max3A_26 = vector.broadcast %max3A : f32 to vector<2048x256xf32>
    %max3A_27 = arith.maximumf %add3A_25, %max3A_26 : vector<2048x256xf32>
    %get3A_28 = arith.constant 0 : index
    %get3A_29 = arith.constant 0 : index
    %get3A_30 = vector.load %arg6[%get3A_28, %get3A_29] : memref<256x256xf32, #tpu.memory_space<vmem>>, vector<256x256xf32>
    %dot_general3A_31 = arith.constant dense<0.000000e+00> : vector<2048x256xf32>
    %dot_general3A_32 = tpu.matmul %max3A_27, %get3A_30, %dot_general3A_31 {dimension_numbers = #tpu.dot_dimension_numbers<[1], [1], [0], [0], [0, 0, 1, 0], [], []>, transpose_lhs_hint = false} : vector<2048x256xf32>, vector<256x256xf32>, vector<2048x256xf32> -> vector<2048x256xf32>
    %mul3A_33 = vector.broadcast %get3A_1 : vector<2048x1xf32> to vector<2048x256xf32>
    %mul3A_34 = arith.mulf %mul3A_33, %dot_general3A_32 : vector<2048x256xf32>
    %slice3A = vector.extract_strided_slice %mul3A_34 {offsets = [0, 0], sizes = [2048, 128], strides = [1, 1]} : vector<2048x256xf32> to vector<2048x128xf32>
    %swap3A = arith.constant 0 : index
    %swap3A_35 = arith.constant 0 : index
    %swap3A_36 = arith.constant 0 : index
    %swap3A_37 = vector.load %arg7[%swap3A, %swap3A_35, %swap3A_36] : memref<2x2048x128xf32, #tpu.memory_space<vmem>>, vector<1x2048x128xf32>
    %swap3A_38 = vector.shape_cast %swap3A_37 : vector<1x2048x128xf32> to vector<2048x128xf32>
    %swap3A_39 = vector.shape_cast %slice3A : vector<2048x128xf32> to vector<1x2048x128xf32>
    tpu.vector_store %arg7[%swap3A, %swap3A_35, %swap3A_36], %swap3A_39 {strides = array<i32>} : memref<2x2048x128xf32, #tpu.memory_space<vmem>>, vector<1x2048x128xf32>,
    %slice3A_40 = vector.extract_strided_slice %mul3A_34 {offsets = [0, 128], sizes = [2048, 128], strides = [1, 1]} : vector<2048x256xf32> to vector<2048x128xf32>
    %swap3A_41 = arith.constant 1 : index
    %swap3A_42 = arith.constant 0 : index
    %swap3A_43 = arith.constant 0 : index
    %swap3A_44 = vector.load %arg7[%swap3A_41, %swap3A_42, %swap3A_43] : memref<2x2048x128xf32, #tpu.memory_space<vmem>>, vector<1x2048x128xf32>
    %swap3A_45 = vector.shape_cast %swap3A_44 : vector<1x2048x128xf32> to vector<2048x128xf32>
    %swap3A_46 = vector.shape_cast %slice3A_40 : vector<2048x128xf32> to vector<1x2048x128xf32>
    tpu.vector_store %arg7[%swap3A_41, %swap3A_42, %swap3A_43], %swap3A_46 {strides = array<i32>} : memref<2x2048x128xf32, #tpu.memory_space<vmem>>, vector<1x2048x128xf32>,
    return
  }
  func.func @transform_0(%arg0: i32) -> (i32, i32, i32) {
    %c0_i32 = arith.constant 0 : i32
    %c0_i32_0 = arith.constant 0 : i32
    %c0_i32_1 = arith.constant 0 : i32
    return %c0_i32, %arg0, %c0_i32_0 : i32, i32, i32
  }
  func.func @transform_1(%arg0: i32) -> (i32, i32) {
    %c0_i32 = arith.constant 0 : i32
    %c0_i32_0 = arith.constant 0 : i32
    return %arg0, %c0_i32 : i32, i32
  }
  func.func @transform_2(%arg0: i32) -> (i32, i32) {
    %c0_i32 = arith.constant 0 : i32
    %c0_i32_0 = arith.constant 0 : i32
    return %arg0, %c0_i32 : i32, i32
  }
  func.func @transform_3(%arg0: i32) -> (i32, i32) {
    %c0_i32 = arith.constant 0 : i32
    %c0_i32_0 = arith.constant 0 : i32
    %c0_i32_1 = arith.constant 0 : i32
    return %c0_i32, %c0_i32_0 : i32, i32
  }
  func.func @transform_4(%arg0: i32) -> (i32, i32) {
    %c0_i32 = arith.constant 0 : i32
    %c0_i32_0 = arith.constant 0 : i32
    %c0_i32_1 = arith.constant 0 : i32
    return %c0_i32, %c0_i32_0 : i32, i32
  }
  func.func @transform_5(%arg0: i32) -> (i32, i32) {
    %c0_i32 = arith.constant 0 : i32
    %c0_i32_0 = arith.constant 0 : i32
    %c0_i32_1 = arith.constant 0 : i32
    return %c0_i32, %c0_i32_0 : i32, i32
  }
  func.func @transform_6(%arg0: i32) -> (i32, i32, i32) {
    %c0_i32 = arith.constant 0 : i32
    %c0_i32_0 = arith.constant 0 : i32
    %c0_i32_1 = arith.constant 0 : i32
    return %c0_i32, %arg0, %c0_i32_0 : i32, i32, i32
  }
}

module attributes {stable_mosaic.version = 14 : i64} {
  func.func @body(%arg0: i32, %arg1: memref<2x2048x128xf32, #tpu.memory_space<vmem>>, %arg2: memref<2x2048x128xf32, #tpu.memory_space<vmem>>, %arg3: memref<2048x1xf32, #tpu.memory_space<vmem>>, %arg4: memref<1x256xf32, #tpu.memory_space<vmem>>, %arg5: memref<128x256xf32, #tpu.memory_space<vmem>>, %arg6: memref<2048x128xf32, #tpu.memory_space<vmem>>) attributes {dimension_semantics = [#tpu.dimension_semantics<arbitrary>], iteration_bounds = array<i64: 5>, scalar_prefetch = 0 : i64, scratch_operands = 0 : i64, tpu.core_type = #tpu.core_type<tc>, window_params = [{transform_indices = @transform_0, window_bounds = array<i64: 2, 2048, 128>}, {transform_indices = @transform_1, window_bounds = array<i64: 2, 2048, 128>}, {transform_indices = @transform_2, window_bounds = array<i64: 2048, 1>}, {pipeline_mode = #tpu.pipeline_mode<synchronous>, transform_indices = @transform_3, window_bounds = array<i64: 1, 256>}, {pipeline_mode = #tpu.pipeline_mode<synchronous>, transform_indices = @transform_4, window_bounds = array<i64: 128, 256>}, {transform_indices = @transform_5, window_bounds = array<i64: 2048, 128>}]} {
    %get3A = arith.constant 0 : index
    %get3A_0 = arith.constant 0 : index
    %get3A_1 = vector.load %arg3[%get3A, %get3A_0] : memref<2048x1xf32, #tpu.memory_space<vmem>>, vector<2048x1xf32>
    %get3A_2 = arith.constant 0 : index
    %get3A_3 = arith.constant 0 : index
    %get3A_4 = arith.constant 0 : index
    %get3A_5 = vector.load %arg1[%get3A_2, %get3A_3, %get3A_4] : memref<2x2048x128xf32, #tpu.memory_space<vmem>>, vector<1x2048x128xf32>
    %get3A_6 = vector.shape_cast %get3A_5 : vector<1x2048x128xf32> to vector<2048x128xf32>
    %get3A_7 = arith.constant 0 : index
    %get3A_8 = arith.constant 0 : index
    %get3A_9 = arith.constant 0 : index
    %get3A_10 = vector.load %arg2[%get3A_7, %get3A_8, %get3A_9] : memref<2x2048x128xf32, #tpu.memory_space<vmem>>, vector<1x2048x128xf32>
    %get3A_11 = vector.shape_cast %get3A_10 : vector<1x2048x128xf32> to vector<2048x128xf32>
    %add3A = arith.addf %get3A_6, %get3A_11 : vector<2048x128xf32>
    %mul3A = vector.broadcast %get3A_1 : vector<2048x1xf32> to vector<2048x128xf32>
    %mul3A_12 = arith.mulf %mul3A, %add3A : vector<2048x128xf32>
    %get3A_13 = arith.constant 1 : index
    %get3A_14 = arith.constant 0 : index
    %get3A_15 = arith.constant 0 : index
    %get3A_16 = vector.load %arg1[%get3A_13, %get3A_14, %get3A_15] : memref<2x2048x128xf32, #tpu.memory_space<vmem>>, vector<1x2048x128xf32>
    %get3A_17 = vector.shape_cast %get3A_16 : vector<1x2048x128xf32> to vector<2048x128xf32>
    %get3A_18 = arith.constant 1 : index
    %get3A_19 = arith.constant 0 : index
    %get3A_20 = arith.constant 0 : index
    %get3A_21 = vector.load %arg2[%get3A_18, %get3A_19, %get3A_20] : memref<2x2048x128xf32, #tpu.memory_space<vmem>>, vector<1x2048x128xf32>
    %get3A_22 = vector.shape_cast %get3A_21 : vector<1x2048x128xf32> to vector<2048x128xf32>
    %add3A_23 = arith.addf %get3A_17, %get3A_22 : vector<2048x128xf32>
    %mul3A_24 = vector.broadcast %get3A_1 : vector<2048x1xf32> to vector<2048x128xf32>
    %mul3A_25 = arith.mulf %mul3A_24, %add3A_23 : vector<2048x128xf32>
    %concatenate3A = tpu.concatenate %mul3A_12, %mul3A_25 in 1 : vector<2048x128xf32>, vector<2048x128xf32> -> vector<2048x256xf32>
    %get3A_26 = arith.constant 0 : index
    %get3A_27 = arith.constant 0 : index
    %get3A_28 = vector.load %arg4[%get3A_26, %get3A_27] : memref<1x256xf32, #tpu.memory_space<vmem>>, vector<1x256xf32>
    %add3A_29 = vector.broadcast %get3A_28 : vector<1x256xf32> to vector<2048x256xf32>
    %add3A_30 = arith.addf %concatenate3A, %add3A_29 : vector<2048x256xf32>
    %max3A = arith.constant 0.000000e+00 : f32
    %max3A_31 = vector.broadcast %max3A : f32 to vector<2048x256xf32>
    %max3A_32 = arith.maximumf %add3A_30, %max3A_31 : vector<2048x256xf32>
    %get3A_33 = arith.constant 0 : index
    %get3A_34 = arith.constant 0 : index
    %get3A_35 = vector.load %arg5[%get3A_33, %get3A_34] : memref<128x256xf32, #tpu.memory_space<vmem>>, vector<128x256xf32>
    %dot_general3A = arith.constant dense<0.000000e+00> : vector<2048x128xf32>
    %dot_general3A_36 = tpu.matmul %max3A_32, %get3A_35, %dot_general3A {dimension_numbers = #tpu.dot_dimension_numbers<[1], [1], [0], [0], [0, 0, 1, 0], [], []>, transpose_lhs_hint = false} : vector<2048x256xf32>, vector<128x256xf32>, vector<2048x128xf32> -> vector<2048x128xf32>
    %mul3A_37 = vector.broadcast %get3A_1 : vector<2048x1xf32> to vector<2048x128xf32>
    %mul3A_38 = arith.mulf %mul3A_37, %dot_general3A_36 : vector<2048x128xf32>
    %swap3A = arith.constant 0 : index
    %swap3A_39 = arith.constant 0 : index
    %swap3A_40 = vector.load %arg6[%swap3A, %swap3A_39] : memref<2048x128xf32, #tpu.memory_space<vmem>>, vector<2048x128xf32>
    tpu.vector_store %arg6[%swap3A, %swap3A_39], %mul3A_38 {strides = array<i32>} : memref<2048x128xf32, #tpu.memory_space<vmem>>, vector<2048x128xf32>,
    return
  }
  func.func @transform_0(%arg0: i32) -> (i32, i32, i32) {
    %c0_i32 = arith.constant 0 : i32
    %c0_i32_0 = arith.constant 0 : i32
    %c0_i32_1 = arith.constant 0 : i32
    return %c0_i32, %arg0, %c0_i32_0 : i32, i32, i32
  }
  func.func @transform_1(%arg0: i32) -> (i32, i32, i32) {
    %c0_i32 = arith.constant 0 : i32
    %c0_i32_0 = arith.constant 0 : i32
    %c0_i32_1 = arith.constant 0 : i32
    return %c0_i32, %arg0, %c0_i32_0 : i32, i32, i32
  }
  func.func @transform_2(%arg0: i32) -> (i32, i32) {
    %c0_i32 = arith.constant 0 : i32
    %c0_i32_0 = arith.constant 0 : i32
    return %arg0, %c0_i32 : i32, i32
  }
  func.func @transform_3(%arg0: i32) -> (i32, i32) {
    %c0_i32 = arith.constant 0 : i32
    %c0_i32_0 = arith.constant 0 : i32
    %c0_i32_1 = arith.constant 0 : i32
    return %c0_i32, %c0_i32_0 : i32, i32
  }
  func.func @transform_4(%arg0: i32) -> (i32, i32) {
    %c0_i32 = arith.constant 0 : i32
    %c0_i32_0 = arith.constant 0 : i32
    %c0_i32_1 = arith.constant 0 : i32
    return %c0_i32, %c0_i32_0 : i32, i32
  }
  func.func @transform_5(%arg0: i32) -> (i32, i32) {
    %c0_i32 = arith.constant 0 : i32
    %c0_i32_0 = arith.constant 0 : i32
    return %arg0, %c0_i32 : i32, i32
  }
}

module attributes {stable_mosaic.version = 14 : i64} {
  func.func @body(%arg0: i32, %arg1: memref<2x2048x128xf32, #tpu.memory_space<vmem>>, %arg2: memref<2x2048x128xf32, #tpu.memory_space<vmem>>, %arg3: memref<2048x1xf32, #tpu.memory_space<vmem>>, %arg4: memref<1x256xf32, #tpu.memory_space<vmem>>, %arg5: memref<256x256xf32, #tpu.memory_space<vmem>>, %arg6: memref<2x2048x128xf32, #tpu.memory_space<vmem>>) attributes {dimension_semantics = [#tpu.dimension_semantics<arbitrary>], iteration_bounds = array<i64: 5>, scalar_prefetch = 0 : i64, scratch_operands = 0 : i64, tpu.core_type = #tpu.core_type<tc>, window_params = [{transform_indices = @transform_0, window_bounds = array<i64: 2, 2048, 128>}, {transform_indices = @transform_1, window_bounds = array<i64: 2, 2048, 128>}, {transform_indices = @transform_2, window_bounds = array<i64: 2048, 1>}, {pipeline_mode = #tpu.pipeline_mode<synchronous>, transform_indices = @transform_3, window_bounds = array<i64: 1, 256>}, {pipeline_mode = #tpu.pipeline_mode<synchronous>, transform_indices = @transform_4, window_bounds = array<i64: 256, 256>}, {transform_indices = @transform_5, window_bounds = array<i64: 2, 2048, 128>}]} {
    %get3A = arith.constant 0 : index
    %get3A_0 = arith.constant 0 : index
    %get3A_1 = vector.load %arg3[%get3A, %get3A_0] : memref<2048x1xf32, #tpu.memory_space<vmem>>, vector<2048x1xf32>
    %get3A_2 = arith.constant 0 : index
    %get3A_3 = arith.constant 0 : index
    %get3A_4 = arith.constant 0 : index
    %get3A_5 = vector.load %arg1[%get3A_2, %get3A_3, %get3A_4] : memref<2x2048x128xf32, #tpu.memory_space<vmem>>, vector<1x2048x128xf32>
    %get3A_6 = vector.shape_cast %get3A_5 : vector<1x2048x128xf32> to vector<2048x128xf32>
    %get3A_7 = arith.constant 0 : index
    %get3A_8 = arith.constant 0 : index
    %get3A_9 = arith.constant 0 : index
    %get3A_10 = vector.load %arg2[%get3A_7, %get3A_8, %get3A_9] : memref<2x2048x128xf32, #tpu.memory_space<vmem>>, vector<1x2048x128xf32>
    %get3A_11 = vector.shape_cast %get3A_10 : vector<1x2048x128xf32> to vector<2048x128xf32>
    %add3A = arith.addf %get3A_6, %get3A_11 : vector<2048x128xf32>
    %mul3A = vector.broadcast %get3A_1 : vector<2048x1xf32> to vector<2048x128xf32>
    %mul3A_12 = arith.mulf %mul3A, %add3A : vector<2048x128xf32>
    %get3A_13 = arith.constant 1 : index
    %get3A_14 = arith.constant 0 : index
    %get3A_15 = arith.constant 0 : index
    %get3A_16 = vector.load %arg1[%get3A_13, %get3A_14, %get3A_15] : memref<2x2048x128xf32, #tpu.memory_space<vmem>>, vector<1x2048x128xf32>
    %get3A_17 = vector.shape_cast %get3A_16 : vector<1x2048x128xf32> to vector<2048x128xf32>
    %get3A_18 = arith.constant 1 : index
    %get3A_19 = arith.constant 0 : index
    %get3A_20 = arith.constant 0 : index
    %get3A_21 = vector.load %arg2[%get3A_18, %get3A_19, %get3A_20] : memref<2x2048x128xf32, #tpu.memory_space<vmem>>, vector<1x2048x128xf32>
    %get3A_22 = vector.shape_cast %get3A_21 : vector<1x2048x128xf32> to vector<2048x128xf32>
    %add3A_23 = arith.addf %get3A_17, %get3A_22 : vector<2048x128xf32>
    %mul3A_24 = vector.broadcast %get3A_1 : vector<2048x1xf32> to vector<2048x128xf32>
    %mul3A_25 = arith.mulf %mul3A_24, %add3A_23 : vector<2048x128xf32>
    %concatenate3A = tpu.concatenate %mul3A_12, %mul3A_25 in 1 : vector<2048x128xf32>, vector<2048x128xf32> -> vector<2048x256xf32>
    %get3A_26 = arith.constant 0 : index
    %get3A_27 = arith.constant 0 : index
    %get3A_28 = vector.load %arg4[%get3A_26, %get3A_27] : memref<1x256xf32, #tpu.memory_space<vmem>>, vector<1x256xf32>
    %add3A_29 = vector.broadcast %get3A_28 : vector<1x256xf32> to vector<2048x256xf32>
    %add3A_30 = arith.addf %concatenate3A, %add3A_29 : vector<2048x256xf32>
    %max3A = arith.constant 0.000000e+00 : f32
    %max3A_31 = vector.broadcast %max3A : f32 to vector<2048x256xf32>
    %max3A_32 = arith.maximumf %add3A_30, %max3A_31 : vector<2048x256xf32>
    %get3A_33 = arith.constant 0 : index
    %get3A_34 = arith.constant 0 : index
    %get3A_35 = vector.load %arg5[%get3A_33, %get3A_34] : memref<256x256xf32, #tpu.memory_space<vmem>>, vector<256x256xf32>
    %dot_general3A = arith.constant dense<0.000000e+00> : vector<2048x256xf32>
    %dot_general3A_36 = tpu.matmul %max3A_32, %get3A_35, %dot_general3A {dimension_numbers = #tpu.dot_dimension_numbers<[1], [1], [0], [0], [0, 0, 1, 0], [], []>, transpose_lhs_hint = false} : vector<2048x256xf32>, vector<256x256xf32>, vector<2048x256xf32> -> vector<2048x256xf32>
    %mul3A_37 = vector.broadcast %get3A_1 : vector<2048x1xf32> to vector<2048x256xf32>
    %mul3A_38 = arith.mulf %mul3A_37, %dot_general3A_36 : vector<2048x256xf32>
    %slice3A = vector.extract_strided_slice %mul3A_38 {offsets = [0, 0], sizes = [2048, 128], strides = [1, 1]} : vector<2048x256xf32> to vector<2048x128xf32>
    %swap3A = arith.constant 0 : index
    %swap3A_39 = arith.constant 0 : index
    %swap3A_40 = arith.constant 0 : index
    %swap3A_41 = vector.load %arg6[%swap3A, %swap3A_39, %swap3A_40] : memref<2x2048x128xf32, #tpu.memory_space<vmem>>, vector<1x2048x128xf32>
    %swap3A_42 = vector.shape_cast %swap3A_41 : vector<1x2048x128xf32> to vector<2048x128xf32>
    %swap3A_43 = vector.shape_cast %slice3A : vector<2048x128xf32> to vector<1x2048x128xf32>
    tpu.vector_store %arg6[%swap3A, %swap3A_39, %swap3A_40], %swap3A_43 {strides = array<i32>} : memref<2x2048x128xf32, #tpu.memory_space<vmem>>, vector<1x2048x128xf32>,
    %slice3A_44 = vector.extract_strided_slice %mul3A_38 {offsets = [0, 128], sizes = [2048, 128], strides = [1, 1]} : vector<2048x256xf32> to vector<2048x128xf32>
    %swap3A_45 = arith.constant 1 : index
    %swap3A_46 = arith.constant 0 : index
    %swap3A_47 = arith.constant 0 : index
    %swap3A_48 = vector.load %arg6[%swap3A_45, %swap3A_46, %swap3A_47] : memref<2x2048x128xf32, #tpu.memory_space<vmem>>, vector<1x2048x128xf32>
    %swap3A_49 = vector.shape_cast %swap3A_48 : vector<1x2048x128xf32> to vector<2048x128xf32>
    %swap3A_50 = vector.shape_cast %slice3A_44 : vector<2048x128xf32> to vector<1x2048x128xf32>
    tpu.vector_store %arg6[%swap3A_45, %swap3A_46, %swap3A_47], %swap3A_50 {strides = array<i32>} : memref<2x2048x128xf32, #tpu.memory_space<vmem>>, vector<1x2048x128xf32>,
    return
  }
  func.func @transform_0(%arg0: i32) -> (i32, i32, i32) {
    %c0_i32 = arith.constant 0 : i32
    %c0_i32_0 = arith.constant 0 : i32
    %c0_i32_1 = arith.constant 0 : i32
    return %c0_i32, %arg0, %c0_i32_0 : i32, i32, i32
  }
  func.func @transform_1(%arg0: i32) -> (i32, i32, i32) {
    %c0_i32 = arith.constant 0 : i32
    %c0_i32_0 = arith.constant 0 : i32
    %c0_i32_1 = arith.constant 0 : i32
    return %c0_i32, %arg0, %c0_i32_0 : i32, i32, i32
  }
  func.func @transform_2(%arg0: i32) -> (i32, i32) {
    %c0_i32 = arith.constant 0 : i32
    %c0_i32_0 = arith.constant 0 : i32
    return %arg0, %c0_i32 : i32, i32
  }
  func.func @transform_3(%arg0: i32) -> (i32, i32) {
    %c0_i32 = arith.constant 0 : i32
    %c0_i32_0 = arith.constant 0 : i32
    %c0_i32_1 = arith.constant 0 : i32
    return %c0_i32, %c0_i32_0 : i32, i32
  }
  func.func @transform_4(%arg0: i32) -> (i32, i32) {
    %c0_i32 = arith.constant 0 : i32
    %c0_i32_0 = arith.constant 0 : i32
    %c0_i32_1 = arith.constant 0 : i32
    return %c0_i32, %c0_i32_0 : i32, i32
  }
  func.func @transform_5(%arg0: i32) -> (i32, i32, i32) {
    %c0_i32 = arith.constant 0 : i32
    %c0_i32_0 = arith.constant 0 : i32
    %c0_i32_1 = arith.constant 0 : i32
    return %c0_i32, %arg0, %c0_i32_0 : i32, i32, i32
  }
}

module attributes {stable_mosaic.version = 14 : i64} {
  func.func @body(%arg0: i32, %arg1: memref<2x2048x128xf32, #tpu.memory_space<vmem>>, %arg2: memref<2048x128xf32, #tpu.memory_space<vmem>>, %arg3: memref<2048x1xf32, #tpu.memory_space<vmem>>, %arg4: memref<1x128xf32, #tpu.memory_space<vmem>>, %arg5: memref<2048x128xf32, #tpu.memory_space<vmem>>) attributes {dimension_semantics = [#tpu.dimension_semantics<arbitrary>], iteration_bounds = array<i64: 5>, scalar_prefetch = 0 : i64, scratch_operands = 0 : i64, tpu.core_type = #tpu.core_type<tc>, window_params = [{transform_indices = @transform_0, window_bounds = array<i64: 2, 2048, 128>}, {transform_indices = @transform_1, window_bounds = array<i64: 2048, 128>}, {transform_indices = @transform_2, window_bounds = array<i64: 2048, 1>}, {pipeline_mode = #tpu.pipeline_mode<synchronous>, transform_indices = @transform_3, window_bounds = array<i64: 1, 128>}, {transform_indices = @transform_4, window_bounds = array<i64: 2048, 128>}]} {
    %get3A = arith.constant 0 : index
    %get3A_0 = arith.constant 0 : index
    %get3A_1 = vector.load %arg3[%get3A, %get3A_0] : memref<2048x1xf32, #tpu.memory_space<vmem>>, vector<2048x1xf32>
    %get3A_2 = arith.constant 0 : index
    %get3A_3 = arith.constant 0 : index
    %get3A_4 = arith.constant 0 : index
    %get3A_5 = vector.load %arg1[%get3A_2, %get3A_3, %get3A_4] : memref<2x2048x128xf32, #tpu.memory_space<vmem>>, vector<1x2048x128xf32>
    %get3A_6 = vector.shape_cast %get3A_5 : vector<1x2048x128xf32> to vector<2048x128xf32>
    %get3A_7 = arith.constant 1 : index
    %get3A_8 = arith.constant 0 : index
    %get3A_9 = arith.constant 0 : index
    %get3A_10 = vector.load %arg1[%get3A_7, %get3A_8, %get3A_9] : memref<2x2048x128xf32, #tpu.memory_space<vmem>>, vector<1x2048x128xf32>
    %get3A_11 = vector.shape_cast %get3A_10 : vector<1x2048x128xf32> to vector<2048x128xf32>
    %add3A = arith.addf %get3A_6, %get3A_11 : vector<2048x128xf32>
    %get3A_12 = arith.constant 0 : index
    %get3A_13 = arith.constant 0 : index
    %get3A_14 = vector.load %arg2[%get3A_12, %get3A_13] : memref<2048x128xf32, #tpu.memory_space<vmem>>, vector<2048x128xf32>
    %add3A_15 = arith.addf %add3A, %get3A_14 : vector<2048x128xf32>
    %mul3A = vector.broadcast %get3A_1 : vector<2048x1xf32> to vector<2048x128xf32>
    %mul3A_16 = arith.mulf %mul3A, %add3A_15 : vector<2048x128xf32>
    %get3A_17 = arith.constant 0 : index
    %get3A_18 = arith.constant 0 : index
    %get3A_19 = vector.load %arg4[%get3A_17, %get3A_18] : memref<1x128xf32, #tpu.memory_space<vmem>>, vector<1x128xf32>
    %add3A_20 = vector.broadcast %get3A_19 : vector<1x128xf32> to vector<2048x128xf32>
    %add3A_21 = arith.addf %mul3A_16, %add3A_20 : vector<2048x128xf32>
    %swap3A = arith.constant 0 : index
    %swap3A_22 = arith.constant 0 : index
    %swap3A_23 = vector.load %arg5[%swap3A, %swap3A_22] : memref<2048x128xf32, #tpu.memory_space<vmem>>, vector<2048x128xf32>
    tpu.vector_store %arg5[%swap3A, %swap3A_22], %add3A_21 {strides = array<i32>} : memref<2048x128xf32, #tpu.memory_space<vmem>>, vector<2048x128xf32>,
    return
  }
  func.func @transform_0(%arg0: i32) -> (i32, i32, i32) {
    %c0_i32 = arith.constant 0 : i32
    %c0_i32_0 = arith.constant 0 : i32
    %c0_i32_1 = arith.constant 0 : i32
    return %c0_i32, %arg0, %c0_i32_0 : i32, i32, i32
  }
  func.func @transform_1(%arg0: i32) -> (i32, i32) {
    %c0_i32 = arith.constant 0 : i32
    %c0_i32_0 = arith.constant 0 : i32
    return %arg0, %c0_i32 : i32, i32
  }
  func.func @transform_2(%arg0: i32) -> (i32, i32) {
    %c0_i32 = arith.constant 0 : i32
    %c0_i32_0 = arith.constant 0 : i32
    return %arg0, %c0_i32 : i32, i32
  }
  func.func @transform_3(%arg0: i32) -> (i32, i32) {
    %c0_i32 = arith.constant 0 : i32
    %c0_i32_0 = arith.constant 0 : i32
    %c0_i32_1 = arith.constant 0 : i32
    return %c0_i32, %c0_i32_0 : i32, i32
  }
  func.func @transform_4(%arg0: i32) -> (i32, i32) {
    %c0_i32 = arith.constant 0 : i32
    %c0_i32_0 = arith.constant 0 : i32
    return %arg0, %c0_i32 : i32, i32
  }
}

</mosaic_0001>

<sc_bundles>
// kernel: kernel.13.cloned.1.call-start
scs
__scs_entry_jumppad:
0x0: {  	(pc) =	sbr.rel $0x88, $3  }
0x1: {  	(tag) =	ssettag $0x0;
	lr =	simm.s32 $0x1  }
0x2: {  	[smem:$0x3F97] =	sst lr;
	_ =	strace $0xD0000000  }
0x3: {  	_ = 	snop  }
0x4: {  	_ = 	snop  }
0x5: {  	_ = 	snop  }
0x6: {  	_ = 	snop  }
0x7: {  	_ = 	snop  }
__scs_overlays_trampoline_lowered:
0x8: {  	[smem:$0x3FA6] =	sst s0  }
0x9: {  	[smem:$0x3FA7] =	sst s1  }
0xa: {  	[smem:$0x3FA8] =	sst s2  }
0xb: {  	[smem:$0x3FA9] =	sst s3  }
0xc: {  	[smem:$0x3FAA] =	sst s4  }
0xd: {  	[smem:$0x3FAB] =	sst s5  }
0xe: {  	[smem:$0x3FAC] =	sst s6  }
0xf: {  	[smem:$0x3FAD] =	sst s7  }
0x10: {  	[smem:$0x3FAE] =	sst s8  }
0x11: {  	[smem:$0x3FAF] =	sst s9;
	s0 =	simm.s32 @!p0 $0x0  }
0x12: {  	s1 =	sld [smem:$0x3F95];
	s0 =	simm.s32 @p0 $0x1  }
0x13: {  	[smem:$0x3FB0] =	sst s0;
	s0 =	simm.s32 @!p1 $0x0  }
0x14: {  	s2 =	sld [smem:$0x3F94];
	s0 =	simm.s32 @p1 $0x1  }
0x15: {  	[smem:$0x3FB1] =	sst s0;
	s0 =	simm.s32 @!p2 $0x0  }
0x16: {  	s3 =	sld [smem:$0x3FDB];
	s0 =	simm.s32 @p2 $0x1  }
0x17: {  	s4 =	simm.s32 $0x1BF5;
	[smem:$0x3FB3] =	sst s0  }
0x18: {  	s0 =	sld [smem:$0x3F96];
	_ =	swait.ge [sflag:s4], $0x0  }
0x19: {  	s7 =	sld [smem:$0x3F97]  }
0x1a: {  	s8 =	sadd.s32 $0xFFFFE003, lr  }
0x1b: {  	s9 =	sadd.s32 $0xFFFFFEF7, lr;
	s5 =	simm.s32 $0xFFFFFFFF;
	p2 =	slt.u32 s8, $0xFFFFF086  }
0x1c: {  	p1 =	slt.u32 s9, $0xF7A;
	s5 =	simm.s32 @!p2 $0x0  }
0x1d: {  	s5 =	simm.s32 @p1 $0x1;
	p0 =	seq.s32 s7, s2  }
0x1e: {  	s7 =	smul.u32 @!p0 $0xF7A, s2;
	p2 =	seq.s32 @!p0 s5, $0x0  }
0x1f: {  	s9 =	smul.u32 $0xF7A, s1;
	s8 =	simm.s32 @!p0 $0x1BF5;
	p2 =	por !p2, p0  }
0x20: {  	[sflag:s8] =	ssyncset.s32 @!p0 $0xFFFFF086;
	s6 =	sadd.s32 @!p0 s3, s7;
	s7 =	simm.s32 @!p0 $0x108  }
0x21: {  	s3 =	sadd.s32 s3, s9;
	s6 =	sadd.s32 @!p0 $0x88, s6;
	s7 =	simm.s32 @p2 $0x1082  }
0x22: {  	[simem:s7], [sflag:s8] =	dma.local @!p0 [hbm:s6], $0xF7A  }
0x23: {  	s9 =	sor.u32 $0xD0000000, s2;
	s6 =	simm.s32 $0x108;
	_ =	swait.ge @!p0 [sflag:s8], $0x0  }
0x24: {  	s3 =	sadd.s32 $0x88, s3;
	s6 =	simm.s32 @!p1 $0x1082;
	[sflag:s4] =	ssyncset.s32 $0xFFFFF086  }
0x25: {  	[simem:s6], [sflag:s4] =	dma.local [hbm:s3], $0xF7A  }
0x26: {  	[smem:$0x3F97] =	sst s1;
	(tag) =	ssettag s2;
	_ =	strace s9  }
0x27: {  	s1 =	sld [smem:$0x3FA7]  }
0x28: {  	s2 =	sld [smem:$0x3FA8]  }
0x29: {  	s4 =	sld [smem:$0x3FAA]  }
0x2a: {  	p0 =	seq.s32 s5, $0x0;
	s5 =	sld [smem:$0x3FAB]  }
0x2b: {  	s6 =	sld [smem:$0x3FAC]  }
0x2c: {  	s7 =	sld [smem:$0x3FAD]  }
0x2d: {  	s3 =	simm.s32 $0x108;
	s8 =	sld [smem:$0x3FAE]  }
0x2e: {  	s3 =	simm.s32 @!p0 $0x1082;
	s9 =	sld [smem:$0x3FAF]  }
0x2f: {  	lr =	sadd.s32 s0, s3;
	s0 =	sld [smem:$0x3FA6]  }
0x30: {  	s3 =	sld [smem:$0x3FA9]  }
0x31: {  	[smem:$0x3FB2] =	sst s10  }
0x32: {  	s10 =	sld [smem:$0x3FB0];
	_ =	sdelay $0x3  }
0x33: {  	p0 =	seq.s32 s10, $0x1;
	s10 =	sld [smem:$0x3FB2];
	_ =	sdelay $0x3  }
0x34: {  	[smem:$0x3FB2] =	sst s10  }
0x35: {  	s10 =	sld [smem:$0x3FB1];
	_ =	sdelay $0x3  }
0x36: {  	p1 =	seq.s32 s10, $0x1;
	s10 =	sld [smem:$0x3FB2];
	_ =	sdelay $0x3  }
0x37: {  	[smem:$0x3FB2] =	sst s10  }
0x38: {  	s10 =	sld [smem:$0x3FB3]  }
0x39: {  	_ = 	snop;
	(pc) =	sbr.ind lr, $3  }
0x3a: {  	_ = 	snop  }
0x3b: {  	_ = 	snop  }
0x3c: {  	p2 =	seq.s32 s10, $0x1;
	s10 =	sld [smem:$0x3FB2]  }
0x3d: {  	_ =	shalt  }
0x3e: {  	_ =	shalt  }
0x3f: {  	_ =	shalt  }
0x40: {  	_ =	shalt  }
0x41: {  	_ =	shalt  }
0x42: {  	_ =	shalt  }
0x43: {  	_ =	shalt  }
0x44: {  	_ =	shalt  }
0x45: {  	_ =	shalt  }
0x46: {  	_ =	shalt  }
0x47: {  	_ =	shalt  }
0x48: {  	_ =	shalt  }
0x49: {  	_ =	shalt  }
0x4a: {  	_ =	shalt  }
0x4b: {  	_ =	shalt  }
0x4c: {  	_ =	shalt  }
0x4d: {  	_ =	shalt  }
0x4e: {  	_ =	shalt  }
0x4f: {  	_ =	shalt  }
0x50: {  	_ =	shalt  }
0x51: {  	_ =	shalt  }
0x52: {  	_ =	shalt  }
0x53: {  	_ =	shalt  }
0x54: {  	_ =	shalt  }
0x55: {  	_ =	shalt  }
0x56: {  	_ =	shalt  }
0x57: {  	_ =	shalt  }
0x58: {  	_ =	shalt  }
0x59: {  	_ =	shalt  }
0x5a: {  	_ =	shalt  }
0x5b: {  	_ =	shalt  }
0x5c: {  	_ =	shalt  }
0x5d: {  	_ =	shalt  }
0x5e: {  	_ =	shalt  }
0x5f: {  	_ =	shalt  }
0x60: {  	_ =	shalt  }
0x61: {  	_ =	shalt  }
0x62: {  	_ =	shalt  }
0x63: {  	_ =	shalt  }
0x64: {  	_ =	shalt  }
0x65: {  	_ =	shalt  }
0x66: {  	_ =	shalt  }
0x67: {  	_ =	shalt  }
0x68: {  	_ =	shalt  }
0x69: {  	_ =	shalt  }
0x6a: {  	_ =	shalt  }
0x6b: {  	_ =	shalt  }
0x6c: {  	_ =	shalt  }
0x6d: {  	_ =	shalt  }
0x6e: {  	_ =	shalt  }
0x6f: {  	_ =	shalt  }
0x70: {  	_ =	shalt  }
0x71: {  	_ =	shalt  }
0x72: {  	_ =	shalt  }
0x73: {  	_ =	shalt  }
0x74: {  	_ =	shalt  }
0x75: {  	_ =	shalt  }
0x76: {  	_ =	shalt  }
0x77: {  	_ =	shalt  }
0x78: {  	_ =	shalt  }
0x79: {  	_ =	shalt  }
0x7a: {  	_ =	shalt  }
0x7b: {  	_ =	shalt  }
0x7c: {  	_ =	shalt  }
0x7d: {  	_ =	shalt  }
0x7e: {  	_ =	shalt  }
0x7f: {  	_ =	shalt  }
0x80: {  	_ =	shalt  }
0x81: {  	_ =	shalt  }
0x82: {  	_ =	shalt  }
0x83: {  	_ =	shalt  }
0x84: {  	_ =	shalt  }
0x85: {  	_ =	shalt  }
0x86: {  	_ =	shalt  }
0x87: {  	_ =	shalt  }
.Lfunc_end0:
.L_simem_size_0:
called_computation_lowered:
.L_overlay_start_0:
0x88: {  	s2 =	sld [smem:$0x3FD9]  }
0x89: {  	s3 =	sld [smem:$0x3FFE];
	_ =	sdelay $0x1  }
0x8a: {  	s1 =	srdreg.scid  }
0x8b: {  	s0 =	sand.u32 $0x1, s1  }
0x8c: {  	s17 =	sshll.u32 s0, $0xA;
	s2 =	sadd.s32 s3, s2  }
0x8d: {  	s2 =	sadd.s32 s2, s17  }
0x8e: {  	[smem:$0x3FBE] =	sst s2  }
0x8f: {  	_ = 	snop  }
0x90: {  	s2 =	sld [smem:$0x3FD0];
	(tm) =	ssettm $0x1  }
0x91: {  	s18 =	sld [smem:$0x3FFB];
	_ =	sdelay $0x3  }
0x92: {  	_ =	strace s18  }
0x93: {  	s3 =	sld [smem:$0x3FFC];
	_ =	sdelay $0x3  }
0x94: {  	_ =	strace s3  }
0x95: {  	s3 =	sld [smem:$0x3FFD];
	_ =	sdelay $0x3  }
0x96: {  	_ =	strace s3  }
0x97: {  	_ =	strace $0x8FFFFFFF  }
0x98: {  	s19 =	sld [smem:$0x3FDB];
	_ =	sdelay $0x1  }
0x99: {  	s4 =	simm.s32 $_scs_section_size  }
0x9a: {  	s5 =	simm.s32 $_size__tile_overlayer_lowered;
	s6 =	simm.s32 $_tile_overlayer_lowered  }
0x9b: {  	s22 =	simm.s32 $0x1BFF;
	s21 =	sshll.u32 s6, $0x1;
	s3 =	sadd.s32 s4, s19  }
0x9c: {  	s7 =	simm.s32 $0x0;
	s20 =	sshll.u32 s5, $0x1;
	s5 =	sadd.s32 s21, s3  }
0x9d: {  	[timem:s7], [sflag:s22] =	dma.local [hbm:s5], s20  }
0x9e: {  	_ =	swait.ge [sflag:s22], s20  }
0x9f: {  	s4 =	ssub.s32 $0x0, s20;
	[sflag:s22] =	ssyncset.done $0x0  }
0xa0: {  	[sflag:s22] =	ssyncadd.s32 s4;
	_ =	sdelay $0x1  }
0xa1: {  	s23 =	simm.s32 $0x1B8B  }
0xa2: {  	_ =	swait.ge [sflag:s23], $0x1  }
0xa3: {  	[sflag:s23] =	ssyncset.done $0x0  }
0xa4: {  	s25 =	simm.s32 $0x1B8E;
	s24 =	sld [smem:$0x3FFE];
	[sflag:s23] =	ssyncadd.s32 $0xFFFFFFFF  }
0xa5: {  	s26 =	simm.s32 $execute0_lowered;
	[smem:$0x3FD2] =	sst s25  }
0xa6: {  	s5 =	sshll.u32 s26, $0x1;
	_ =	strace $0x80000046;
	[dreg:$0x1] =	wrdreg $0xFFFFFFFF  }
0xa7: {  	s28 =	simm.s32 $_size_execute0_lowered;
	s3 =	sadd.s32 s3, s5;
	[dreg:$0x0] =	wrdreg $0x0  }
0xa8: {  	s5 =	sshll.u32 s28, $0x1;
	[dreg:$0x2] =	wrdreg s3  }
0xa9: {  	[dreg:$0x3] =	wrdreg s5  }
0xaa: {  	[dreg:$0x4] =	wrdreg $0xC0  }
0xab: {  	_ =	task [dreg:s7], $0x5FFFF  }
0xac: {  	[dreg:$0x1] =	wrdreg $0xFFFFFFFF  }
0xad: {  	[dreg:$0x0] =	wrdreg $0x60  }
0xae: {  	[dreg:$0x2] =	wrdreg s2  }
0xaf: {  	[dreg:$0x3] =	wrdreg s24  }
0xb0: {  	[dreg:$0x4] =	wrdreg $0x9  }
0xb1: {  	_ =	task.clear_ibuf [dreg:s7], $0x5FFFF;
	_ =	strace $0x90000046  }
0xb2: {  	s29 =	simm.s32 $0x9;
	_ =	strace $0x80000048  }
0xb3: {  	_ =	swait.ge [sflag:s29], $0x1  }
0xb4: {  	[sflag:s29] =	ssyncadd.s32 $0xFFFFFFFF  }
0xb5: {  	_ =	strace $0x90000048  }
0xb6: {  	_ =	sfence  }
0xb7: {  	s30 =	sld [smem:$0x0];
	_ =	sdelay $0x2  }
0xb8: {  	s31 =	sshll.u32 s1, $0xD;
	s1 =	sshrl.u32 s1, $0x2  }
0xb9: {  	s3 =	sand.u32 $0x4000, s31;
	s1 =	sadd.s32 s1, s30  }
0xba: {  	s0 =	sor.u32 s3, s0;
	s1 =	sshll.u32 s1, $0x11  }
0xbb: {  	s0 =	sor.u32 s1, s0  }
0xbc: {  	s0 =	sadd.s32 $0x8F2B, s0  }
0xbd: {  	[sflag:s0] =	ssyncadd.remote.s32 $0x1  }
0xbe: {  	_ =	sfence.sel $0xFFFF  }
0xbf: {  	[dreg:$0x0] =	wrdreg $0xFFFFFFFF;
	(pc) =	sbr.abs _section_cstart, $3  }
0xc0: {  	[dreg:$0x1] =	wrdreg $0xFFFFFFFF  }
0xc1: {  	_ =	task.clear_ibuf [dreg:s7], $0x2FFFF;
	_ =	strace $0x9FFFFFFF  }
0xc2: {  	(tm) =	ssettm $0x7FFFFFFF  }
0xc3: {  	_ =	shalt  }
tec
execute0_lowered:
.L_overlay_start_1:
0x0: {  	(tag) =	ssettag $0x1  }
0x1: {  	s1 =	srdreg.scid  }
0x2: {  	s0 =	stileid.u32;
	s4 =	rddreg [dreg:$0x0]  }
0x3: {  	s6 =	rddreg [dreg:$0x1];
	s3 =	sand.u32 $0x1, s1;
	s29 =	sshll.u32 s0, $0x1  }
0x4: {  	s2 =	simm.s32 $0x0;
	s30 =	sshrl.u32 s0, $0x2;
	s5 =	sor.u32 s3, s29  }
0x5: {  	s9 =	simm.s32 $0x400;
	s7 =	smul.u32 $0x14000, s30;
	s8 =	sshll.u32 s5, $0x7  }
0x6: {  	s10 =	simm.s32 $0x0;
	s1 =	rddreg [dreg:$0x2];
	s8 =	sand.u32 $0x380, s8  }
0x7: {  	[smem:$0x7FF] =	sst s2;
	s3 =	ssub.s32 $0x2, s3;
	s7 =	sor.u32 s7, s8  }
0x8: {  	_ =	strace $0x80000047;
	s5 =	smul.u32 $0xA00, s5;
	s7 =	sshrl.u32 s7, $0x3  }
0x9: {  	s31 =	sshrl.u32 s3, $0x1;
	s8 =	simm.s32 $0x80;
	s6 =	sadd.s32 s7, s6  }
0xa: {  	s7 =	ssub.s32 s3, s31;
	s3 =	sadd.s32 s4, s5;
	s4 =	sadd.s32 $0x4200, s6  }
0xb: {  	v0 =	vimm.f32 $0.0e+00;
	v1 =	vimm.f32 $1.000000000e+00;
	s5 =	smax.u32 s7, $0x1;
	s6 =	simm.s32 $0x1;
	s7 =	simm.s32 $0x5000  }
.LBB2_1:
0xc: {  	[tilespmem:s2], [sflag:$0x1] =	stream.linear.gather [hbm4b:s3+s2], $0x5000, $0x38;
	[tilespmem:$0x7800] =	vst v63  }
0xd: {  	_ =	swait.ge [sflag:s6], $0x5000  }
0xe: {  	[sflag:s6] =	ssyncset.done $0x0  }
0xf: {  	s11 =	simm.s32 $0x0;
	[sflag:s6] =	ssyncadd.s32 $0xFFFFB000  }
.LBB2_2:
0x10: {  	p0 =	sne.s32 s11, $0x9FC0  }
.Ltmp0:
0x11: {  	_ = 	snop;
	(pc) =	sbr.rel @p0 .LBB2_2-.Ltmp0, $3  }
0x12: {  	_ =	sdelay $0x1  }
0x13: {  	s12 =	sshra.s32 s11, $0x2  }
0x14: {  	s11 =	sadd.s32 $0x40, s11;
	[tilespmem:s12+$0x5000] =	vst v0  }
0x15: {  	s11 =	simm.s32 $0x0  }
.LBB2_4:
0x16: {  	s12 =	sshra.s32 s11, $0x2  }
0x17: {  	v2 =	vld [tilespmem:s12+$0x80];
	_ =	sdelay $0x7  }
0x18: {  	[tilespmem:v2+s7+$0x0] =	vst.idx.add.f32.msk $0xffff, v1  }
0x19: {  	v2 =	vld [tilespmem:s12+$0x90];
	_ =	sdelay $0x7  }
0x1a: {  	[tilespmem:v2+s7+$0x0] =	vst.idx.add.f32.msk $0xffff, v1  }
0x1b: {  	v2 =	vld [tilespmem:s12+$0xA0];
	_ =	sdelay $0x7  }
0x1c: {  	[tilespmem:v2+s7+$0x0] =	vst.idx.add.f32.msk $0xffff, v1  }
0x1d: {  	v2 =	vld [tilespmem:s12+$0xB0];
	_ =	sdelay $0x7  }
0x1e: {  	[tilespmem:v2+s7+$0x0] =	vst.idx.add.f32.msk $0xffff, v1  }
0x1f: {  	v2 =	vld [tilespmem:s12+$0xC0];
	_ =	sdelay $0x7  }
0x20: {  	[tilespmem:v2+s7+$0x0] =	vst.idx.add.f32.msk $0xffff, v1  }
0x21: {  	v2 =	vld [tilespmem:s12+$0xD0];
	_ =	sdelay $0x7  }
0x22: {  	[tilespmem:v2+s7+$0x0] =	vst.idx.add.f32.msk $0xffff, v1  }
0x23: {  	v2 =	vld [tilespmem:s12+$0xE0];
	_ =	sdelay $0x7  }
0x24: {  	[tilespmem:v2+s7+$0x0] =	vst.idx.add.f32.msk $0xffff, v1  }
0x25: {  	v2 =	vld [tilespmem:s12+$0xF0];
	_ =	sdelay $0x2  }
0x26: {  	p0 =	sne.s32 s11, $0x13C00  }
.Ltmp1:
0x27: {  	_ = 	snop;
	(pc) =	sbr.rel @p0 .LBB2_4-.Ltmp1, $2  }
0x28: {  	_ =	sdelay $0x2  }
0x29: {  	s11 =	sadd.s32 $0x400, s11;
	[tilespmem:v2+s7+$0x0] =	vst.idx.add.f32.msk $0xffff, v1  }
0x2a: {  	s10 =	sadd.s32 $0x1, s10  }
0x2b: {  	p0 =	sne.s32 s10, s5  }
.Ltmp2:
0x2c: {  	_ = 	snop;
	(pc) =	sbr.rel @p0 .LBB2_1-.Ltmp2, $4  }
0x2d: {  	[hbm4b:s4+s8] =	stream.strided.scatter [tilespmem:s7], [sflag:$0x1], $0x2800, s9, s8, $0x38;
	[tilespmem:$0x7800] =	vst v63  }
0x2e: {  	_ =	swait.ge [sflag:s6], $0x2800  }
0x2f: {  	[sflag:s6] =	ssyncset.done $0x0  }
0x30: {  	[sflag:s6] =	ssyncadd.s32 $0xFFFFD800  }
0x31: {  	_ =	sfence.sel $0x180000  }
0x32: {  	[bflag:$0x0] =	sbarrier.arrive $0xFFFF  }
0x33: {  	p0 =	sne.s32 s0, $0x0;
	_ =	strace $0x90000047  }
0x34: {  	s0 =	sadd.s32 @!p0 $0x100000, s1;
	[bflag:$0x2] =	sbarrier.arrive $0xFFFF  }
0x35: {  	[sflag:s0] =	ssyncadd.tile.s32 @!p0 $0x1;
	_ =	shalt  }
.Lfunc_end2:
_tile_overlayer_lowered:
.L_overlay_start_2:
0x36: {  	(tag) =	ssettag $0x2  }
0x37: {  	s0 =	rddreg [dreg:$0x0];
	s2 =	stileid.u32  }
0x38: {  	s1 =	rddreg [dreg:$0x1];
	p0 =	sne.s32 s2, $0x0  }
0x39: {  	s3 =	rddreg [dreg:$0x2];
	[bflag:$0x3] =	sbarrier.arrive $0xFFFF;
	s2 =	simm.s32 @!p0 $0x1C01  }
0x3a: {  	[timem:s3], [sflag:s2] =	dma.local @!p0 [hbm:s0], s1  }
0x3b: {  	s0 =	simm.s32 @!p0 $0x1  }
0x3c: {  	_ =	swait.ge @!p0 [sflag:s0], s1  }
0x3d: {  	s1 =	ssub.s32 @!p0 $0x0, s1;
	[sflag:s0] =	ssyncset.done @!p0 $0x0  }
0x3e: {  	[sflag:s0] =	ssyncadd.s32 @!p0 s1  }
0x3f: {  	[bflag:$0x3] =	sbarrier.arrive $0xFFFF  }
0x40: {  	_ =	shalt  }

// kernel: kernel.16.cloned.1.call-start
scs
__scs_entry_jumppad:
0x0: {  	(pc) =	sbr.rel $0x88, $3  }
0x1: {  	(tag) =	ssettag $0x0;
	lr =	simm.s32 $0x1  }
0x2: {  	[smem:$0x3F97] =	sst lr;
	_ =	strace $0xD0000000  }
0x3: {  	_ = 	snop  }
0x4: {  	_ = 	snop  }
0x5: {  	_ = 	snop  }
0x6: {  	_ = 	snop  }
0x7: {  	_ = 	snop  }
__scs_overlays_trampoline_lowered:
0x8: {  	[smem:$0x3FA6] =	sst s0  }
0x9: {  	[smem:$0x3FA7] =	sst s1  }
0xa: {  	[smem:$0x3FA8] =	sst s2  }
0xb: {  	[smem:$0x3FA9] =	sst s3  }
0xc: {  	[smem:$0x3FAA] =	sst s4  }
0xd: {  	[smem:$0x3FAB] =	sst s5  }
0xe: {  	[smem:$0x3FAC] =	sst s6  }
0xf: {  	[smem:$0x3FAD] =	sst s7  }
0x10: {  	[smem:$0x3FAE] =	sst s8  }
0x11: {  	[smem:$0x3FAF] =	sst s9;
	s0 =	simm.s32 @!p0 $0x0  }
0x12: {  	s1 =	sld [smem:$0x3F95];
	s0 =	simm.s32 @p0 $0x1  }
0x13: {  	[smem:$0x3FB0] =	sst s0;
	s0 =	simm.s32 @!p1 $0x0  }
0x14: {  	s2 =	sld [smem:$0x3F94];
	s0 =	simm.s32 @p1 $0x1  }
0x15: {  	[smem:$0x3FB1] =	sst s0;
	s0 =	simm.s32 @!p2 $0x0  }
0x16: {  	s3 =	sld [smem:$0x3FDB];
	s0 =	simm.s32 @p2 $0x1  }
0x17: {  	s4 =	simm.s32 $0x1BF5;
	[smem:$0x3FB3] =	sst s0  }
0x18: {  	s0 =	sld [smem:$0x3F96];
	_ =	swait.ge [sflag:s4], $0x0  }
0x19: {  	s7 =	sld [smem:$0x3F97]  }
0x1a: {  	s8 =	sadd.s32 $0xFFFFE003, lr  }
0x1b: {  	s9 =	sadd.s32 $0xFFFFFEF7, lr;
	s5 =	simm.s32 $0xFFFFFFFF;
	p2 =	slt.u32 s8, $0xFFFFF086  }
0x1c: {  	p1 =	slt.u32 s9, $0xF7A;
	s5 =	simm.s32 @!p2 $0x0  }
0x1d: {  	s5 =	simm.s32 @p1 $0x1;
	p0 =	seq.s32 s7, s2  }
0x1e: {  	s7 =	smul.u32 @!p0 $0xF7A, s2;
	p2 =	seq.s32 @!p0 s5, $0x0  }
0x1f: {  	s9 =	smul.u32 $0xF7A, s1;
	s8 =	simm.s32 @!p0 $0x1BF5;
	p2 =	por !p2, p0  }
0x20: {  	[sflag:s8] =	ssyncset.s32 @!p0 $0xFFFFF086;
	s6 =	sadd.s32 @!p0 s3, s7;
	s7 =	simm.s32 @!p0 $0x108  }
0x21: {  	s3 =	sadd.s32 s3, s9;
	s6 =	sadd.s32 @!p0 $0x88, s6;
	s7 =	simm.s32 @p2 $0x1082  }
0x22: {  	[simem:s7], [sflag:s8] =	dma.local @!p0 [hbm:s6], $0xF7A  }
0x23: {  	s9 =	sor.u32 $0xD0000000, s2;
	s6 =	simm.s32 $0x108;
	_ =	swait.ge @!p0 [sflag:s8], $0x0  }
0x24: {  	s3 =	sadd.s32 $0x88, s3;
	s6 =	simm.s32 @!p1 $0x1082;
	[sflag:s4] =	ssyncset.s32 $0xFFFFF086  }
0x25: {  	[simem:s6], [sflag:s4] =	dma.local [hbm:s3], $0xF7A  }
0x26: {  	[smem:$0x3F97] =	sst s1;
	(tag) =	ssettag s2;
	_ =	strace s9  }
0x27: {  	s1 =	sld [smem:$0x3FA7]  }
0x28: {  	s2 =	sld [smem:$0x3FA8]  }
0x29: {  	s4 =	sld [smem:$0x3FAA]  }
0x2a: {  	p0 =	seq.s32 s5, $0x0;
	s5 =	sld [smem:$0x3FAB]  }
0x2b: {  	s6 =	sld [smem:$0x3FAC]  }
0x2c: {  	s7 =	sld [smem:$0x3FAD]  }
0x2d: {  	s3 =	simm.s32 $0x108;
	s8 =	sld [smem:$0x3FAE]  }
0x2e: {  	s3 =	simm.s32 @!p0 $0x1082;
	s9 =	sld [smem:$0x3FAF]  }
0x2f: {  	lr =	sadd.s32 s0, s3;
	s0 =	sld [smem:$0x3FA6]  }
0x30: {  	s3 =	sld [smem:$0x3FA9]  }
0x31: {  	[smem:$0x3FB2] =	sst s10  }
0x32: {  	s10 =	sld [smem:$0x3FB0];
	_ =	sdelay $0x3  }
0x33: {  	p0 =	seq.s32 s10, $0x1;
	s10 =	sld [smem:$0x3FB2];
	_ =	sdelay $0x3  }
0x34: {  	[smem:$0x3FB2] =	sst s10  }
0x35: {  	s10 =	sld [smem:$0x3FB1];
	_ =	sdelay $0x3  }
0x36: {  	p1 =	seq.s32 s10, $0x1;
	s10 =	sld [smem:$0x3FB2];
	_ =	sdelay $0x3  }
0x37: {  	[smem:$0x3FB2] =	sst s10  }
0x38: {  	s10 =	sld [smem:$0x3FB3]  }
0x39: {  	_ = 	snop;
	(pc) =	sbr.ind lr, $3  }
0x3a: {  	_ = 	snop  }
0x3b: {  	_ = 	snop  }
0x3c: {  	p2 =	seq.s32 s10, $0x1;
	s10 =	sld [smem:$0x3FB2]  }
0x3d: {  	_ =	shalt  }
0x3e: {  	_ =	shalt  }
0x3f: {  	_ =	shalt  }
0x40: {  	_ =	shalt  }
0x41: {  	_ =	shalt  }
0x42: {  	_ =	shalt  }
0x43: {  	_ =	shalt  }
0x44: {  	_ =	shalt  }
0x45: {  	_ =	shalt  }
0x46: {  	_ =	shalt  }
0x47: {  	_ =	shalt  }
0x48: {  	_ =	shalt  }
0x49: {  	_ =	shalt  }
0x4a: {  	_ =	shalt  }
0x4b: {  	_ =	shalt  }
0x4c: {  	_ =	shalt  }
0x4d: {  	_ =	shalt  }
0x4e: {  	_ =	shalt  }
0x4f: {  	_ =	shalt  }
0x50: {  	_ =	shalt  }
0x51: {  	_ =	shalt  }
0x52: {  	_ =	shalt  }
0x53: {  	_ =	shalt  }
0x54: {  	_ =	shalt  }
0x55: {  	_ =	shalt  }
0x56: {  	_ =	shalt  }
0x57: {  	_ =	shalt  }
0x58: {  	_ =	shalt  }
0x59: {  	_ =	shalt  }
0x5a: {  	_ =	shalt  }
0x5b: {  	_ =	shalt  }
0x5c: {  	_ =	shalt  }
0x5d: {  	_ =	shalt  }
0x5e: {  	_ =	shalt  }
0x5f: {  	_ =	shalt  }
0x60: {  	_ =	shalt  }
0x61: {  	_ =	shalt  }
0x62: {  	_ =	shalt  }
0x63: {  	_ =	shalt  }
0x64: {  	_ =	shalt  }
0x65: {  	_ =	shalt  }
0x66: {  	_ =	shalt  }
0x67: {  	_ =	shalt  }
0x68: {  	_ =	shalt  }
0x69: {  	_ =	shalt  }
0x6a: {  	_ =	shalt  }
0x6b: {  	_ =	shalt  }
0x6c: {  	_ =	shalt  }
0x6d: {  	_ =	shalt  }
0x6e: {  	_ =	shalt  }
0x6f: {  	_ =	shalt  }
0x70: {  	_ =	shalt  }
0x71: {  	_ =	shalt  }
0x72: {  	_ =	shalt  }
0x73: {  	_ =	shalt  }
0x74: {  	_ =	shalt  }
0x75: {  	_ =	shalt  }
0x76: {  	_ =	shalt  }
0x77: {  	_ =	shalt  }
0x78: {  	_ =	shalt  }
0x79: {  	_ =	shalt  }
0x7a: {  	_ =	shalt  }
0x7b: {  	_ =	shalt  }
0x7c: {  	_ =	shalt  }
0x7d: {  	_ =	shalt  }
0x7e: {  	_ =	shalt  }
0x7f: {  	_ =	shalt  }
0x80: {  	_ =	shalt  }
0x81: {  	_ =	shalt  }
0x82: {  	_ =	shalt  }
0x83: {  	_ =	shalt  }
0x84: {  	_ =	shalt  }
0x85: {  	_ =	shalt  }
0x86: {  	_ =	shalt  }
0x87: {  	_ =	shalt  }
.Lfunc_end0:
.L_simem_size_0:
called_computation.1_lowered:
.L_overlay_start_0:
0x88: {  	s2 =	sld [smem:$0x3FD9]  }
0x89: {  	s3 =	sld [smem:$0x3FFE];
	_ =	sdelay $0x1  }
0x8a: {  	s1 =	srdreg.scid  }
0x8b: {  	s0 =	sand.u32 $0x1, s1  }
0x8c: {  	s17 =	sshll.u32 s0, $0xA;
	s2 =	sadd.s32 s3, s2  }
0x8d: {  	s2 =	sadd.s32 s2, s17  }
0x8e: {  	[smem:$0x3FBE] =	sst s2  }
0x8f: {  	_ = 	snop  }
0x90: {  	s2 =	sld [smem:$0x3FD0];
	(tm) =	ssettm $0x1  }
0x91: {  	s18 =	sld [smem:$0x3FFB];
	_ =	sdelay $0x3  }
0x92: {  	_ =	strace s18  }
0x93: {  	s3 =	sld [smem:$0x3FFC];
	_ =	sdelay $0x3  }
0x94: {  	_ =	strace s3  }
0x95: {  	s3 =	sld [smem:$0x3FFD];
	_ =	sdelay $0x3  }
0x96: {  	_ =	strace s3  }
0x97: {  	_ =	strace $0x8FFFFFFF  }
0x98: {  	s19 =	sld [smem:$0x3FDB];
	_ =	sdelay $0x1  }
0x99: {  	s4 =	simm.s32 $_scs_section_size  }
0x9a: {  	s5 =	simm.s32 $_size__tile_overlayer_lowered;
	s6 =	simm.s32 $_tile_overlayer_lowered  }
0x9b: {  	s22 =	simm.s32 $0x1BFF;
	s21 =	sshll.u32 s6, $0x1;
	s3 =	sadd.s32 s4, s19  }
0x9c: {  	s7 =	simm.s32 $0x0;
	s20 =	sshll.u32 s5, $0x1;
	s5 =	sadd.s32 s21, s3  }
0x9d: {  	[timem:s7], [sflag:s22] =	dma.local [hbm:s5], s20  }
0x9e: {  	_ =	swait.ge [sflag:s22], s20  }
0x9f: {  	s4 =	ssub.s32 $0x0, s20;
	[sflag:s22] =	ssyncset.done $0x0  }
0xa0: {  	[sflag:s22] =	ssyncadd.s32 s4;
	_ =	sdelay $0x1  }
0xa1: {  	s23 =	simm.s32 $0x1B8B  }
0xa2: {  	_ =	swait.ge [sflag:s23], $0x1  }
0xa3: {  	[sflag:s23] =	ssyncset.done $0x0  }
0xa4: {  	s25 =	simm.s32 $0x1B8E;
	s24 =	sld [smem:$0x3FFE];
	[sflag:s23] =	ssyncadd.s32 $0xFFFFFFFF  }
0xa5: {  	s26 =	simm.s32 $execute0_lowered;
	[smem:$0x3FD2] =	sst s25  }
0xa6: {  	s5 =	sshll.u32 s26, $0x1;
	_ =	strace $0x80000049;
	[dreg:$0x1] =	wrdreg $0xFFFFFFFF  }
0xa7: {  	s28 =	simm.s32 $_size_execute0_lowered;
	s3 =	sadd.s32 s3, s5;
	[dreg:$0x0] =	wrdreg $0x0  }
0xa8: {  	s5 =	sshll.u32 s28, $0x1;
	[dreg:$0x2] =	wrdreg s3  }
0xa9: {  	[dreg:$0x3] =	wrdreg s5  }
0xaa: {  	[dreg:$0x4] =	wrdreg $0xC0  }
0xab: {  	_ =	task [dreg:s7], $0x5FFFF  }
0xac: {  	[dreg:$0x1] =	wrdreg $0xFFFFFFFF  }
0xad: {  	[dreg:$0x0] =	wrdreg $0x60  }
0xae: {  	[dreg:$0x2] =	wrdreg s24  }
0xaf: {  	[dreg:$0x3] =	wrdreg s2  }
0xb0: {  	[dreg:$0x4] =	wrdreg $0x0  }
0xb1: {  	[dreg:$0x5] =	wrdreg $0x9  }
0xb2: {  	_ =	task.clear_ibuf [dreg:s7], $0x6FFFF;
	_ =	strace $0x90000049  }
0xb3: {  	s29 =	simm.s32 $0x9;
	_ =	strace $0x8000004B  }
0xb4: {  	_ =	swait.ge [sflag:s29], $0x1  }
0xb5: {  	[sflag:s29] =	ssyncadd.s32 $0xFFFFFFFF  }
0xb6: {  	_ =	strace $0x9000004B  }
0xb7: {  	_ =	sfence  }
0xb8: {  	s30 =	sld [smem:$0x0];
	_ =	sdelay $0x2  }
0xb9: {  	s31 =	sshll.u32 s1, $0xD;
	s1 =	sshrl.u32 s1, $0x2  }
0xba: {  	s3 =	sand.u32 $0x4000, s31;
	s1 =	sadd.s32 s1, s30  }
0xbb: {  	s0 =	sor.u32 s3, s0;
	s1 =	sshll.u32 s1, $0x11  }
0xbc: {  	s0 =	sor.u32 s1, s0  }
0xbd: {  	s0 =	sadd.s32 $0x8F2B, s0  }
0xbe: {  	[sflag:s0] =	ssyncadd.remote.s32 $0x1  }
0xbf: {  	_ =	sfence.sel $0xFFFF  }
0xc0: {  	[dreg:$0x0] =	wrdreg $0xFFFFFFFF;
	(pc) =	sbr.abs _section_cstart, $3  }
0xc1: {  	[dreg:$0x1] =	wrdreg $0xFFFFFFFF  }
0xc2: {  	_ =	task.clear_ibuf [dreg:s7], $0x2FFFF;
	_ =	strace $0x9FFFFFFF  }
0xc3: {  	(tm) =	ssettm $0x7FFFFFFF  }
tec
execute0_lowered:
.L_overlay_start_1:
0x0: {  	(tag) =	ssettag $0x1  }
0x1: {  	s7 =	rddreg [dreg:$0x0]  }
0x2: {  	s11 =	rddreg [dreg:$0x1]  }
0x3: {  	s2 =	rddreg [dreg:$0x2]  }
0x4: {  	s3 =	srdreg.scid;
	s1 =	stileid.u32;
	s16 =	simm.s32 $0x7  }
0x5: {  	s17 =	simm.s32 $0x1;
	s18 =	simm.s32 $0x80;
	s19 =	simm.s32 $0x14200  }
0x6: {  	s20 =	simm.s32 $0x3;
	s21 =	simm.s32 $0x14080;
	s9 =	smul.u32 $0x14000, s1  }
0x7: {  	s28 =	simm.s32 $0x6;
	s29 =	simm.s32 $0x0;
	s22 =	smul.u32 $0x50000, s1  }
0x8: {  	s8 =	sand.u32 $0x1, s3;
	s3 =	simm.s32 $0x0;
	s14 =	smul.u32 $0xA0, s1  }
0x9: {  	s4 =	sshll.u32 s1, $0x1;
	s25 =	sshll.u32 s1, $0x6;
	s6 =	smul.u32 $0x140000, s8  }
0xa: {  	[smem:$0x7FF] =	sst s3;
	s5 =	sor.u32 s8, s4;
	s4 =	sadd.s32 $0x4200, s7  }
0xb: {  	s13 =	ssub.s32 $0x2, s8;
	s8 =	smul.u32 $0x50, s8;
	_ =	strace $0x8000004A  }
0xc: {  	s10 =	smul.u32 $0xA00, s5;
	s5 =	sadd.s32 $0x2C200, s7;
	s15 =	sshrl.u32 s13, $0x1  }
0xd: {  	s6 =	sadd.s32 s9, s6;
	s24 =	ssub.s32 s13, s15;
	s9 =	sshrl.u32 s22, $0x2  }
0xe: {  	s14 =	sadd.s32 s8, s14;
	s8 =	sor.u32 $0x1C07, s25;
	s13 =	simm.s32 $0x14000  }
0xf: {  	s22 =	simm.s32 $0x2;
	s25 =	simm.s32 $0x4;
	s12 =	sshrl.u32 s6, $0x3  }
0x10: {  	s6 =	sadd.s32 s11, s10;
	s26 =	sadd.s32 s9, s2;
	s30 =	sshll.u32 s14, $0x5  }
0x11: {  	s10 =	smax.u32 s24, $0x1;
	s14 =	simm.s32 $0x14100;
	s24 =	simm.s32 $0x5  }
0x12: {  	s23 =	sadd.s32 s12, s7;
	s7 =	sadd.s32 $0x20, s6;
	s31 =	sadd.s32 s30, s11  }
0x13: {  	s15 =	sshrl.u32 s26, $0x3;
	s26 =	simm.s32 $0x14180;
	s9 =	sadd.s32 $0x2EA00, s23  }
0x14: {  	s11 =	sadd.s32 $0x60, s31;
	s12 =	sadd.s32 $0x40, s31;
	s23 =	simm.s32 $0x18200  }
.LBB2_1:
0x15: {  	[tilespmem:s13], [sflag:$0x1] =	stream.linear.gather [hbm4b:s6+s3], $0x100, $0x38;
	[tilespmem:$0x1C200] =	vst v63  }
0x16: {  	_ = 	snop  }
0x17: {  	[tilespmem:s14], [sflag:$0x2] =	stream.linear.gather [hbm4b:s7+s3], $0x100, $0x38;
	[tilespmem:$0x1C200] =	vst v63  }
0x18: {  	[spmem:s15], [sflag:s8] =	dma.local [hbm:s5], $0x2800  }
0x19: {  	_ =	swait.ge [sflag:s16], $0x2800  }
0x1a: {  	[sflag:s16] =	ssyncset.done $0x0  }
0x1b: {  	[sflag:s16] =	ssyncadd.s32 $0xFFFFD800  }
0x1c: {  	_ =	swait.ge [sflag:s17], $0x100  }
0x1d: {  	[sflag:s17] =	ssyncset.done $0x0  }
0x1e: {  	[sflag:s17] =	ssyncadd.s32 $0xFFFFFF00  }
0x1f: {  	[tilespmem:s19], [sflag:$0x3] =	stream.indirect.gather [hbm4b:s4+s18], $0x80, s13, s18, $0xb8;
	[tilespmem:$0x1C200] =	vst v63  }
0x20: {  	[bflag:$0x0] =	sbarrier.arrive $0xFFFF  }
0x21: {  	_ =	swait.ge [sflag:s20], $0x4000  }
0x22: {  	[sflag:s20] =	ssyncset.done $0x0  }
0x23: {  	[sflag:s20] =	ssyncadd.s32 $0xFFFFC000  }
0x24: {  	[spmem:s2] =	stream.indirect.scatter.add.f32 [tilespmem:s19], [sflag:$0x5], $0x80, s21, s18, $0xb8;
	[tilespmem:$0x1C200] =	vst v63  }
0x25: {  	_ =	swait.ge [sflag:s22], $0x100  }
0x26: {  	[sflag:s22] =	ssyncset.done $0x0  }
0x27: {  	[sflag:s22] =	ssyncadd.s32 $0xFFFFFF00  }
0x28: {  	[tilespmem:s23], [sflag:$0x4] =	stream.indirect.gather [hbm4b:s4+s18], $0x80, s14, s18, $0xb8;
	[tilespmem:$0x1C200] =	vst v63  }
0x29: {  	_ =	swait.ge [sflag:s24], $0x4000  }
0x2a: {  	[sflag:s24] =	ssyncset.done $0x0  }
0x2b: {  	s30 =	sadd.s32 $0x0, s12;
	[sflag:s24] =	ssyncadd.s32 $0xFFFFC000  }
0x2c: {  	[tilespmem:s13], [sflag:$0x1] =	stream.linear.gather [hbm4b:s30+s3], $0x100, $0x38;
	[tilespmem:$0x1C200] =	vst v63  }
0x2d: {  	_ =	swait.ge [sflag:s25], $0x4000  }
0x2e: {  	[sflag:s25] =	ssyncset.done $0x0  }
0x2f: {  	[sflag:s25] =	ssyncadd.s32 $0xFFFFC000  }
0x30: {  	[spmem:s2] =	stream.indirect.scatter.add.f32 [tilespmem:s23], [sflag:$0x6], $0x80, s26, s18, $0xb8;
	[tilespmem:$0x1C200] =	vst v63  }
0x31: {  	_ =	swait.ge [sflag:s17], $0x100  }
0x32: {  	[sflag:s17] =	ssyncset.done $0x0  }
0x33: {  	[sflag:s17] =	ssyncadd.s32 $0xFFFFFF00  }
0x34: {  	[tilespmem:s19], [sflag:$0x3] =	stream.indirect.gather [hbm4b:s4+s18], $0x80, s13, s18, $0xb8;
	[tilespmem:$0x1C200] =	vst v63  }
0x35: {  	_ =	swait.ge [sflag:s28], $0x4000  }
0x36: {  	[sflag:s28] =	ssyncset.done $0x0  }
0x37: {  	s31 =	sadd.s32 $0x0, s11;
	s30 =	simm.s32 $0x40;
	[sflag:s28] =	ssyncadd.s32 $0xFFFFC000  }
.LBB2_2:
0x38: {  	[tilespmem:s14], [sflag:$0x2] =	stream.linear.gather [hbm4b:s31+s3], $0x100, $0x38;
	[tilespmem:$0x1C200] =	vst v63  }
0x39: {  	s31 =	smov.u32 s30  }
0x3a: {  	p0 =	sne.s32 s30, $0x980;
	s30 =	sadd.s32 $0x40, s30;
	_ =	swait.ge [sflag:s20], $0x4000  }
0x3b: {  	[sflag:s20] =	ssyncset.done $0x0  }
0x3c: {  	[sflag:s20] =	ssyncadd.s32 $0xFFFFC000  }
0x3d: {  	[spmem:s2] =	stream.indirect.scatter.add.f32 [tilespmem:s19], [sflag:$0x5], $0x80, s21, s18, $0xb8;
	[tilespmem:$0x1C200] =	vst v63  }
0x3e: {  	_ =	swait.ge [sflag:s22], $0x100  }
0x3f: {  	[sflag:s22] =	ssyncset.done $0x0  }
0x40: {  	[sflag:s22] =	ssyncadd.s32 $0xFFFFFF00  }
0x41: {  	[tilespmem:s23], [sflag:$0x4] =	stream.indirect.gather [hbm4b:s4+s18], $0x80, s14, s18, $0xb8;
	[tilespmem:$0x1C200] =	vst v63  }
0x42: {  	_ =	swait.ge [sflag:s24], $0x4000  }
0x43: {  	[sflag:s24] =	ssyncset.done $0x0  }
0x44: {  	s0 =	sadd.s32 s31, s12;
	[sflag:s24] =	ssyncadd.s32 $0xFFFFC000  }
0x45: {  	[tilespmem:s13], [sflag:$0x1] =	stream.linear.gather [hbm4b:s0+s3], $0x100, $0x38;
	[tilespmem:$0x1C200] =	vst v63  }
0x46: {  	_ =	swait.ge [sflag:s25], $0x4000  }
0x47: {  	[sflag:s25] =	ssyncset.done $0x0  }
0x48: {  	[sflag:s25] =	ssyncadd.s32 $0xFFFFC000  }
0x49: {  	[spmem:s2] =	stream.indirect.scatter.add.f32 [tilespmem:s23], [sflag:$0x6], $0x80, s26, s18, $0xb8;
	[tilespmem:$0x1C200] =	vst v63  }
0x4a: {  	_ =	swait.ge [sflag:s17], $0x100  }
0x4b: {  	[sflag:s17] =	ssyncset.done $0x0  }
.Ltmp0:
0x4c: {  	[sflag:s17] =	ssyncadd.s32 $0xFFFFFF00;
	(pc) =	sbr.rel @p0 .LBB2_2-.Ltmp0, $4  }
0x4d: {  	[tilespmem:s19], [sflag:$0x3] =	stream.indirect.gather [hbm4b:s4+s18], $0x80, s13, s18, $0xb8;
	[tilespmem:$0x1C200] =	vst v63  }
0x4e: {  	_ =	swait.ge [sflag:s28], $0x4000  }
0x4f: {  	[sflag:s28] =	ssyncset.done $0x0  }
0x50: {  	s31 =	sadd.s32 s31, s11;
	[sflag:s28] =	ssyncadd.s32 $0xFFFFC000  }
0x51: {  	[tilespmem:s14], [sflag:$0x2] =	stream.linear.gather [hbm4b:s31+s3], $0x100, $0x38;
	[tilespmem:$0x1C200] =	vst v63  }
0x52: {  	_ =	swait.ge [sflag:s20], $0x4000  }
0x53: {  	[sflag:s20] =	ssyncset.done $0x0  }
0x54: {  	[sflag:s20] =	ssyncadd.s32 $0xFFFFC000  }
0x55: {  	[spmem:s2] =	stream.indirect.scatter.add.f32 [tilespmem:s19], [sflag:$0x5], $0x80, s21, s18, $0xb8;
	[tilespmem:$0x1C200] =	vst v63  }
0x56: {  	_ =	swait.ge [sflag:s22], $0x100  }
0x57: {  	[sflag:s22] =	ssyncset.done $0x0  }
0x58: {  	[sflag:s22] =	ssyncadd.s32 $0xFFFFFF00  }
0x59: {  	[tilespmem:s23], [sflag:$0x4] =	stream.indirect.gather [hbm4b:s4+s18], $0x80, s14, s18, $0xb8;
	[tilespmem:$0x1C200] =	vst v63  }
0x5a: {  	_ =	swait.ge [sflag:s24], $0x4000  }
0x5b: {  	[sflag:s24] =	ssyncset.done $0x0  }
0x5c: {  	[sflag:s24] =	ssyncadd.s32 $0xFFFFC000  }
0x5d: {  	_ =	swait.ge [sflag:s25], $0x4000  }
0x5e: {  	[sflag:s25] =	ssyncset.done $0x0  }
0x5f: {  	[sflag:s25] =	ssyncadd.s32 $0xFFFFC000  }
0x60: {  	[spmem:s2] =	stream.indirect.scatter.add.f32 [tilespmem:s23], [sflag:$0x6], $0x80, s26, s18, $0xb8;
	[tilespmem:$0x1C200] =	vst v63  }
0x61: {  	_ =	swait.ge [sflag:s28], $0x4000  }
0x62: {  	s29 =	sadd.s32 $0x1, s29;
	[sflag:s28] =	ssyncset.done $0x0  }
0x63: {  	p0 =	sne.s32 s29, s10;
	[sflag:s28] =	ssyncadd.s32 $0xFFFFC000  }
.Ltmp1:
0x64: {  	[bflag:$0x0] =	sbarrier.arrive $0xFFFF;
	(pc) =	sbr.rel @p0 .LBB2_1-.Ltmp1, $4  }
0x65: {  	[hbm:s9], [sflag:s8] =	dma.local [spmem:s15], $0x2800  }
0x66: {  	_ =	swait.ge [sflag:s16], $0x2800  }
0x67: {  	[sflag:s16] =	ssyncset.done $0x0  }
0x68: {  	[sflag:s16] =	ssyncadd.s32 $0xFFFFD800  }
0x69: {  	_ =	sfence.sel $0x180000  }
0x6a: {  	[bflag:$0x0] =	sbarrier.arrive $0xFFFF  }
0x6b: {  	_ =	strace $0x9000004A  }
0x6c: {  	[bflag:$0x2] =	sbarrier.arrive $0xFFFF  }
0x6d: {  	p0 =	sne.s32 s1, $0x0;
	s0 =	rddreg [dreg:$0x3]  }
0x6e: {  	s0 =	sadd.s32 @!p0 $0x100000, s0  }
0x6f: {  	[sflag:s0] =	ssyncadd.tile.s32 @!p0 $0x1;
	_ =	shalt  }
.Lfunc_end2:
_tile_overlayer_lowered:
.L_overlay_start_2:
0x70: {  	(tag) =	ssettag $0x2  }
0x71: {  	s0 =	rddreg [dreg:$0x0];
	s2 =	stileid.u32  }
0x72: {  	s1 =	rddreg [dreg:$0x1];
	p0 =	sne.s32 s2, $0x0  }
0x73: {  	s3 =	rddreg [dreg:$0x2];
	[bflag:$0x3] =	sbarrier.arrive $0xFFFF;
	s2 =	simm.s32 @!p0 $0x1C07  }
0x74: {  	[timem:s3], [sflag:s2] =	dma.local @!p0 [hbm:s0], s1  }
0x75: {  	s0 =	simm.s32 @!p0 $0x7  }
0x76: {  	_ =	swait.ge @!p0 [sflag:s0], s1  }
0x77: {  	s1 =	ssub.s32 @!p0 $0x0, s1;
	[sflag:s0] =	ssyncset.done @!p0 $0x0  }
0x78: {  	[sflag:s0] =	ssyncadd.s32 @!p0 s1  }
0x79: {  	[bflag:$0x3] =	sbarrier.arrive $0xFFFF  }
0x7a: {  	_ =	shalt  }

// kernel: kernel.19.cloned.1.call-start
scs
__scs_entry_jumppad:
0x0: {  	(pc) =	sbr.rel $0x88, $3  }
0x1: {  	(tag) =	ssettag $0x0;
	lr =	simm.s32 $0x1  }
0x2: {  	[smem:$0x3F97] =	sst lr;
	_ =	strace $0xD0000000  }
0x3: {  	_ = 	snop  }
0x4: {  	_ = 	snop  }
0x5: {  	_ = 	snop  }
0x6: {  	_ = 	snop  }
0x7: {  	_ = 	snop  }
__scs_overlays_trampoline_lowered:
0x8: {  	[smem:$0x3FA6] =	sst s0  }
0x9: {  	[smem:$0x3FA7] =	sst s1  }
0xa: {  	[smem:$0x3FA8] =	sst s2  }
0xb: {  	[smem:$0x3FA9] =	sst s3  }
0xc: {  	[smem:$0x3FAA] =	sst s4  }
0xd: {  	[smem:$0x3FAB] =	sst s5  }
0xe: {  	[smem:$0x3FAC] =	sst s6  }
0xf: {  	[smem:$0x3FAD] =	sst s7  }
0x10: {  	[smem:$0x3FAE] =	sst s8  }
0x11: {  	[smem:$0x3FAF] =	sst s9;
	s0 =	simm.s32 @!p0 $0x0  }
0x12: {  	s1 =	sld [smem:$0x3F95];
	s0 =	simm.s32 @p0 $0x1  }
0x13: {  	[smem:$0x3FB0] =	sst s0;
	s0 =	simm.s32 @!p1 $0x0  }
0x14: {  	s2 =	sld [smem:$0x3F94];
	s0 =	simm.s32 @p1 $0x1  }
0x15: {  	[smem:$0x3FB1] =	sst s0;
	s0 =	simm.s32 @!p2 $0x0  }
0x16: {  	s3 =	sld [smem:$0x3FDB];
	s0 =	simm.s32 @p2 $0x1  }
0x17: {  	s4 =	simm.s32 $0x1BF5;
	[smem:$0x3FB3] =	sst s0  }
0x18: {  	s0 =	sld [smem:$0x3F96];
	_ =	swait.ge [sflag:s4], $0x0  }
0x19: {  	s7 =	sld [smem:$0x3F97]  }
0x1a: {  	s8 =	sadd.s32 $0xFFFFE003, lr  }
0x1b: {  	s9 =	sadd.s32 $0xFFFFFEF7, lr;
	s5 =	simm.s32 $0xFFFFFFFF;
	p2 =	slt.u32 s8, $0xFFFFF086  }
0x1c: {  	p1 =	slt.u32 s9, $0xF7A;
	s5 =	simm.s32 @!p2 $0x0  }
0x1d: {  	s5 =	simm.s32 @p1 $0x1;
	p0 =	seq.s32 s7, s2  }
0x1e: {  	s7 =	smul.u32 @!p0 $0xF7A, s2;
	p2 =	seq.s32 @!p0 s5, $0x0  }
0x1f: {  	s9 =	smul.u32 $0xF7A, s1;
	s8 =	simm.s32 @!p0 $0x1BF5;
	p2 =	por !p2, p0  }
0x20: {  	[sflag:s8] =	ssyncset.s32 @!p0 $0xFFFFF086;
	s6 =	sadd.s32 @!p0 s3, s7;
	s7 =	simm.s32 @!p0 $0x108  }
0x21: {  	s3 =	sadd.s32 s3, s9;
	s6 =	sadd.s32 @!p0 $0x88, s6;
	s7 =	simm.s32 @p2 $0x1082  }
0x22: {  	[simem:s7], [sflag:s8] =	dma.local @!p0 [hbm:s6], $0xF7A  }
0x23: {  	s9 =	sor.u32 $0xD0000000, s2;
	s6 =	simm.s32 $0x108;
	_ =	swait.ge @!p0 [sflag:s8], $0x0  }
0x24: {  	s3 =	sadd.s32 $0x88, s3;
	s6 =	simm.s32 @!p1 $0x1082;
	[sflag:s4] =	ssyncset.s32 $0xFFFFF086  }
0x25: {  	[simem:s6], [sflag:s4] =	dma.local [hbm:s3], $0xF7A  }
0x26: {  	[smem:$0x3F97] =	sst s1;
	(tag) =	ssettag s2;
	_ =	strace s9  }
0x27: {  	s1 =	sld [smem:$0x3FA7]  }
0x28: {  	s2 =	sld [smem:$0x3FA8]  }
0x29: {  	s4 =	sld [smem:$0x3FAA]  }
0x2a: {  	p0 =	seq.s32 s5, $0x0;
	s5 =	sld [smem:$0x3FAB]  }
0x2b: {  	s6 =	sld [smem:$0x3FAC]  }
0x2c: {  	s7 =	sld [smem:$0x3FAD]  }
0x2d: {  	s3 =	simm.s32 $0x108;
	s8 =	sld [smem:$0x3FAE]  }
0x2e: {  	s3 =	simm.s32 @!p0 $0x1082;
	s9 =	sld [smem:$0x3FAF]  }
0x2f: {  	lr =	sadd.s32 s0, s3;
	s0 =	sld [smem:$0x3FA6]  }
0x30: {  	s3 =	sld [smem:$0x3FA9]  }
0x31: {  	[smem:$0x3FB2] =	sst s10  }
0x32: {  	s10 =	sld [smem:$0x3FB0];
	_ =	sdelay $0x3  }
0x33: {  	p0 =	seq.s32 s10, $0x1;
	s10 =	sld [smem:$0x3FB2];
	_ =	sdelay $0x3  }
0x34: {  	[smem:$0x3FB2] =	sst s10  }
0x35: {  	s10 =	sld [smem:$0x3FB1];
	_ =	sdelay $0x3  }
0x36: {  	p1 =	seq.s32 s10, $0x1;
	s10 =	sld [smem:$0x3FB2];
	_ =	sdelay $0x3  }
0x37: {  	[smem:$0x3FB2] =	sst s10  }
0x38: {  	s10 =	sld [smem:$0x3FB3]  }
0x39: {  	_ = 	snop;
	(pc) =	sbr.ind lr, $3  }
0x3a: {  	_ = 	snop  }
0x3b: {  	_ = 	snop  }
0x3c: {  	p2 =	seq.s32 s10, $0x1;
	s10 =	sld [smem:$0x3FB2]  }
0x3d: {  	_ =	shalt  }
0x3e: {  	_ =	shalt  }
0x3f: {  	_ =	shalt  }
0x40: {  	_ =	shalt  }
0x41: {  	_ =	shalt  }
0x42: {  	_ =	shalt  }
0x43: {  	_ =	shalt  }
0x44: {  	_ =	shalt  }
0x45: {  	_ =	shalt  }
0x46: {  	_ =	shalt  }
0x47: {  	_ =	shalt  }
0x48: {  	_ =	shalt  }
0x49: {  	_ =	shalt  }
0x4a: {  	_ =	shalt  }
0x4b: {  	_ =	shalt  }
0x4c: {  	_ =	shalt  }
0x4d: {  	_ =	shalt  }
0x4e: {  	_ =	shalt  }
0x4f: {  	_ =	shalt  }
0x50: {  	_ =	shalt  }
0x51: {  	_ =	shalt  }
0x52: {  	_ =	shalt  }
0x53: {  	_ =	shalt  }
0x54: {  	_ =	shalt  }
0x55: {  	_ =	shalt  }
0x56: {  	_ =	shalt  }
0x57: {  	_ =	shalt  }
0x58: {  	_ =	shalt  }
0x59: {  	_ =	shalt  }
0x5a: {  	_ =	shalt  }
0x5b: {  	_ =	shalt  }
0x5c: {  	_ =	shalt  }
0x5d: {  	_ =	shalt  }
0x5e: {  	_ =	shalt  }
0x5f: {  	_ =	shalt  }
0x60: {  	_ =	shalt  }
0x61: {  	_ =	shalt  }
0x62: {  	_ =	shalt  }
0x63: {  	_ =	shalt  }
0x64: {  	_ =	shalt  }
0x65: {  	_ =	shalt  }
0x66: {  	_ =	shalt  }
0x67: {  	_ =	shalt  }
0x68: {  	_ =	shalt  }
0x69: {  	_ =	shalt  }
0x6a: {  	_ =	shalt  }
0x6b: {  	_ =	shalt  }
0x6c: {  	_ =	shalt  }
0x6d: {  	_ =	shalt  }
0x6e: {  	_ =	shalt  }
0x6f: {  	_ =	shalt  }
0x70: {  	_ =	shalt  }
0x71: {  	_ =	shalt  }
0x72: {  	_ =	shalt  }
0x73: {  	_ =	shalt  }
0x74: {  	_ =	shalt  }
0x75: {  	_ =	shalt  }
0x76: {  	_ =	shalt  }
0x77: {  	_ =	shalt  }
0x78: {  	_ =	shalt  }
0x79: {  	_ =	shalt  }
0x7a: {  	_ =	shalt  }
0x7b: {  	_ =	shalt  }
0x7c: {  	_ =	shalt  }
0x7d: {  	_ =	shalt  }
0x7e: {  	_ =	shalt  }
0x7f: {  	_ =	shalt  }
0x80: {  	_ =	shalt  }
0x81: {  	_ =	shalt  }
0x82: {  	_ =	shalt  }
0x83: {  	_ =	shalt  }
0x84: {  	_ =	shalt  }
0x85: {  	_ =	shalt  }
0x86: {  	_ =	shalt  }
0x87: {  	_ =	shalt  }
.Lfunc_end0:
.L_simem_size_0:
called_computation.2_lowered:
.L_overlay_start_0:
0x88: {  	s2 =	sld [smem:$0x3FD9]  }
0x89: {  	s3 =	sld [smem:$0x3FFE];
	_ =	sdelay $0x1  }
0x8a: {  	s1 =	srdreg.scid  }
0x8b: {  	s0 =	sand.u32 $0x1, s1  }
0x8c: {  	s17 =	sshll.u32 s0, $0xA;
	s2 =	sadd.s32 s3, s2  }
0x8d: {  	s2 =	sadd.s32 s2, s17  }
0x8e: {  	[smem:$0x3FBE] =	sst s2  }
0x8f: {  	_ = 	snop  }
0x90: {  	s2 =	sld [smem:$0x3FD0];
	(tm) =	ssettm $0x1  }
0x91: {  	s18 =	sld [smem:$0x3FFB];
	_ =	sdelay $0x3  }
0x92: {  	_ =	strace s18  }
0x93: {  	s3 =	sld [smem:$0x3FFC];
	_ =	sdelay $0x3  }
0x94: {  	_ =	strace s3  }
0x95: {  	s3 =	sld [smem:$0x3FFD];
	_ =	sdelay $0x3  }
0x96: {  	_ =	strace s3  }
0x97: {  	_ =	strace $0x8FFFFFFF  }
0x98: {  	s19 =	sld [smem:$0x3FDB];
	_ =	sdelay $0x1  }
0x99: {  	s4 =	simm.s32 $_scs_section_size  }
0x9a: {  	s5 =	simm.s32 $_size__tile_overlayer_lowered;
	s6 =	simm.s32 $_tile_overlayer_lowered  }
0x9b: {  	s22 =	simm.s32 $0x1BFF;
	s21 =	sshll.u32 s6, $0x1;
	s3 =	sadd.s32 s4, s19  }
0x9c: {  	s7 =	simm.s32 $0x0;
	s20 =	sshll.u32 s5, $0x1;
	s5 =	sadd.s32 s21, s3  }
0x9d: {  	[timem:s7], [sflag:s22] =	dma.local [hbm:s5], s20  }
0x9e: {  	_ =	swait.ge [sflag:s22], s20  }
0x9f: {  	s4 =	ssub.s32 $0x0, s20;
	[sflag:s22] =	ssyncset.done $0x0  }
0xa0: {  	[sflag:s22] =	ssyncadd.s32 s4;
	_ =	sdelay $0x1  }
0xa1: {  	s23 =	simm.s32 $0x1B8B  }
0xa2: {  	_ =	swait.ge [sflag:s23], $0x1  }
0xa3: {  	[sflag:s23] =	ssyncset.done $0x0  }
0xa4: {  	s25 =	simm.s32 $0x1B8E;
	s24 =	sld [smem:$0x3FFE];
	[sflag:s23] =	ssyncadd.s32 $0xFFFFFFFF  }
0xa5: {  	s26 =	simm.s32 $execute0_lowered;
	[smem:$0x3FD2] =	sst s25  }
0xa6: {  	s5 =	sshll.u32 s26, $0x1;
	_ =	strace $0x8000004C;
	[dreg:$0x1] =	wrdreg $0xFFFFFFFF  }
0xa7: {  	s28 =	simm.s32 $_size_execute0_lowered;
	s3 =	sadd.s32 s3, s5;
	[dreg:$0x0] =	wrdreg $0x0  }
0xa8: {  	s5 =	sshll.u32 s28, $0x1;
	[dreg:$0x2] =	wrdreg s3  }
0xa9: {  	[dreg:$0x3] =	wrdreg s5  }
0xaa: {  	[dreg:$0x4] =	wrdreg $0xC0  }
0xab: {  	_ =	task [dreg:s7], $0x5FFFF  }
0xac: {  	[dreg:$0x1] =	wrdreg $0xFFFFFFFF  }
0xad: {  	[dreg:$0x0] =	wrdreg $0x60  }
0xae: {  	[dreg:$0x2] =	wrdreg s24  }
0xaf: {  	[dreg:$0x3] =	wrdreg s2  }
0xb0: {  	[dreg:$0x4] =	wrdreg $0x0  }
0xb1: {  	[dreg:$0x5] =	wrdreg $0x9  }
0xb2: {  	_ =	task.clear_ibuf [dreg:s7], $0x6FFFF;
	_ =	strace $0x9000004C  }
0xb3: {  	s29 =	simm.s32 $0x9;
	_ =	strace $0x8000004E  }
0xb4: {  	_ =	swait.ge [sflag:s29], $0x1  }
0xb5: {  	[sflag:s29] =	ssyncadd.s32 $0xFFFFFFFF  }
0xb6: {  	_ =	strace $0x9000004E  }
0xb7: {  	_ =	sfence  }
0xb8: {  	s30 =	sld [smem:$0x0];
	_ =	sdelay $0x2  }
0xb9: {  	s31 =	sshll.u32 s1, $0xD;
	s1 =	sshrl.u32 s1, $0x2  }
0xba: {  	s3 =	sand.u32 $0x4000, s31;
	s1 =	sadd.s32 s1, s30  }
0xbb: {  	s0 =	sor.u32 s3, s0;
	s1 =	sshll.u32 s1, $0x11  }
0xbc: {  	s0 =	sor.u32 s1, s0  }
0xbd: {  	s0 =	sadd.s32 $0x8F2B, s0  }
0xbe: {  	[sflag:s0] =	ssyncadd.remote.s32 $0x1  }
0xbf: {  	_ =	sfence.sel $0xFFFF  }
0xc0: {  	[dreg:$0x0] =	wrdreg $0xFFFFFFFF;
	(pc) =	sbr.abs _section_cstart, $3  }
0xc1: {  	[dreg:$0x1] =	wrdreg $0xFFFFFFFF  }
0xc2: {  	_ =	task.clear_ibuf [dreg:s7], $0x2FFFF;
	_ =	strace $0x9FFFFFFF  }
0xc3: {  	(tm) =	ssettm $0x7FFFFFFF  }
tec
execute0_lowered:
.L_overlay_start_1:
0x0: {  	(tag) =	ssettag $0x1  }
0x1: {  	s5 =	rddreg [dreg:$0x0]  }
0x2: {  	s0 =	srdreg.scid;
	s6 =	rddreg [dreg:$0x1]  }
0x3: {  	s2 =	rddreg [dreg:$0x2];
	s3 =	simm.s32 $0x0;
	s1 =	stileid.u32  }
0x4: {  	s15 =	simm.s32 $0x1;
	s16 =	simm.s32 $0x80;
	s17 =	simm.s32 $0x14200  }
0x5: {  	s18 =	simm.s32 $0x3;
	s19 =	simm.s32 $0x14080;
	s20 =	simm.s32 $0x2  }
0x6: {  	s21 =	simm.s32 $0x18200;
	s22 =	simm.s32 $0x5;
	s23 =	simm.s32 $0x4  }
0x7: {  	s24 =	simm.s32 $0x14180;
	s25 =	simm.s32 $0x6;
	s9 =	smul.u32 $0x14000, s1  }
0x8: {  	s7 =	sand.u32 $0x1, s0;
	s0 =	rddreg [dreg:$0x3];
	s29 =	smul.u32 $0x1400, s1  }
0x9: {  	s26 =	simm.s32 $0x0;
	[smem:$0x7FF] =	sst s3;
	s12 =	smul.u32 $0x50000, s1  }
0xa: {  	s31 =	sshll.u32 s1, $0x6;
	s8 =	smul.u32 $0x140000, s7;
	s7 =	ssub.s32 $0x2, s7  }
0xb: {  	_ =	strace $0x8000004D;
	s11 =	sshrl.u32 s7, $0x1;
	s30 =	sshrl.u32 s12, $0x2  }
0xc: {  	s12 =	simm.s32 $0x14100;
	s4 =	sshrl.u32 s8, $0x3;
	s8 =	sadd.s32 s9, s8  }
0xd: {  	s11 =	ssub.s32 s7, s11;
	s14 =	sadd.s32 s30, s2;
	s7 =	sor.u32 $0x1C07, s31  }
0xe: {  	s10 =	sadd.s32 s4, s5;
	s4 =	sadd.s32 $0x2C200, s5;
	s8 =	sshrl.u32 s8, $0x3  }
0xf: {  	s13 =	sadd.s32 s8, s5;
	s5 =	sadd.s32 s6, s29;
	s8 =	sadd.s32 $0x2EA00, s10  }
0x10: {  	s10 =	smax.u32 s11, $0x1;
	s11 =	simm.s32 $0x14000;
	s6 =	sadd.s32 $0x20, s5  }
0x11: {  	s9 =	sadd.s32 $0x7EA00, s13;
	s13 =	sshrl.u32 s14, $0x3;
	s14 =	simm.s32 $0x7  }
.LBB2_1:
0x12: {  	[tilespmem:s11], [sflag:$0x1] =	stream.linear.gather [hbm4b:s5+s3], $0x100, $0x38;
	[tilespmem:$0x1C200] =	vst v63  }
0x13: {  	_ = 	snop  }
0x14: {  	[tilespmem:s12], [sflag:$0x2] =	stream.linear.gather [hbm4b:s6+s3], $0x100, $0x38;
	[tilespmem:$0x1C200] =	vst v63  }
0x15: {  	[spmem:s13], [sflag:s7] =	dma.local [hbm:s4], $0x2800  }
0x16: {  	_ =	swait.ge [sflag:s14], $0x2800  }
0x17: {  	[sflag:s14] =	ssyncset.done $0x0  }
0x18: {  	[sflag:s14] =	ssyncadd.s32 $0xFFFFD800  }
0x19: {  	_ =	swait.ge [sflag:s15], $0x100  }
0x1a: {  	[sflag:s15] =	ssyncset.done $0x0  }
0x1b: {  	[sflag:s15] =	ssyncadd.s32 $0xFFFFFF00  }
0x1c: {  	[tilespmem:s17], [sflag:$0x3] =	stream.indirect.gather [hbm4b:s8+s16], $0x80, s11, s16, $0xb8;
	[tilespmem:$0x1C200] =	vst v63  }
0x1d: {  	[bflag:$0x0] =	sbarrier.arrive $0xFFFF  }
0x1e: {  	_ =	swait.ge [sflag:s18], $0x4000  }
0x1f: {  	[sflag:s18] =	ssyncset.done $0x0  }
0x20: {  	[sflag:s18] =	ssyncadd.s32 $0xFFFFC000  }
0x21: {  	[spmem:s2] =	stream.indirect.scatter.add.f32 [tilespmem:s17], [sflag:$0x5], $0x80, s19, s16, $0xb8;
	[tilespmem:$0x1C200] =	vst v63  }
0x22: {  	_ =	swait.ge [sflag:s20], $0x100  }
0x23: {  	[sflag:s20] =	ssyncset.done $0x0  }
0x24: {  	[sflag:s20] =	ssyncadd.s32 $0xFFFFFF00  }
0x25: {  	[tilespmem:s21], [sflag:$0x4] =	stream.indirect.gather [hbm4b:s8+s16], $0x80, s12, s16, $0xb8;
	[tilespmem:$0x1C200] =	vst v63  }
0x26: {  	_ =	swait.ge [sflag:s22], $0x4000  }
0x27: {  	s29 =	sadd.s32 $0xFFFFEC40, s5;
	[sflag:s22] =	ssyncset.done $0x0  }
0x28: {  	s28 =	sadd.s32 $0x1400, s29;
	[sflag:s22] =	ssyncadd.s32 $0xFFFFC000  }
0x29: {  	[tilespmem:s11], [sflag:$0x1] =	stream.linear.gather [hbm4b:s28+s3], $0x100, $0x38;
	[tilespmem:$0x1C200] =	vst v63  }
0x2a: {  	_ =	swait.ge [sflag:s23], $0x4000  }
0x2b: {  	[sflag:s23] =	ssyncset.done $0x0  }
0x2c: {  	[sflag:s23] =	ssyncadd.s32 $0xFFFFC000  }
0x2d: {  	[spmem:s2] =	stream.indirect.scatter.add.f32 [tilespmem:s21], [sflag:$0x6], $0x80, s24, s16, $0xb8;
	[tilespmem:$0x1C200] =	vst v63  }
0x2e: {  	_ =	swait.ge [sflag:s15], $0x100  }
0x2f: {  	[sflag:s15] =	ssyncset.done $0x0  }
0x30: {  	[sflag:s15] =	ssyncadd.s32 $0xFFFFFF00  }
0x31: {  	[tilespmem:s17], [sflag:$0x3] =	stream.indirect.gather [hbm4b:s8+s16], $0x80, s11, s16, $0xb8;
	[tilespmem:$0x1C200] =	vst v63  }
0x32: {  	_ =	swait.ge [sflag:s25], $0x4000  }
0x33: {  	[sflag:s25] =	ssyncset.done $0x0  }
0x34: {  	s29 =	sadd.s32 $0x1420, s29;
	s28 =	simm.s32 $0xFFFFEC80;
	[sflag:s25] =	ssyncadd.s32 $0xFFFFC000  }
.LBB2_2:
0x35: {  	[tilespmem:s12], [sflag:$0x2] =	stream.linear.gather [hbm4b:s29+s3], $0x100, $0x38;
	[tilespmem:$0x1C200] =	vst v63  }
0x36: {  	s29 =	smov.u32 s28  }
0x37: {  	p0 =	sne.s32 s28, $0xFFFFFFC0;
	s28 =	sadd.s32 $0x40, s28;
	_ =	swait.ge [sflag:s18], $0x4000  }
0x38: {  	[sflag:s18] =	ssyncset.done $0x0  }
0x39: {  	[sflag:s18] =	ssyncadd.s32 $0xFFFFC000  }
0x3a: {  	[spmem:s2] =	stream.indirect.scatter.add.f32 [tilespmem:s17], [sflag:$0x5], $0x80, s19, s16, $0xb8;
	[tilespmem:$0x1C200] =	vst v63  }
0x3b: {  	_ =	swait.ge [sflag:s20], $0x100  }
0x3c: {  	[sflag:s20] =	ssyncset.done $0x0  }
0x3d: {  	[sflag:s20] =	ssyncadd.s32 $0xFFFFFF00  }
0x3e: {  	[tilespmem:s21], [sflag:$0x4] =	stream.indirect.gather [hbm4b:s8+s16], $0x80, s12, s16, $0xb8;
	[tilespmem:$0x1C200] =	vst v63  }
0x3f: {  	_ =	swait.ge [sflag:s22], $0x4000  }
0x40: {  	s29 =	sadd.s32 s29, s5;
	[sflag:s22] =	ssyncset.done $0x0  }
0x41: {  	s30 =	sadd.s32 $0x1400, s29;
	[sflag:s22] =	ssyncadd.s32 $0xFFFFC000  }
0x42: {  	[tilespmem:s11], [sflag:$0x1] =	stream.linear.gather [hbm4b:s30+s3], $0x100, $0x38;
	[tilespmem:$0x1C200] =	vst v63  }
0x43: {  	_ =	swait.ge [sflag:s23], $0x4000  }
0x44: {  	[sflag:s23] =	ssyncset.done $0x0  }
0x45: {  	[sflag:s23] =	ssyncadd.s32 $0xFFFFC000  }
0x46: {  	[spmem:s2] =	stream.indirect.scatter.add.f32 [tilespmem:s21], [sflag:$0x6], $0x80, s24, s16, $0xb8;
	[tilespmem:$0x1C200] =	vst v63  }
0x47: {  	_ =	swait.ge [sflag:s15], $0x100  }
0x48: {  	[sflag:s15] =	ssyncset.done $0x0  }
.Ltmp0:
0x49: {  	[sflag:s15] =	ssyncadd.s32 $0xFFFFFF00;
	(pc) =	sbr.rel @p0 .LBB2_2-.Ltmp0, $4  }
0x4a: {  	[tilespmem:s17], [sflag:$0x3] =	stream.indirect.gather [hbm4b:s8+s16], $0x80, s11, s16, $0xb8;
	[tilespmem:$0x1C200] =	vst v63  }
0x4b: {  	_ =	swait.ge [sflag:s25], $0x4000  }
0x4c: {  	[sflag:s25] =	ssyncset.done $0x0  }
0x4d: {  	s29 =	sadd.s32 $0x1420, s29;
	[sflag:s25] =	ssyncadd.s32 $0xFFFFC000  }
0x4e: {  	[tilespmem:s12], [sflag:$0x2] =	stream.linear.gather [hbm4b:s29+s3], $0x100, $0x38;
	[tilespmem:$0x1C200] =	vst v63  }
0x4f: {  	_ =	swait.ge [sflag:s18], $0x4000  }
0x50: {  	[sflag:s18] =	ssyncset.done $0x0  }
0x51: {  	[sflag:s18] =	ssyncadd.s32 $0xFFFFC000  }
0x52: {  	[spmem:s2] =	stream.indirect.scatter.add.f32 [tilespmem:s17], [sflag:$0x5], $0x80, s19, s16, $0xb8;
	[tilespmem:$0x1C200] =	vst v63  }
0x53: {  	_ =	swait.ge [sflag:s20], $0x100  }
0x54: {  	[sflag:s20] =	ssyncset.done $0x0  }
0x55: {  	[sflag:s20] =	ssyncadd.s32 $0xFFFFFF00  }
0x56: {  	[tilespmem:s21], [sflag:$0x4] =	stream.indirect.gather [hbm4b:s8+s16], $0x80, s12, s16, $0xb8;
	[tilespmem:$0x1C200] =	vst v63  }
0x57: {  	_ =	swait.ge [sflag:s22], $0x4000  }
0x58: {  	[sflag:s22] =	ssyncset.done $0x0  }
0x59: {  	[sflag:s22] =	ssyncadd.s32 $0xFFFFC000  }
0x5a: {  	_ =	swait.ge [sflag:s23], $0x4000  }
0x5b: {  	[sflag:s23] =	ssyncset.done $0x0  }
0x5c: {  	[sflag:s23] =	ssyncadd.s32 $0xFFFFC000  }
0x5d: {  	[spmem:s2] =	stream.indirect.scatter.add.f32 [tilespmem:s21], [sflag:$0x6], $0x80, s24, s16, $0xb8;
	[tilespmem:$0x1C200] =	vst v63  }
0x5e: {  	_ =	swait.ge [sflag:s25], $0x4000  }
0x5f: {  	s26 =	sadd.s32 $0x1, s26;
	[sflag:s25] =	ssyncset.done $0x0  }
0x60: {  	p0 =	sne.s32 s26, s10;
	[sflag:s25] =	ssyncadd.s32 $0xFFFFC000  }
.Ltmp1:
0x61: {  	[bflag:$0x0] =	sbarrier.arrive $0xFFFF;
	(pc) =	sbr.rel @p0 .LBB2_1-.Ltmp1, $4  }
0x62: {  	[hbm:s9], [sflag:s7] =	dma.local [spmem:s13], $0x2800  }
0x63: {  	_ =	swait.ge [sflag:s14], $0x2800  }
0x64: {  	[sflag:s14] =	ssyncset.done $0x0  }
0x65: {  	[sflag:s14] =	ssyncadd.s32 $0xFFFFD800  }
0x66: {  	_ =	sfence.sel $0x180000  }
0x67: {  	[bflag:$0x0] =	sbarrier.arrive $0xFFFF  }
0x68: {  	p0 =	sne.s32 s1, $0x0;
	_ =	strace $0x9000004D  }
0x69: {  	s0 =	sadd.s32 @!p0 $0x100000, s0;
	[bflag:$0x2] =	sbarrier.arrive $0xFFFF  }
0x6a: {  	[sflag:s0] =	ssyncadd.tile.s32 @!p0 $0x1;
	_ =	shalt  }
.Lfunc_end2:
_tile_overlayer_lowered:
.L_overlay_start_2:
0x6b: {  	(tag) =	ssettag $0x2  }
0x6c: {  	s0 =	rddreg [dreg:$0x0];
	s2 =	stileid.u32  }
0x6d: {  	s1 =	rddreg [dreg:$0x1];
	p0 =	sne.s32 s2, $0x0  }
0x6e: {  	s3 =	rddreg [dreg:$0x2];
	[bflag:$0x3] =	sbarrier.arrive $0xFFFF;
	s2 =	simm.s32 @!p0 $0x1C07  }
0x6f: {  	[timem:s3], [sflag:s2] =	dma.local @!p0 [hbm:s0], s1  }
0x70: {  	s0 =	simm.s32 @!p0 $0x7  }
0x71: {  	_ =	swait.ge @!p0 [sflag:s0], s1  }
0x72: {  	s1 =	ssub.s32 @!p0 $0x0, s1;
	[sflag:s0] =	ssyncset.done @!p0 $0x0  }
0x73: {  	[sflag:s0] =	ssyncadd.s32 @!p0 s1  }
0x74: {  	[bflag:$0x3] =	sbarrier.arrive $0xFFFF  }
0x75: {  	_ =	shalt  }

// kernel: kernel.22.cloned.1.call-start
scs
__scs_entry_jumppad:
0x0: {  	(pc) =	sbr.rel $0x88, $3  }
0x1: {  	(tag) =	ssettag $0x0;
	lr =	simm.s32 $0x1  }
0x2: {  	[smem:$0x3F97] =	sst lr;
	_ =	strace $0xD0000000  }
0x3: {  	_ = 	snop  }
0x4: {  	_ = 	snop  }
0x5: {  	_ = 	snop  }
0x6: {  	_ = 	snop  }
0x7: {  	_ = 	snop  }
__scs_overlays_trampoline_lowered:
0x8: {  	[smem:$0x3FA6] =	sst s0  }
0x9: {  	[smem:$0x3FA7] =	sst s1  }
0xa: {  	[smem:$0x3FA8] =	sst s2  }
0xb: {  	[smem:$0x3FA9] =	sst s3  }
0xc: {  	[smem:$0x3FAA] =	sst s4  }
0xd: {  	[smem:$0x3FAB] =	sst s5  }
0xe: {  	[smem:$0x3FAC] =	sst s6  }
0xf: {  	[smem:$0x3FAD] =	sst s7  }
0x10: {  	[smem:$0x3FAE] =	sst s8  }
0x11: {  	[smem:$0x3FAF] =	sst s9;
	s0 =	simm.s32 @!p0 $0x0  }
0x12: {  	s1 =	sld [smem:$0x3F95];
	s0 =	simm.s32 @p0 $0x1  }
0x13: {  	[smem:$0x3FB0] =	sst s0;
	s0 =	simm.s32 @!p1 $0x0  }
0x14: {  	s2 =	sld [smem:$0x3F94];
	s0 =	simm.s32 @p1 $0x1  }
0x15: {  	[smem:$0x3FB1] =	sst s0;
	s0 =	simm.s32 @!p2 $0x0  }
0x16: {  	s3 =	sld [smem:$0x3FDB];
	s0 =	simm.s32 @p2 $0x1  }
0x17: {  	s4 =	simm.s32 $0x1BF5;
	[smem:$0x3FB3] =	sst s0  }
0x18: {  	s0 =	sld [smem:$0x3F96];
	_ =	swait.ge [sflag:s4], $0x0  }
0x19: {  	s7 =	sld [smem:$0x3F97]  }
0x1a: {  	s8 =	sadd.s32 $0xFFFFE003, lr  }
0x1b: {  	s9 =	sadd.s32 $0xFFFFFEF7, lr;
	s5 =	simm.s32 $0xFFFFFFFF;
	p2 =	slt.u32 s8, $0xFFFFF086  }
0x1c: {  	p1 =	slt.u32 s9, $0xF7A;
	s5 =	simm.s32 @!p2 $0x0  }
0x1d: {  	s5 =	simm.s32 @p1 $0x1;
	p0 =	seq.s32 s7, s2  }
0x1e: {  	s7 =	smul.u32 @!p0 $0xF7A, s2;
	p2 =	seq.s32 @!p0 s5, $0x0  }
0x1f: {  	s9 =	smul.u32 $0xF7A, s1;
	s8 =	simm.s32 @!p0 $0x1BF5;
	p2 =	por !p2, p0  }
0x20: {  	[sflag:s8] =	ssyncset.s32 @!p0 $0xFFFFF086;
	s6 =	sadd.s32 @!p0 s3, s7;
	s7 =	simm.s32 @!p0 $0x108  }
0x21: {  	s3 =	sadd.s32 s3, s9;
	s6 =	sadd.s32 @!p0 $0x88, s6;
	s7 =	simm.s32 @p2 $0x1082  }
0x22: {  	[simem:s7], [sflag:s8] =	dma.local @!p0 [hbm:s6], $0xF7A  }
0x23: {  	s9 =	sor.u32 $0xD0000000, s2;
	s6 =	simm.s32 $0x108;
	_ =	swait.ge @!p0 [sflag:s8], $0x0  }
0x24: {  	s3 =	sadd.s32 $0x88, s3;
	s6 =	simm.s32 @!p1 $0x1082;
	[sflag:s4] =	ssyncset.s32 $0xFFFFF086  }
0x25: {  	[simem:s6], [sflag:s4] =	dma.local [hbm:s3], $0xF7A  }
0x26: {  	[smem:$0x3F97] =	sst s1;
	(tag) =	ssettag s2;
	_ =	strace s9  }
0x27: {  	s1 =	sld [smem:$0x3FA7]  }
0x28: {  	s2 =	sld [smem:$0x3FA8]  }
0x29: {  	s4 =	sld [smem:$0x3FAA]  }
0x2a: {  	p0 =	seq.s32 s5, $0x0;
	s5 =	sld [smem:$0x3FAB]  }
0x2b: {  	s6 =	sld [smem:$0x3FAC]  }
0x2c: {  	s7 =	sld [smem:$0x3FAD]  }
0x2d: {  	s3 =	simm.s32 $0x108;
	s8 =	sld [smem:$0x3FAE]  }
0x2e: {  	s3 =	simm.s32 @!p0 $0x1082;
	s9 =	sld [smem:$0x3FAF]  }
0x2f: {  	lr =	sadd.s32 s0, s3;
	s0 =	sld [smem:$0x3FA6]  }
0x30: {  	s3 =	sld [smem:$0x3FA9]  }
0x31: {  	[smem:$0x3FB2] =	sst s10  }
0x32: {  	s10 =	sld [smem:$0x3FB0];
	_ =	sdelay $0x3  }
0x33: {  	p0 =	seq.s32 s10, $0x1;
	s10 =	sld [smem:$0x3FB2];
	_ =	sdelay $0x3  }
0x34: {  	[smem:$0x3FB2] =	sst s10  }
0x35: {  	s10 =	sld [smem:$0x3FB1];
	_ =	sdelay $0x3  }
0x36: {  	p1 =	seq.s32 s10, $0x1;
	s10 =	sld [smem:$0x3FB2];
	_ =	sdelay $0x3  }
0x37: {  	[smem:$0x3FB2] =	sst s10  }
0x38: {  	s10 =	sld [smem:$0x3FB3]  }
0x39: {  	_ = 	snop;
	(pc) =	sbr.ind lr, $3  }
0x3a: {  	_ = 	snop  }
0x3b: {  	_ = 	snop  }
0x3c: {  	p2 =	seq.s32 s10, $0x1;
	s10 =	sld [smem:$0x3FB2]  }
0x3d: {  	_ =	shalt  }
0x3e: {  	_ =	shalt  }
0x3f: {  	_ =	shalt  }
0x40: {  	_ =	shalt  }
0x41: {  	_ =	shalt  }
0x42: {  	_ =	shalt  }
0x43: {  	_ =	shalt  }
0x44: {  	_ =	shalt  }
0x45: {  	_ =	shalt  }
0x46: {  	_ =	shalt  }
0x47: {  	_ =	shalt  }
0x48: {  	_ =	shalt  }
0x49: {  	_ =	shalt  }
0x4a: {  	_ =	shalt  }
0x4b: {  	_ =	shalt  }
0x4c: {  	_ =	shalt  }
0x4d: {  	_ =	shalt  }
0x4e: {  	_ =	shalt  }
0x4f: {  	_ =	shalt  }
0x50: {  	_ =	shalt  }
0x51: {  	_ =	shalt  }
0x52: {  	_ =	shalt  }
0x53: {  	_ =	shalt  }
0x54: {  	_ =	shalt  }
0x55: {  	_ =	shalt  }
0x56: {  	_ =	shalt  }
0x57: {  	_ =	shalt  }
0x58: {  	_ =	shalt  }
0x59: {  	_ =	shalt  }
0x5a: {  	_ =	shalt  }
0x5b: {  	_ =	shalt  }
0x5c: {  	_ =	shalt  }
0x5d: {  	_ =	shalt  }
0x5e: {  	_ =	shalt  }
0x5f: {  	_ =	shalt  }
0x60: {  	_ =	shalt  }
0x61: {  	_ =	shalt  }
0x62: {  	_ =	shalt  }
0x63: {  	_ =	shalt  }
0x64: {  	_ =	shalt  }
0x65: {  	_ =	shalt  }
0x66: {  	_ =	shalt  }
0x67: {  	_ =	shalt  }
0x68: {  	_ =	shalt  }
0x69: {  	_ =	shalt  }
0x6a: {  	_ =	shalt  }
0x6b: {  	_ =	shalt  }
0x6c: {  	_ =	shalt  }
0x6d: {  	_ =	shalt  }
0x6e: {  	_ =	shalt  }
0x6f: {  	_ =	shalt  }
0x70: {  	_ =	shalt  }
0x71: {  	_ =	shalt  }
0x72: {  	_ =	shalt  }
0x73: {  	_ =	shalt  }
0x74: {  	_ =	shalt  }
0x75: {  	_ =	shalt  }
0x76: {  	_ =	shalt  }
0x77: {  	_ =	shalt  }
0x78: {  	_ =	shalt  }
0x79: {  	_ =	shalt  }
0x7a: {  	_ =	shalt  }
0x7b: {  	_ =	shalt  }
0x7c: {  	_ =	shalt  }
0x7d: {  	_ =	shalt  }
0x7e: {  	_ =	shalt  }
0x7f: {  	_ =	shalt  }
0x80: {  	_ =	shalt  }
0x81: {  	_ =	shalt  }
0x82: {  	_ =	shalt  }
0x83: {  	_ =	shalt  }
0x84: {  	_ =	shalt  }
0x85: {  	_ =	shalt  }
0x86: {  	_ =	shalt  }
0x87: {  	_ =	shalt  }
.Lfunc_end0:
.L_simem_size_0:
called_computation.3_lowered:
.L_overlay_start_0:
0x88: {  	s2 =	sld [smem:$0x3FD9]  }
0x89: {  	s3 =	sld [smem:$0x3FFE];
	_ =	sdelay $0x1  }
0x8a: {  	s1 =	srdreg.scid  }
0x8b: {  	s0 =	sand.u32 $0x1, s1  }
0x8c: {  	s17 =	sshll.u32 s0, $0xA;
	s2 =	sadd.s32 s3, s2  }
0x8d: {  	s2 =	sadd.s32 s2, s17  }
0x8e: {  	[smem:$0x3FBE] =	sst s2  }
0x8f: {  	_ = 	snop  }
0x90: {  	s2 =	sld [smem:$0x3FD0];
	(tm) =	ssettm $0x1  }
0x91: {  	s18 =	sld [smem:$0x3FFB];
	_ =	sdelay $0x3  }
0x92: {  	_ =	strace s18  }
0x93: {  	s3 =	sld [smem:$0x3FFC];
	_ =	sdelay $0x3  }
0x94: {  	_ =	strace s3  }
0x95: {  	s3 =	sld [smem:$0x3FFD];
	_ =	sdelay $0x3  }
0x96: {  	_ =	strace s3  }
0x97: {  	_ =	strace $0x8FFFFFFF  }
0x98: {  	s19 =	sld [smem:$0x3FDB];
	_ =	sdelay $0x1  }
0x99: {  	s4 =	simm.s32 $_scs_section_size  }
0x9a: {  	s5 =	simm.s32 $_size__tile_overlayer_lowered;
	s6 =	simm.s32 $_tile_overlayer_lowered  }
0x9b: {  	s22 =	simm.s32 $0x1BFF;
	s21 =	sshll.u32 s6, $0x1;
	s3 =	sadd.s32 s4, s19  }
0x9c: {  	s7 =	simm.s32 $0x0;
	s20 =	sshll.u32 s5, $0x1;
	s5 =	sadd.s32 s21, s3  }
0x9d: {  	[timem:s7], [sflag:s22] =	dma.local [hbm:s5], s20  }
0x9e: {  	_ =	swait.ge [sflag:s22], s20  }
0x9f: {  	s4 =	ssub.s32 $0x0, s20;
	[sflag:s22] =	ssyncset.done $0x0  }
0xa0: {  	[sflag:s22] =	ssyncadd.s32 s4;
	_ =	sdelay $0x1  }
0xa1: {  	s23 =	simm.s32 $0x1B8B  }
0xa2: {  	_ =	swait.ge [sflag:s23], $0x1  }
0xa3: {  	[sflag:s23] =	ssyncset.done $0x0  }
0xa4: {  	s25 =	simm.s32 $0x1B8E;
	s24 =	sld [smem:$0x3FFE];
	[sflag:s23] =	ssyncadd.s32 $0xFFFFFFFF  }
0xa5: {  	s26 =	simm.s32 $execute0_lowered;
	[smem:$0x3FD2] =	sst s25  }
0xa6: {  	s5 =	sshll.u32 s26, $0x1;
	_ =	strace $0x8000004F;
	[dreg:$0x1] =	wrdreg $0xFFFFFFFF  }
0xa7: {  	s28 =	simm.s32 $_size_execute0_lowered;
	s3 =	sadd.s32 s3, s5;
	[dreg:$0x0] =	wrdreg $0x0  }
0xa8: {  	s5 =	sshll.u32 s28, $0x1;
	[dreg:$0x2] =	wrdreg s3  }
0xa9: {  	[dreg:$0x3] =	wrdreg s5  }
0xaa: {  	[dreg:$0x4] =	wrdreg $0xC0  }
0xab: {  	_ =	task [dreg:s7], $0x5FFFF  }
0xac: {  	[dreg:$0x1] =	wrdreg $0xFFFFFFFF  }
0xad: {  	[dreg:$0x0] =	wrdreg $0x60  }
0xae: {  	[dreg:$0x2] =	wrdreg s24  }
0xaf: {  	[dreg:$0x3] =	wrdreg s2  }
0xb0: {  	[dreg:$0x4] =	wrdreg $0x0  }
0xb1: {  	[dreg:$0x5] =	wrdreg $0x9  }
0xb2: {  	_ =	task.clear_ibuf [dreg:s7], $0x6FFFF;
	_ =	strace $0x9000004F  }
0xb3: {  	s29 =	simm.s32 $0x9;
	_ =	strace $0x80000051  }
0xb4: {  	_ =	swait.ge [sflag:s29], $0x1  }
0xb5: {  	[sflag:s29] =	ssyncadd.s32 $0xFFFFFFFF  }
0xb6: {  	_ =	strace $0x90000051  }
0xb7: {  	_ =	sfence  }
0xb8: {  	s30 =	sld [smem:$0x0];
	_ =	sdelay $0x2  }
0xb9: {  	s31 =	sshll.u32 s1, $0xD;
	s1 =	sshrl.u32 s1, $0x2  }
0xba: {  	s3 =	sand.u32 $0x4000, s31;
	s1 =	sadd.s32 s1, s30  }
0xbb: {  	s0 =	sor.u32 s3, s0;
	s1 =	sshll.u32 s1, $0x11  }
0xbc: {  	s0 =	sor.u32 s1, s0  }
0xbd: {  	s0 =	sadd.s32 $0x8F2B, s0  }
0xbe: {  	[sflag:s0] =	ssyncadd.remote.s32 $0x1  }
0xbf: {  	_ =	sfence.sel $0xFFFF  }
0xc0: {  	[dreg:$0x0] =	wrdreg $0xFFFFFFFF;
	(pc) =	sbr.abs _section_cstart, $3  }
0xc1: {  	[dreg:$0x1] =	wrdreg $0xFFFFFFFF  }
0xc2: {  	_ =	task.clear_ibuf [dreg:s7], $0x2FFFF;
	_ =	strace $0x9FFFFFFF  }
0xc3: {  	(tm) =	ssettm $0x7FFFFFFF  }
tec
execute0_lowered:
.L_overlay_start_1:
0x0: {  	(tag) =	ssettag $0x1  }
0x1: {  	s5 =	rddreg [dreg:$0x0]  }
0x2: {  	s0 =	srdreg.scid;
	s6 =	rddreg [dreg:$0x1]  }
0x3: {  	s2 =	rddreg [dreg:$0x2];
	s3 =	simm.s32 $0x0;
	s1 =	stileid.u32  }
0x4: {  	s15 =	simm.s32 $0x1;
	s16 =	simm.s32 $0x80;
	s17 =	simm.s32 $0x14200  }
0x5: {  	s18 =	simm.s32 $0x3;
	s19 =	simm.s32 $0x14080;
	s20 =	simm.s32 $0x2  }
0x6: {  	s21 =	simm.s32 $0x18200;
	s22 =	simm.s32 $0x5;
	s23 =	simm.s32 $0x4  }
0x7: {  	s24 =	simm.s32 $0x14180;
	s25 =	simm.s32 $0x6;
	s9 =	smul.u32 $0x14000, s1  }
0x8: {  	s7 =	sand.u32 $0x1, s0;
	s0 =	rddreg [dreg:$0x3];
	s29 =	smul.u32 $0x1400, s1  }
0x9: {  	s26 =	simm.s32 $0x0;
	[smem:$0x7FF] =	sst s3;
	s12 =	smul.u32 $0x50000, s1  }
0xa: {  	s31 =	sshll.u32 s1, $0x6;
	s8 =	smul.u32 $0x140000, s7;
	s7 =	ssub.s32 $0x2, s7  }
0xb: {  	_ =	strace $0x80000050;
	s11 =	sshrl.u32 s7, $0x1;
	s30 =	sshrl.u32 s12, $0x2  }
0xc: {  	s12 =	simm.s32 $0x14100;
	s4 =	sshrl.u32 s8, $0x3;
	s8 =	sadd.s32 s9, s8  }
0xd: {  	s11 =	ssub.s32 s7, s11;
	s14 =	sadd.s32 s30, s2;
	s7 =	sor.u32 $0x1C07, s31  }
0xe: {  	s10 =	sadd.s32 s4, s5;
	s4 =	sadd.s32 $0x2C200, s5;
	s8 =	sshrl.u32 s8, $0x3  }
0xf: {  	s13 =	sadd.s32 s8, s5;
	s5 =	sadd.s32 s6, s29;
	s8 =	sadd.s32 $0x2EA00, s10  }
0x10: {  	s10 =	smax.u32 s11, $0x1;
	s11 =	simm.s32 $0x14000;
	s6 =	sadd.s32 $0x20, s5  }
0x11: {  	s9 =	sadd.s32 $0x7EA00, s13;
	s13 =	sshrl.u32 s14, $0x3;
	s14 =	simm.s32 $0x7  }
.LBB2_1:
0x12: {  	[tilespmem:s11], [sflag:$0x1] =	stream.linear.gather [hbm4b:s5+s3], $0x100, $0x38;
	[tilespmem:$0x1C200] =	vst v63  }
0x13: {  	_ = 	snop  }
0x14: {  	[tilespmem:s12], [sflag:$0x2] =	stream.linear.gather [hbm4b:s6+s3], $0x100, $0x38;
	[tilespmem:$0x1C200] =	vst v63  }
0x15: {  	[spmem:s13], [sflag:s7] =	dma.local [hbm:s4], $0x2800  }
0x16: {  	_ =	swait.ge [sflag:s14], $0x2800  }
0x17: {  	[sflag:s14] =	ssyncset.done $0x0  }
0x18: {  	[sflag:s14] =	ssyncadd.s32 $0xFFFFD800  }
0x19: {  	_ =	swait.ge [sflag:s15], $0x100  }
0x1a: {  	[sflag:s15] =	ssyncset.done $0x0  }
0x1b: {  	[sflag:s15] =	ssyncadd.s32 $0xFFFFFF00  }
0x1c: {  	[tilespmem:s17], [sflag:$0x3] =	stream.indirect.gather [hbm4b:s8+s16], $0x80, s11, s16, $0xb8;
	[tilespmem:$0x1C200] =	vst v63  }
0x1d: {  	[bflag:$0x0] =	sbarrier.arrive $0xFFFF  }
0x1e: {  	_ =	swait.ge [sflag:s18], $0x4000  }
0x1f: {  	[sflag:s18] =	ssyncset.done $0x0  }
0x20: {  	[sflag:s18] =	ssyncadd.s32 $0xFFFFC000  }
0x21: {  	[spmem:s2] =	stream.indirect.scatter.add.f32 [tilespmem:s17], [sflag:$0x5], $0x80, s19, s16, $0xb8;
	[tilespmem:$0x1C200] =	vst v63  }
0x22: {  	_ =	swait.ge [sflag:s20], $0x100  }
0x23: {  	[sflag:s20] =	ssyncset.done $0x0  }
0x24: {  	[sflag:s20] =	ssyncadd.s32 $0xFFFFFF00  }
0x25: {  	[tilespmem:s21], [sflag:$0x4] =	stream.indirect.gather [hbm4b:s8+s16], $0x80, s12, s16, $0xb8;
	[tilespmem:$0x1C200] =	vst v63  }
0x26: {  	_ =	swait.ge [sflag:s22], $0x4000  }
0x27: {  	s29 =	sadd.s32 $0xFFFFEC40, s5;
	[sflag:s22] =	ssyncset.done $0x0  }
0x28: {  	s28 =	sadd.s32 $0x1400, s29;
	[sflag:s22] =	ssyncadd.s32 $0xFFFFC000  }
0x29: {  	[tilespmem:s11], [sflag:$0x1] =	stream.linear.gather [hbm4b:s28+s3], $0x100, $0x38;
	[tilespmem:$0x1C200] =	vst v63  }
0x2a: {  	_ =	swait.ge [sflag:s23], $0x4000  }
0x2b: {  	[sflag:s23] =	ssyncset.done $0x0  }
0x2c: {  	[sflag:s23] =	ssyncadd.s32 $0xFFFFC000  }
0x2d: {  	[spmem:s2] =	stream.indirect.scatter.add.f32 [tilespmem:s21], [sflag:$0x6], $0x80, s24, s16, $0xb8;
	[tilespmem:$0x1C200] =	vst v63  }
0x2e: {  	_ =	swait.ge [sflag:s15], $0x100  }
0x2f: {  	[sflag:s15] =	ssyncset.done $0x0  }
0x30: {  	[sflag:s15] =	ssyncadd.s32 $0xFFFFFF00  }
0x31: {  	[tilespmem:s17], [sflag:$0x3] =	stream.indirect.gather [hbm4b:s8+s16], $0x80, s11, s16, $0xb8;
	[tilespmem:$0x1C200] =	vst v63  }
0x32: {  	_ =	swait.ge [sflag:s25], $0x4000  }
0x33: {  	[sflag:s25] =	ssyncset.done $0x0  }
0x34: {  	s29 =	sadd.s32 $0x1420, s29;
	s28 =	simm.s32 $0xFFFFEC80;
	[sflag:s25] =	ssyncadd.s32 $0xFFFFC000  }
.LBB2_2:
0x35: {  	[tilespmem:s12], [sflag:$0x2] =	stream.linear.gather [hbm4b:s29+s3], $0x100, $0x38;
	[tilespmem:$0x1C200] =	vst v63  }
0x36: {  	s29 =	smov.u32 s28  }
0x37: {  	p0 =	sne.s32 s28, $0xFFFFFFC0;
	s28 =	sadd.s32 $0x40, s28;
	_ =	swait.ge [sflag:s18], $0x4000  }
0x38: {  	[sflag:s18] =	ssyncset.done $0x0  }
0x39: {  	[sflag:s18] =	ssyncadd.s32 $0xFFFFC000  }
0x3a: {  	[spmem:s2] =	stream.indirect.scatter.add.f32 [tilespmem:s17], [sflag:$0x5], $0x80, s19, s16, $0xb8;
	[tilespmem:$0x1C200] =	vst v63  }
0x3b: {  	_ =	swait.ge [sflag:s20], $0x100  }
0x3c: {  	[sflag:s20] =	ssyncset.done $0x0  }
0x3d: {  	[sflag:s20] =	ssyncadd.s32 $0xFFFFFF00  }
0x3e: {  	[tilespmem:s21], [sflag:$0x4] =	stream.indirect.gather [hbm4b:s8+s16], $0x80, s12, s16, $0xb8;
	[tilespmem:$0x1C200] =	vst v63  }
0x3f: {  	_ =	swait.ge [sflag:s22], $0x4000  }
0x40: {  	s29 =	sadd.s32 s29, s5;
	[sflag:s22] =	ssyncset.done $0x0  }
0x41: {  	s30 =	sadd.s32 $0x1400, s29;
	[sflag:s22] =	ssyncadd.s32 $0xFFFFC000  }
0x42: {  	[tilespmem:s11], [sflag:$0x1] =	stream.linear.gather [hbm4b:s30+s3], $0x100, $0x38;
	[tilespmem:$0x1C200] =	vst v63  }
0x43: {  	_ =	swait.ge [sflag:s23], $0x4000  }
0x44: {  	[sflag:s23] =	ssyncset.done $0x0  }
0x45: {  	[sflag:s23] =	ssyncadd.s32 $0xFFFFC000  }
0x46: {  	[spmem:s2] =	stream.indirect.scatter.add.f32 [tilespmem:s21], [sflag:$0x6], $0x80, s24, s16, $0xb8;
	[tilespmem:$0x1C200] =	vst v63  }
0x47: {  	_ =	swait.ge [sflag:s15], $0x100  }
0x48: {  	[sflag:s15] =	ssyncset.done $0x0  }
.Ltmp0:
0x49: {  	[sflag:s15] =	ssyncadd.s32 $0xFFFFFF00;
	(pc) =	sbr.rel @p0 .LBB2_2-.Ltmp0, $4  }
0x4a: {  	[tilespmem:s17], [sflag:$0x3] =	stream.indirect.gather [hbm4b:s8+s16], $0x80, s11, s16, $0xb8;
	[tilespmem:$0x1C200] =	vst v63  }
0x4b: {  	_ =	swait.ge [sflag:s25], $0x4000  }
0x4c: {  	[sflag:s25] =	ssyncset.done $0x0  }
0x4d: {  	s29 =	sadd.s32 $0x1420, s29;
	[sflag:s25] =	ssyncadd.s32 $0xFFFFC000  }
0x4e: {  	[tilespmem:s12], [sflag:$0x2] =	stream.linear.gather [hbm4b:s29+s3], $0x100, $0x38;
	[tilespmem:$0x1C200] =	vst v63  }
0x4f: {  	_ =	swait.ge [sflag:s18], $0x4000  }
0x50: {  	[sflag:s18] =	ssyncset.done $0x0  }
0x51: {  	[sflag:s18] =	ssyncadd.s32 $0xFFFFC000  }
0x52: {  	[spmem:s2] =	stream.indirect.scatter.add.f32 [tilespmem:s17], [sflag:$0x5], $0x80, s19, s16, $0xb8;
	[tilespmem:$0x1C200] =	vst v63  }
0x53: {  	_ =	swait.ge [sflag:s20], $0x100  }
0x54: {  	[sflag:s20] =	ssyncset.done $0x0  }
0x55: {  	[sflag:s20] =	ssyncadd.s32 $0xFFFFFF00  }
0x56: {  	[tilespmem:s21], [sflag:$0x4] =	stream.indirect.gather [hbm4b:s8+s16], $0x80, s12, s16, $0xb8;
	[tilespmem:$0x1C200] =	vst v63  }
0x57: {  	_ =	swait.ge [sflag:s22], $0x4000  }
0x58: {  	[sflag:s22] =	ssyncset.done $0x0  }
0x59: {  	[sflag:s22] =	ssyncadd.s32 $0xFFFFC000  }
0x5a: {  	_ =	swait.ge [sflag:s23], $0x4000  }
0x5b: {  	[sflag:s23] =	ssyncset.done $0x0  }
0x5c: {  	[sflag:s23] =	ssyncadd.s32 $0xFFFFC000  }
0x5d: {  	[spmem:s2] =	stream.indirect.scatter.add.f32 [tilespmem:s21], [sflag:$0x6], $0x80, s24, s16, $0xb8;
	[tilespmem:$0x1C200] =	vst v63  }
0x5e: {  	_ =	swait.ge [sflag:s25], $0x4000  }
0x5f: {  	s26 =	sadd.s32 $0x1, s26;
	[sflag:s25] =	ssyncset.done $0x0  }
0x60: {  	p0 =	sne.s32 s26, s10;
	[sflag:s25] =	ssyncadd.s32 $0xFFFFC000  }
.Ltmp1:
0x61: {  	[bflag:$0x0] =	sbarrier.arrive $0xFFFF;
	(pc) =	sbr.rel @p0 .LBB2_1-.Ltmp1, $4  }
0x62: {  	[hbm:s9], [sflag:s7] =	dma.local [spmem:s13], $0x2800  }
0x63: {  	_ =	swait.ge [sflag:s14], $0x2800  }
0x64: {  	[sflag:s14] =	ssyncset.done $0x0  }
0x65: {  	[sflag:s14] =	ssyncadd.s32 $0xFFFFD800  }
0x66: {  	_ =	sfence.sel $0x180000  }
0x67: {  	[bflag:$0x0] =	sbarrier.arrive $0xFFFF  }
0x68: {  	p0 =	sne.s32 s1, $0x0;
	_ =	strace $0x90000050  }
0x69: {  	s0 =	sadd.s32 @!p0 $0x100000, s0;
	[bflag:$0x2] =	sbarrier.arrive $0xFFFF  }
0x6a: {  	[sflag:s0] =	ssyncadd.tile.s32 @!p0 $0x1;
	_ =	shalt  }
.Lfunc_end2:
_tile_overlayer_lowered:
.L_overlay_start_2:
0x6b: {  	(tag) =	ssettag $0x2  }
0x6c: {  	s0 =	rddreg [dreg:$0x0];
	s2 =	stileid.u32  }
0x6d: {  	s1 =	rddreg [dreg:$0x1];
	p0 =	sne.s32 s2, $0x0  }
0x6e: {  	s3 =	rddreg [dreg:$0x2];
	[bflag:$0x3] =	sbarrier.arrive $0xFFFF;
	s2 =	simm.s32 @!p0 $0x1C07  }
0x6f: {  	[timem:s3], [sflag:s2] =	dma.local @!p0 [hbm:s0], s1  }
0x70: {  	s0 =	simm.s32 @!p0 $0x7  }
0x71: {  	_ =	swait.ge @!p0 [sflag:s0], s1  }
0x72: {  	s1 =	ssub.s32 @!p0 $0x0, s1;
	[sflag:s0] =	ssyncset.done @!p0 $0x0  }
0x73: {  	[sflag:s0] =	ssyncadd.s32 @!p0 s1  }
0x74: {  	[bflag:$0x3] =	sbarrier.arrive $0xFFFF  }
0x75: {  	_ =	shalt  }

// kernel: kernel.25.cloned.1.call-start
scs
__scs_entry_jumppad:
0x0: {  	(pc) =	sbr.rel $0x88, $3  }
0x1: {  	(tag) =	ssettag $0x0;
	lr =	simm.s32 $0x1  }
0x2: {  	[smem:$0x3F97] =	sst lr;
	_ =	strace $0xD0000000  }
0x3: {  	_ = 	snop  }
0x4: {  	_ = 	snop  }
0x5: {  	_ = 	snop  }
0x6: {  	_ = 	snop  }
0x7: {  	_ = 	snop  }
__scs_overlays_trampoline_lowered:
0x8: {  	[smem:$0x3FA6] =	sst s0  }
0x9: {  	[smem:$0x3FA7] =	sst s1  }
0xa: {  	[smem:$0x3FA8] =	sst s2  }
0xb: {  	[smem:$0x3FA9] =	sst s3  }
0xc: {  	[smem:$0x3FAA] =	sst s4  }
0xd: {  	[smem:$0x3FAB] =	sst s5  }
0xe: {  	[smem:$0x3FAC] =	sst s6  }
0xf: {  	[smem:$0x3FAD] =	sst s7  }
0x10: {  	[smem:$0x3FAE] =	sst s8  }
0x11: {  	[smem:$0x3FAF] =	sst s9;
	s0 =	simm.s32 @!p0 $0x0  }
0x12: {  	s1 =	sld [smem:$0x3F95];
	s0 =	simm.s32 @p0 $0x1  }
0x13: {  	[smem:$0x3FB0] =	sst s0;
	s0 =	simm.s32 @!p1 $0x0  }
0x14: {  	s2 =	sld [smem:$0x3F94];
	s0 =	simm.s32 @p1 $0x1  }
0x15: {  	[smem:$0x3FB1] =	sst s0;
	s0 =	simm.s32 @!p2 $0x0  }
0x16: {  	s3 =	sld [smem:$0x3FDB];
	s0 =	simm.s32 @p2 $0x1  }
0x17: {  	s4 =	simm.s32 $0x1BF5;
	[smem:$0x3FB3] =	sst s0  }
0x18: {  	s0 =	sld [smem:$0x3F96];
	_ =	swait.ge [sflag:s4], $0x0  }
0x19: {  	s7 =	sld [smem:$0x3F97]  }
0x1a: {  	s8 =	sadd.s32 $0xFFFFE003, lr  }
0x1b: {  	s9 =	sadd.s32 $0xFFFFFEF7, lr;
	s5 =	simm.s32 $0xFFFFFFFF;
	p2 =	slt.u32 s8, $0xFFFFF086  }
0x1c: {  	p1 =	slt.u32 s9, $0xF7A;
	s5 =	simm.s32 @!p2 $0x0  }
0x1d: {  	s5 =	simm.s32 @p1 $0x1;
	p0 =	seq.s32 s7, s2  }
0x1e: {  	s7 =	smul.u32 @!p0 $0xF7A, s2;
	p2 =	seq.s32 @!p0 s5, $0x0  }
0x1f: {  	s9 =	smul.u32 $0xF7A, s1;
	s8 =	simm.s32 @!p0 $0x1BF5;
	p2 =	por !p2, p0  }
0x20: {  	[sflag:s8] =	ssyncset.s32 @!p0 $0xFFFFF086;
	s6 =	sadd.s32 @!p0 s3, s7;
	s7 =	simm.s32 @!p0 $0x108  }
0x21: {  	s3 =	sadd.s32 s3, s9;
	s6 =	sadd.s32 @!p0 $0x88, s6;
	s7 =	simm.s32 @p2 $0x1082  }
0x22: {  	[simem:s7], [sflag:s8] =	dma.local @!p0 [hbm:s6], $0xF7A  }
0x23: {  	s9 =	sor.u32 $0xD0000000, s2;
	s6 =	simm.s32 $0x108;
	_ =	swait.ge @!p0 [sflag:s8], $0x0  }
0x24: {  	s3 =	sadd.s32 $0x88, s3;
	s6 =	simm.s32 @!p1 $0x1082;
	[sflag:s4] =	ssyncset.s32 $0xFFFFF086  }
0x25: {  	[simem:s6], [sflag:s4] =	dma.local [hbm:s3], $0xF7A  }
0x26: {  	[smem:$0x3F97] =	sst s1;
	(tag) =	ssettag s2;
	_ =	strace s9  }
0x27: {  	s1 =	sld [smem:$0x3FA7]  }
0x28: {  	s2 =	sld [smem:$0x3FA8]  }
0x29: {  	s4 =	sld [smem:$0x3FAA]  }
0x2a: {  	p0 =	seq.s32 s5, $0x0;
	s5 =	sld [smem:$0x3FAB]  }
0x2b: {  	s6 =	sld [smem:$0x3FAC]  }
0x2c: {  	s7 =	sld [smem:$0x3FAD]  }
0x2d: {  	s3 =	simm.s32 $0x108;
	s8 =	sld [smem:$0x3FAE]  }
0x2e: {  	s3 =	simm.s32 @!p0 $0x1082;
	s9 =	sld [smem:$0x3FAF]  }
0x2f: {  	lr =	sadd.s32 s0, s3;
	s0 =	sld [smem:$0x3FA6]  }
0x30: {  	s3 =	sld [smem:$0x3FA9]  }
0x31: {  	[smem:$0x3FB2] =	sst s10  }
0x32: {  	s10 =	sld [smem:$0x3FB0];
	_ =	sdelay $0x3  }
0x33: {  	p0 =	seq.s32 s10, $0x1;
	s10 =	sld [smem:$0x3FB2];
	_ =	sdelay $0x3  }
0x34: {  	[smem:$0x3FB2] =	sst s10  }
0x35: {  	s10 =	sld [smem:$0x3FB1];
	_ =	sdelay $0x3  }
0x36: {  	p1 =	seq.s32 s10, $0x1;
	s10 =	sld [smem:$0x3FB2];
	_ =	sdelay $0x3  }
0x37: {  	[smem:$0x3FB2] =	sst s10  }
0x38: {  	s10 =	sld [smem:$0x3FB3]  }
0x39: {  	_ = 	snop;
	(pc) =	sbr.ind lr, $3  }
0x3a: {  	_ = 	snop  }
0x3b: {  	_ = 	snop  }
0x3c: {  	p2 =	seq.s32 s10, $0x1;
	s10 =	sld [smem:$0x3FB2]  }
0x3d: {  	_ =	shalt  }
0x3e: {  	_ =	shalt  }
0x3f: {  	_ =	shalt  }
0x40: {  	_ =	shalt  }
0x41: {  	_ =	shalt  }
0x42: {  	_ =	shalt  }
0x43: {  	_ =	shalt  }
0x44: {  	_ =	shalt  }
0x45: {  	_ =	shalt  }
0x46: {  	_ =	shalt  }
0x47: {  	_ =	shalt  }
0x48: {  	_ =	shalt  }
0x49: {  	_ =	shalt  }
0x4a: {  	_ =	shalt  }
0x4b: {  	_ =	shalt  }
0x4c: {  	_ =	shalt  }
0x4d: {  	_ =	shalt  }
0x4e: {  	_ =	shalt  }
0x4f: {  	_ =	shalt  }
0x50: {  	_ =	shalt  }
0x51: {  	_ =	shalt  }
0x52: {  	_ =	shalt  }
0x53: {  	_ =	shalt  }
0x54: {  	_ =	shalt  }
0x55: {  	_ =	shalt  }
0x56: {  	_ =	shalt  }
0x57: {  	_ =	shalt  }
0x58: {  	_ =	shalt  }
0x59: {  	_ =	shalt  }
0x5a: {  	_ =	shalt  }
0x5b: {  	_ =	shalt  }
0x5c: {  	_ =	shalt  }
0x5d: {  	_ =	shalt  }
0x5e: {  	_ =	shalt  }
0x5f: {  	_ =	shalt  }
0x60: {  	_ =	shalt  }
0x61: {  	_ =	shalt  }
0x62: {  	_ =	shalt  }
0x63: {  	_ =	shalt  }
0x64: {  	_ =	shalt  }
0x65: {  	_ =	shalt  }
0x66: {  	_ =	shalt  }
0x67: {  	_ =	shalt  }
0x68: {  	_ =	shalt  }
0x69: {  	_ =	shalt  }
0x6a: {  	_ =	shalt  }
0x6b: {  	_ =	shalt  }
0x6c: {  	_ =	shalt  }
0x6d: {  	_ =	shalt  }
0x6e: {  	_ =	shalt  }
0x6f: {  	_ =	shalt  }
0x70: {  	_ =	shalt  }
0x71: {  	_ =	shalt  }
0x72: {  	_ =	shalt  }
0x73: {  	_ =	shalt  }
0x74: {  	_ =	shalt  }
0x75: {  	_ =	shalt  }
0x76: {  	_ =	shalt  }
0x77: {  	_ =	shalt  }
0x78: {  	_ =	shalt  }
0x79: {  	_ =	shalt  }
0x7a: {  	_ =	shalt  }
0x7b: {  	_ =	shalt  }
0x7c: {  	_ =	shalt  }
0x7d: {  	_ =	shalt  }
0x7e: {  	_ =	shalt  }
0x7f: {  	_ =	shalt  }
0x80: {  	_ =	shalt  }
0x81: {  	_ =	shalt  }
0x82: {  	_ =	shalt  }
0x83: {  	_ =	shalt  }
0x84: {  	_ =	shalt  }
0x85: {  	_ =	shalt  }
0x86: {  	_ =	shalt  }
0x87: {  	_ =	shalt  }
.Lfunc_end0:
.L_simem_size_0:
called_computation.4_lowered:
.L_overlay_start_0:
0x88: {  	s2 =	sld [smem:$0x3FD9]  }
0x89: {  	s3 =	sld [smem:$0x3FFE];
	_ =	sdelay $0x1  }
0x8a: {  	s1 =	srdreg.scid  }
0x8b: {  	s0 =	sand.u32 $0x1, s1  }
0x8c: {  	s17 =	sshll.u32 s0, $0xA;
	s2 =	sadd.s32 s3, s2  }
0x8d: {  	s2 =	sadd.s32 s2, s17  }
0x8e: {  	[smem:$0x3FBE] =	sst s2  }
0x8f: {  	_ = 	snop  }
0x90: {  	s2 =	sld [smem:$0x3FD0];
	(tm) =	ssettm $0x1  }
0x91: {  	s18 =	sld [smem:$0x3FFB];
	_ =	sdelay $0x3  }
0x92: {  	_ =	strace s18  }
0x93: {  	s3 =	sld [smem:$0x3FFC];
	_ =	sdelay $0x3  }
0x94: {  	_ =	strace s3  }
0x95: {  	s3 =	sld [smem:$0x3FFD];
	_ =	sdelay $0x3  }
0x96: {  	_ =	strace s3  }
0x97: {  	_ =	strace $0x8FFFFFFF  }
0x98: {  	s19 =	sld [smem:$0x3FDB];
	_ =	sdelay $0x1  }
0x99: {  	s4 =	simm.s32 $_scs_section_size  }
0x9a: {  	s5 =	simm.s32 $_size__tile_overlayer_lowered;
	s6 =	simm.s32 $_tile_overlayer_lowered  }
0x9b: {  	s22 =	simm.s32 $0x1BFF;
	s21 =	sshll.u32 s6, $0x1;
	s3 =	sadd.s32 s4, s19  }
0x9c: {  	s7 =	simm.s32 $0x0;
	s20 =	sshll.u32 s5, $0x1;
	s5 =	sadd.s32 s21, s3  }
0x9d: {  	[timem:s7], [sflag:s22] =	dma.local [hbm:s5], s20  }
0x9e: {  	_ =	swait.ge [sflag:s22], s20  }
0x9f: {  	s4 =	ssub.s32 $0x0, s20;
	[sflag:s22] =	ssyncset.done $0x0  }
0xa0: {  	[sflag:s22] =	ssyncadd.s32 s4;
	_ =	sdelay $0x1  }
0xa1: {  	s23 =	simm.s32 $0x1B8B  }
0xa2: {  	_ =	swait.ge [sflag:s23], $0x1  }
0xa3: {  	[sflag:s23] =	ssyncset.done $0x0  }
0xa4: {  	s25 =	simm.s32 $0x1B8E;
	s24 =	sld [smem:$0x3FFE];
	[sflag:s23] =	ssyncadd.s32 $0xFFFFFFFF  }
0xa5: {  	s26 =	simm.s32 $execute0_lowered;
	[smem:$0x3FD2] =	sst s25  }
0xa6: {  	s5 =	sshll.u32 s26, $0x1;
	_ =	strace $0x80000052;
	[dreg:$0x1] =	wrdreg $0xFFFFFFFF  }
0xa7: {  	s28 =	simm.s32 $_size_execute0_lowered;
	s3 =	sadd.s32 s3, s5;
	[dreg:$0x0] =	wrdreg $0x0  }
0xa8: {  	s5 =	sshll.u32 s28, $0x1;
	[dreg:$0x2] =	wrdreg s3  }
0xa9: {  	[dreg:$0x3] =	wrdreg s5  }
0xaa: {  	[dreg:$0x4] =	wrdreg $0xC0  }
0xab: {  	_ =	task [dreg:s7], $0x5FFFF  }
0xac: {  	[dreg:$0x1] =	wrdreg $0xFFFFFFFF  }
0xad: {  	[dreg:$0x0] =	wrdreg $0x60  }
0xae: {  	[dreg:$0x2] =	wrdreg s24  }
0xaf: {  	[dreg:$0x3] =	wrdreg s2  }
0xb0: {  	[dreg:$0x4] =	wrdreg $0x0  }
0xb1: {  	[dreg:$0x5] =	wrdreg $0x9  }
0xb2: {  	_ =	task.clear_ibuf [dreg:s7], $0x6FFFF;
	_ =	strace $0x90000052  }
0xb3: {  	s29 =	simm.s32 $0x9;
	_ =	strace $0x80000054  }
0xb4: {  	_ =	swait.ge [sflag:s29], $0x1  }
0xb5: {  	[sflag:s29] =	ssyncadd.s32 $0xFFFFFFFF  }
0xb6: {  	_ =	strace $0x90000054  }
0xb7: {  	_ =	sfence  }
0xb8: {  	s30 =	sld [smem:$0x0];
	_ =	sdelay $0x2  }
0xb9: {  	s31 =	sshll.u32 s1, $0xD;
	s1 =	sshrl.u32 s1, $0x2  }
0xba: {  	s3 =	sand.u32 $0x4000, s31;
	s1 =	sadd.s32 s1, s30  }
0xbb: {  	s0 =	sor.u32 s3, s0;
	s1 =	sshll.u32 s1, $0x11  }
0xbc: {  	s0 =	sor.u32 s1, s0  }
0xbd: {  	s0 =	sadd.s32 $0x8F2B, s0  }
0xbe: {  	[sflag:s0] =	ssyncadd.remote.s32 $0x1  }
0xbf: {  	_ =	sfence.sel $0xFFFF  }
0xc0: {  	[dreg:$0x0] =	wrdreg $0xFFFFFFFF;
	(pc) =	sbr.abs _section_cstart, $3  }
0xc1: {  	[dreg:$0x1] =	wrdreg $0xFFFFFFFF  }
0xc2: {  	_ =	task.clear_ibuf [dreg:s7], $0x2FFFF;
	_ =	strace $0x9FFFFFFF  }
0xc3: {  	(tm) =	ssettm $0x7FFFFFFF  }
tec
execute0_lowered:
.L_overlay_start_1:
0x0: {  	(tag) =	ssettag $0x1  }
0x1: {  	s7 =	rddreg [dreg:$0x0]  }
0x2: {  	s11 =	rddreg [dreg:$0x1]  }
0x3: {  	s2 =	rddreg [dreg:$0x2]  }
0x4: {  	s3 =	srdreg.scid;
	s1 =	stileid.u32;
	s16 =	simm.s32 $0x7  }
0x5: {  	s17 =	simm.s32 $0x1;
	s18 =	simm.s32 $0x80;
	s19 =	simm.s32 $0x14200  }
0x6: {  	s20 =	simm.s32 $0x3;
	s21 =	simm.s32 $0x14080;
	s9 =	smul.u32 $0x14000, s1  }
0x7: {  	s28 =	simm.s32 $0x6;
	s29 =	simm.s32 $0x0;
	s22 =	smul.u32 $0x50000, s1  }
0x8: {  	s8 =	sand.u32 $0x1, s3;
	s3 =	simm.s32 $0x0;
	s14 =	smul.u32 $0xA0, s1  }
0x9: {  	s4 =	sshll.u32 s1, $0x1;
	s25 =	sshll.u32 s1, $0x6;
	s6 =	smul.u32 $0x140000, s8  }
0xa: {  	[smem:$0x7FF] =	sst s3;
	s5 =	sor.u32 s8, s4;
	s4 =	sadd.s32 $0x4200, s7  }
0xb: {  	s13 =	ssub.s32 $0x2, s8;
	s8 =	smul.u32 $0x50, s8;
	_ =	strace $0x80000053  }
0xc: {  	s10 =	smul.u32 $0xA00, s5;
	s5 =	sadd.s32 $0x2C200, s7;
	s15 =	sshrl.u32 s13, $0x1  }
0xd: {  	s6 =	sadd.s32 s9, s6;
	s24 =	ssub.s32 s13, s15;
	s9 =	sshrl.u32 s22, $0x2  }
0xe: {  	s14 =	sadd.s32 s8, s14;
	s8 =	sor.u32 $0x1C07, s25;
	s13 =	simm.s32 $0x14000  }
0xf: {  	s22 =	simm.s32 $0x2;
	s25 =	simm.s32 $0x4;
	s12 =	sshrl.u32 s6, $0x3  }
0x10: {  	s6 =	sadd.s32 s11, s10;
	s26 =	sadd.s32 s9, s2;
	s30 =	sshll.u32 s14, $0x5  }
0x11: {  	s10 =	smax.u32 s24, $0x1;
	s14 =	simm.s32 $0x14100;
	s24 =	simm.s32 $0x5  }
0x12: {  	s23 =	sadd.s32 s12, s7;
	s7 =	sadd.s32 $0x20, s6;
	s31 =	sadd.s32 s30, s11  }
0x13: {  	s15 =	sshrl.u32 s26, $0x3;
	s26 =	simm.s32 $0x14180;
	s9 =	sadd.s32 $0x2EA00, s23  }
0x14: {  	s11 =	sadd.s32 $0x60, s31;
	s12 =	sadd.s32 $0x40, s31;
	s23 =	simm.s32 $0x18200  }
.LBB2_1:
0x15: {  	[tilespmem:s13], [sflag:$0x1] =	stream.linear.gather [hbm4b:s6+s3], $0x100, $0x38;
	[tilespmem:$0x1C200] =	vst v63  }
0x16: {  	_ = 	snop  }
0x17: {  	[tilespmem:s14], [sflag:$0x2] =	stream.linear.gather [hbm4b:s7+s3], $0x100, $0x38;
	[tilespmem:$0x1C200] =	vst v63  }
0x18: {  	[spmem:s15], [sflag:s8] =	dma.local [hbm:s5], $0x2800  }
0x19: {  	_ =	swait.ge [sflag:s16], $0x2800  }
0x1a: {  	[sflag:s16] =	ssyncset.done $0x0  }
0x1b: {  	[sflag:s16] =	ssyncadd.s32 $0xFFFFD800  }
0x1c: {  	_ =	swait.ge [sflag:s17], $0x100  }
0x1d: {  	[sflag:s17] =	ssyncset.done $0x0  }
0x1e: {  	[sflag:s17] =	ssyncadd.s32 $0xFFFFFF00  }
0x1f: {  	[tilespmem:s19], [sflag:$0x3] =	stream.indirect.gather [hbm4b:s4+s18], $0x80, s13, s18, $0xb8;
	[tilespmem:$0x1C200] =	vst v63  }
0x20: {  	[bflag:$0x0] =	sbarrier.arrive $0xFFFF  }
0x21: {  	_ =	swait.ge [sflag:s20], $0x4000  }
0x22: {  	[sflag:s20] =	ssyncset.done $0x0  }
0x23: {  	[sflag:s20] =	ssyncadd.s32 $0xFFFFC000  }
0x24: {  	[spmem:s2] =	stream.indirect.scatter.add.f32 [tilespmem:s19], [sflag:$0x5], $0x80, s21, s18, $0xb8;
	[tilespmem:$0x1C200] =	vst v63  }
0x25: {  	_ =	swait.ge [sflag:s22], $0x100  }
0x26: {  	[sflag:s22] =	ssyncset.done $0x0  }
0x27: {  	[sflag:s22] =	ssyncadd.s32 $0xFFFFFF00  }
0x28: {  	[tilespmem:s23], [sflag:$0x4] =	stream.indirect.gather [hbm4b:s4+s18], $0x80, s14, s18, $0xb8;
	[tilespmem:$0x1C200] =	vst v63  }
0x29: {  	_ =	swait.ge [sflag:s24], $0x4000  }
0x2a: {  	[sflag:s24] =	ssyncset.done $0x0  }
0x2b: {  	s30 =	sadd.s32 $0x0, s12;
	[sflag:s24] =	ssyncadd.s32 $0xFFFFC000  }
0x2c: {  	[tilespmem:s13], [sflag:$0x1] =	stream.linear.gather [hbm4b:s30+s3], $0x100, $0x38;
	[tilespmem:$0x1C200] =	vst v63  }
0x2d: {  	_ =	swait.ge [sflag:s25], $0x4000  }
0x2e: {  	[sflag:s25] =	ssyncset.done $0x0  }
0x2f: {  	[sflag:s25] =	ssyncadd.s32 $0xFFFFC000  }
0x30: {  	[spmem:s2] =	stream.indirect.scatter.add.f32 [tilespmem:s23], [sflag:$0x6], $0x80, s26, s18, $0xb8;
	[tilespmem:$0x1C200] =	vst v63  }
0x31: {  	_ =	swait.ge [sflag:s17], $0x100  }
0x32: {  	[sflag:s17] =	ssyncset.done $0x0  }
0x33: {  	[sflag:s17] =	ssyncadd.s32 $0xFFFFFF00  }
0x34: {  	[tilespmem:s19], [sflag:$0x3] =	stream.indirect.gather [hbm4b:s4+s18], $0x80, s13, s18, $0xb8;
	[tilespmem:$0x1C200] =	vst v63  }
0x35: {  	_ =	swait.ge [sflag:s28], $0x4000  }
0x36: {  	[sflag:s28] =	ssyncset.done $0x0  }
0x37: {  	s31 =	sadd.s32 $0x0, s11;
	s30 =	simm.s32 $0x40;
	[sflag:s28] =	ssyncadd.s32 $0xFFFFC000  }
.LBB2_2:
0x38: {  	[tilespmem:s14], [sflag:$0x2] =	stream.linear.gather [hbm4b:s31+s3], $0x100, $0x38;
	[tilespmem:$0x1C200] =	vst v63  }
0x39: {  	s31 =	smov.u32 s30  }
0x3a: {  	p0 =	sne.s32 s30, $0x980;
	s30 =	sadd.s32 $0x40, s30;
	_ =	swait.ge [sflag:s20], $0x4000  }
0x3b: {  	[sflag:s20] =	ssyncset.done $0x0  }
0x3c: {  	[sflag:s20] =	ssyncadd.s32 $0xFFFFC000  }
0x3d: {  	[spmem:s2] =	stream.indirect.scatter.add.f32 [tilespmem:s19], [sflag:$0x5], $0x80, s21, s18, $0xb8;
	[tilespmem:$0x1C200] =	vst v63  }
0x3e: {  	_ =	swait.ge [sflag:s22], $0x100  }
0x3f: {  	[sflag:s22] =	ssyncset.done $0x0  }
0x40: {  	[sflag:s22] =	ssyncadd.s32 $0xFFFFFF00  }
0x41: {  	[tilespmem:s23], [sflag:$0x4] =	stream.indirect.gather [hbm4b:s4+s18], $0x80, s14, s18, $0xb8;
	[tilespmem:$0x1C200] =	vst v63  }
0x42: {  	_ =	swait.ge [sflag:s24], $0x4000  }
0x43: {  	[sflag:s24] =	ssyncset.done $0x0  }
0x44: {  	s0 =	sadd.s32 s31, s12;
	[sflag:s24] =	ssyncadd.s32 $0xFFFFC000  }
0x45: {  	[tilespmem:s13], [sflag:$0x1] =	stream.linear.gather [hbm4b:s0+s3], $0x100, $0x38;
	[tilespmem:$0x1C200] =	vst v63  }
0x46: {  	_ =	swait.ge [sflag:s25], $0x4000  }
0x47: {  	[sflag:s25] =	ssyncset.done $0x0  }
0x48: {  	[sflag:s25] =	ssyncadd.s32 $0xFFFFC000  }
0x49: {  	[spmem:s2] =	stream.indirect.scatter.add.f32 [tilespmem:s23], [sflag:$0x6], $0x80, s26, s18, $0xb8;
	[tilespmem:$0x1C200] =	vst v63  }
0x4a: {  	_ =	swait.ge [sflag:s17], $0x100  }
0x4b: {  	[sflag:s17] =	ssyncset.done $0x0  }
.Ltmp0:
0x4c: {  	[sflag:s17] =	ssyncadd.s32 $0xFFFFFF00;
	(pc) =	sbr.rel @p0 .LBB2_2-.Ltmp0, $4  }
0x4d: {  	[tilespmem:s19], [sflag:$0x3] =	stream.indirect.gather [hbm4b:s4+s18], $0x80, s13, s18, $0xb8;
	[tilespmem:$0x1C200] =	vst v63  }
0x4e: {  	_ =	swait.ge [sflag:s28], $0x4000  }
0x4f: {  	[sflag:s28] =	ssyncset.done $0x0  }
0x50: {  	s31 =	sadd.s32 s31, s11;
	[sflag:s28] =	ssyncadd.s32 $0xFFFFC000  }
0x51: {  	[tilespmem:s14], [sflag:$0x2] =	stream.linear.gather [hbm4b:s31+s3], $0x100, $0x38;
	[tilespmem:$0x1C200] =	vst v63  }
0x52: {  	_ =	swait.ge [sflag:s20], $0x4000  }
0x53: {  	[sflag:s20] =	ssyncset.done $0x0  }
0x54: {  	[sflag:s20] =	ssyncadd.s32 $0xFFFFC000  }
0x55: {  	[spmem:s2] =	stream.indirect.scatter.add.f32 [tilespmem:s19], [sflag:$0x5], $0x80, s21, s18, $0xb8;
	[tilespmem:$0x1C200] =	vst v63  }
0x56: {  	_ =	swait.ge [sflag:s22], $0x100  }
0x57: {  	[sflag:s22] =	ssyncset.done $0x0  }
0x58: {  	[sflag:s22] =	ssyncadd.s32 $0xFFFFFF00  }
0x59: {  	[tilespmem:s23], [sflag:$0x4] =	stream.indirect.gather [hbm4b:s4+s18], $0x80, s14, s18, $0xb8;
	[tilespmem:$0x1C200] =	vst v63  }
0x5a: {  	_ =	swait.ge [sflag:s24], $0x4000  }
0x5b: {  	[sflag:s24] =	ssyncset.done $0x0  }
0x5c: {  	[sflag:s24] =	ssyncadd.s32 $0xFFFFC000  }
0x5d: {  	_ =	swait.ge [sflag:s25], $0x4000  }
0x5e: {  	[sflag:s25] =	ssyncset.done $0x0  }
0x5f: {  	[sflag:s25] =	ssyncadd.s32 $0xFFFFC000  }
0x60: {  	[spmem:s2] =	stream.indirect.scatter.add.f32 [tilespmem:s23], [sflag:$0x6], $0x80, s26, s18, $0xb8;
	[tilespmem:$0x1C200] =	vst v63  }
0x61: {  	_ =	swait.ge [sflag:s28], $0x4000  }
0x62: {  	s29 =	sadd.s32 $0x1, s29;
	[sflag:s28] =	ssyncset.done $0x0  }
0x63: {  	p0 =	sne.s32 s29, s10;
	[sflag:s28] =	ssyncadd.s32 $0xFFFFC000  }
.Ltmp1:
0x64: {  	[bflag:$0x0] =	sbarrier.arrive $0xFFFF;
	(pc) =	sbr.rel @p0 .LBB2_1-.Ltmp1, $4  }
0x65: {  	[hbm:s9], [sflag:s8] =	dma.local [spmem:s15], $0x2800  }
0x66: {  	_ =	swait.ge [sflag:s16], $0x2800  }
0x67: {  	[sflag:s16] =	ssyncset.done $0x0  }
0x68: {  	[sflag:s16] =	ssyncadd.s32 $0xFFFFD800  }
0x69: {  	_ =	sfence.sel $0x180000  }
0x6a: {  	[bflag:$0x0] =	sbarrier.arrive $0xFFFF  }
0x6b: {  	_ =	strace $0x90000053  }
0x6c: {  	[bflag:$0x2] =	sbarrier.arrive $0xFFFF  }
0x6d: {  	p0 =	sne.s32 s1, $0x0;
	s0 =	rddreg [dreg:$0x3]  }
0x6e: {  	s0 =	sadd.s32 @!p0 $0x100000, s0  }
0x6f: {  	[sflag:s0] =	ssyncadd.tile.s32 @!p0 $0x1;
	_ =	shalt  }
.Lfunc_end2:
_tile_overlayer_lowered:
.L_overlay_start_2:
0x70: {  	(tag) =	ssettag $0x2  }
0x71: {  	s0 =	rddreg [dreg:$0x0];
	s2 =	stileid.u32  }
0x72: {  	s1 =	rddreg [dreg:$0x1];
	p0 =	sne.s32 s2, $0x0  }
0x73: {  	s3 =	rddreg [dreg:$0x2];
	[bflag:$0x3] =	sbarrier.arrive $0xFFFF;
	s2 =	simm.s32 @!p0 $0x1C07  }
0x74: {  	[timem:s3], [sflag:s2] =	dma.local @!p0 [hbm:s0], s1  }
0x75: {  	s0 =	simm.s32 @!p0 $0x7  }
0x76: {  	_ =	swait.ge @!p0 [sflag:s0], s1  }
0x77: {  	s1 =	ssub.s32 @!p0 $0x0, s1;
	[sflag:s0] =	ssyncset.done @!p0 $0x0  }
0x78: {  	[sflag:s0] =	ssyncadd.s32 @!p0 s1  }
0x79: {  	[bflag:$0x3] =	sbarrier.arrive $0xFFFF  }
0x7a: {  	_ =	shalt  }

</sc_bundles>
